<compile_context>
chip_gen: v7x
topology: tpu7x:2x2x1
jax: 0.10.2.dev20260603
libtpu: 0.0.44.dev20260713+nightly
codegen_flags: <defaults>
</compile_context>

<pallas_src>
import functools

import jax
import jax.numpy as jnp
from jax import lax
from jax.experimental import pallas as pl
from jax.experimental.pallas import tpu as pltpu
from jax.experimental.pallas import tpu_sc as plsc

_N = 10000
_E = 320000
_F_IN = 128
_H1 = 8
_C1 = 8
_NCLS = 32

_NB = 1000
_NC = 2
_NS = 16
_NW = _NC * _NS
_K = 80
_LANES = 16
_NBUF = 4


def _prep1_body(x_ref, w1_ref, s1_ref, d1_ref, e8_ref, g_ref, a_ref, i_ref):
    h = jnp.dot(x_ref[...], w1_ref[...], preferred_element_type=jnp.float32)
    a_s = jnp.dot(h, s1_ref[...], preferred_element_type=jnp.float32)
    a_d = jnp.dot(h, d1_ref[...], preferred_element_type=jnp.float32)
    z8 = jnp.zeros((_NB, 8), jnp.float32)
    g_ref[...] = jnp.concatenate([a_s, h], axis=1)
    a_ref[...] = jnp.concatenate([a_d, z8], axis=1)
    sm = a_s + a_d
    w = jnp.exp(jnp.where(sm > 0, sm, 0.2 * sm))
    wh = jnp.dot(w, e8_ref[...], preferred_element_type=jnp.float32) * h
    i_ref[...] = jnp.concatenate(
        [0.5 * w, 0.5 * wh, jnp.zeros((_NB, 56), jnp.float32)], axis=1)


def _prep1(x, W1, S1, D1, E8):
    grid = _N // _NB
    return pl.pallas_call(
        _prep1_body,
        grid=(grid,),
        in_specs=[
            pl.BlockSpec((_NB, _F_IN), lambda i: (i, 0)),
            pl.BlockSpec((_F_IN, _H1 * _C1), lambda i: (0, 0)),
            pl.BlockSpec((_H1 * _C1, _H1), lambda i: (0, 0)),
            pl.BlockSpec((_H1 * _C1, _H1), lambda i: (0, 0)),
            pl.BlockSpec((_H1, _H1 * _C1), lambda i: (0, 0)),
        ],
        out_specs=[
            pl.BlockSpec((_NB, 72), lambda i: (i, 0)),
            pl.BlockSpec((_NB, 16), lambda i: (i, 0)),
            pl.BlockSpec((_NB, 128), lambda i: (i, 0)),
        ],
        out_shape=[
            jax.ShapeDtypeStruct((_N, 72), jnp.float32),
            jax.ShapeDtypeStruct((_N, 16), jnp.float32),
            jax.ShapeDtypeStruct((_N, 128), jnp.float32),
        ],
    )(x, W1, S1, D1, E8)


def _edge_pass(src3, dst3, G, A, I, R, nh, bcast):
    n = G.shape[0]
    nch = src3.shape[1]
    r_off = 624
    r_sz = n - r_off * (_NS - 1)
    assert r_off % 8 == 0 and r_sz % 8 == 0 and r_sz >= r_off
    mesh = plsc.VectorSubcoreMesh(core_axis_name="c", subcore_axis_name="s")

    @functools.partial(
        pl.kernel,
        out_type=jax.ShapeDtypeStruct((_NC, n, 128), jnp.float32),
        mesh=mesh,
        compiler_params=pltpu.CompilerParams(
            needs_layout_passes=False, use_tc_tiling_on_sc=False),
        scratch_types=[
            pltpu.VMEM((nch, _K), jnp.int32),
            pltpu.VMEM((nch, _K), jnp.int32),
            pltpu.VMEM((_NBUF, _K, R), jnp.float32),
            pltpu.VMEM((_NBUF, _K, 16), jnp.float32),
            pltpu.VMEM((_NBUF, _K, R), jnp.float32),
            pltpu.VMEM((_K * _LANES,), jnp.float32),
            pltpu.VMEM_SHARED((n, R), jnp.float32),
            pltpu.SemaphoreType.DMA((_NBUF,)),
            pltpu.SemaphoreType.DMA((_NBUF,)),
            pltpu.SemaphoreType.DMA((_NBUF,)),
        ],
    )
    def ek(src_hbm, dst_hbm, g_hbm, a_hbm, i_hbm, out_hbm,
           sidx, didx, grows, arows, mrows, wbuf, acc,
           semg, semr, semd):
        c = lax.axis_index("c")
        s = lax.axis_index("s")
        wid = s * _NC + c
        pltpu.sync_copy(i_hbm.at[pl.ds(s * r_off, r_sz), pl.ds(0, R)],
                        acc.at[pl.ds(s * r_off, r_sz)])
        pltpu.sync_copy(src_hbm.at[wid], sidx)
        pltpu.sync_copy(dst_hbm.at[wid], didx)
        plsc.subcore_barrier()
        iota = lax.iota(jnp.int32, _LANES)

        def issue_gather(i, b):
            pltpu.async_copy(g_hbm.at[sidx.at[i]], grows.at[b], semg.at[b])
            pltpu.async_copy(a_hbm.at[didx.at[i]], arows.at[b], semr.at[b])

        for p in range(_NBUF - 1):
            issue_gather(p, p)

        def chunk(i, carry):
            b = lax.rem(i, _NBUF)

            @pl.when(i + _NBUF - 1 < nch)
            def _():
                issue_gather(i + _NBUF - 1, lax.rem(i + _NBUF - 1, _NBUF))

            pltpu.make_async_copy(
                g_hbm.at[sidx.at[i]], grows.at[b], semg.at[b]).wait()
            pltpu.make_async_copy(
                a_hbm.at[didx.at[i]], arows.at[b], semr.at[b]).wait()

            @pl.when(i >= _NBUF)
            def _():
                pltpu.make_async_copy(
                    mrows.at[b], acc.at[didx.at[i]], semd.at[b]).wait()

            @plsc.parallel_loop(0, _K, unroll=8)
            def edge(e):
                va = grows[b, e, pl.ds(0, 16)]
                vd = arows[b, e, pl.ds(0, 16)]
                sm = va + vd
                w = jnp.exp(jnp.maximum(sm, 0.2 * sm))
                mrows[b, e, pl.ds(0, 16)] = w
                wbuf[pl.ds(e * _LANES, _LANES)] = w
                ebase = jnp.full((_LANES,), e * _LANES, jnp.int32)
                for j in range(nh):
                    if bcast:
                        col = ebase
                    else:
                        col = ebase + (iota >> 3) + (2 * j)
                    wj = plsc.load_gather(wbuf, [col])
                    hj = grows[b, e, pl.ds(8 + 16 * j, 16)]
                    mrows[b, e, pl.ds(8 + 16 * j, 16)] = hj * wj

            pltpu.async_copy(mrows.at[b], acc.at[didx.at[i]],
                             semd.at[b], add=True)
            return carry

        lax.fori_loop(0, nch, chunk, 0)
        for p in range(_NBUF):
            pltpu.make_async_copy(mrows.at[p], acc.at[didx.at[p]],
                                  semd.at[p]).wait()
        plsc.subcore_barrier()
        pltpu.sync_copy(acc.at[pl.ds(s * r_off, r_sz)],
                        out_hbm.at[c, pl.ds(s * r_off, r_sz), pl.ds(0, R)])

    return ek(src3, dst3, G, A, I)


def _mid_body(acc_ref, b1_ref, w2_ref, s2_ref, d2_ref, e8_ref,
              g_ref, a_ref, i_ref):
    At = acc_ref[0, :, 0:72] + acc_ref[1, :, 0:72]
    den = jnp.dot(At[:, 0:8], e8_ref[...],
                  preferred_element_type=jnp.float32) + 1e-16
    h2 = At[:, 8:72] / den + b1_ref[...]
    h2 = jnp.where(h2 > 0, h2, jnp.exp(jnp.minimum(h2, 0.0)) - 1.0)
    z = jnp.dot(h2, w2_ref[...], preferred_element_type=jnp.float32)
    as2 = jnp.dot(z, s2_ref[...], preferred_element_type=jnp.float32)
    ad2 = jnp.dot(z, d2_ref[...], preferred_element_type=jnp.float32)
    sm = as2 + ad2
    w = jnp.exp(jnp.where(sm > 0, sm, 0.2 * sm))
    z7 = jnp.zeros((_NB, 7), jnp.float32)
    z15 = jnp.zeros((_NB, 15), jnp.float32)
    z88 = jnp.zeros((_NB, 88), jnp.float32)
    g_ref[...] = jnp.concatenate([as2, z7, z], axis=1)
    a_ref[...] = jnp.concatenate([ad2, z15], axis=1)
    i_ref[...] = jnp.concatenate([0.5 * w, z7, (0.5 * w) * z, z88], axis=1)


def _mid(Acc1, b1, W2, S2T, D2T, E8):
    grid = _N // _NB
    return pl.pallas_call(
        _mid_body,
        grid=(grid,),
        in_specs=[
            pl.BlockSpec((2, _NB, 128), lambda i: (0, i, 0)),
            pl.BlockSpec((1, _H1 * _C1), lambda i: (0, 0)),
            pl.BlockSpec((_H1 * _C1, _NCLS), lambda i: (0, 0)),
            pl.BlockSpec((_NCLS, 1), lambda i: (0, 0)),
            pl.BlockSpec((_NCLS, 1), lambda i: (0, 0)),
            pl.BlockSpec((_H1, _H1 * _C1), lambda i: (0, 0)),
        ],
        out_specs=[
            pl.BlockSpec((_NB, 40), lambda i: (i, 0)),
            pl.BlockSpec((_NB, 16), lambda i: (i, 0)),
            pl.BlockSpec((_NB, 128), lambda i: (i, 0)),
        ],
        out_shape=[
            jax.ShapeDtypeStruct((_N, 40), jnp.float32),
            jax.ShapeDtypeStruct((_N, 16), jnp.float32),
            jax.ShapeDtypeStruct((_N, 128), jnp.float32),
        ],
    )(Acc1, b1, W2, S2T, D2T, E8)


def _fin_body(acc_ref, b2_ref, o_ref):
    At = acc_ref[0, :, 0:40] + acc_ref[1, :, 0:40]
    den = At[:, 0:1] + 1e-16
    logits = At[:, 8:40] / den + b2_ref[...]
    m = jnp.max(logits, axis=1, keepdims=True)
    lse = m + jnp.log(jnp.sum(jnp.exp(logits - m), axis=1, keepdims=True))
    o_ref[...] = logits - lse


def _fin(Acc2, b2):
    grid = _N // _NB
    return pl.pallas_call(
        _fin_body,
        grid=(grid,),
        in_specs=[
            pl.BlockSpec((2, _NB, 128), lambda i: (0, i, 0)),
            pl.BlockSpec((1, _NCLS), lambda i: (0, 0)),
        ],
        out_specs=pl.BlockSpec((_NB, _NCLS), lambda i: (i, 0)),
        out_shape=jax.ShapeDtypeStruct((_N, _NCLS), jnp.float32),
    )(Acc2, b2)


def kernel(x, edge_index, W1, att_src1, att_dst1, b1, W2, att_src2, att_dst2, b2):
    nch = _E // _NW // _K
    src = edge_index[0].reshape(_NW, nch, _K)
    dst = edge_index[1].reshape(_NW, nch, _K)
    eye8 = jnp.eye(_H1, dtype=jnp.float32)
    S1 = (att_src1[:, :, None] * eye8[:, None, :]).reshape(_H1 * _C1, _H1)
    D1 = (att_dst1[:, :, None] * eye8[:, None, :]).reshape(_H1 * _C1, _H1)
    E8 = jnp.repeat(eye8, _C1, axis=1)
    G1, A1, I1 = _prep1(x, W1, S1, D1, E8)
    Acc1 = _edge_pass(src, dst, G1, A1, I1, 72, 4, False)
    G2, A2, I2 = _mid(Acc1, b1.reshape(1, -1), W2,
                      att_src2.reshape(-1, 1), att_dst2.reshape(-1, 1), E8)
    Acc2 = _edge_pass(src, dst, G2, A2, I2, 40, 2, True)
    return _fin(Acc2, b2.reshape(1, -1))

# --- scband reference (transcript-rebuilt; emitter-appended) ---
"""Pipeline reference for scband-gatnet-7876970020894 (READ-ONLY COPY).

The authoritative reference and input builder live on the scoring server;
editing this copy changes nothing except your own understanding.
"""

import jax, jax.numpy as jnp
import numpy as np

N = 10000
E = 320000
F_IN = 128
H1 = 8
C1 = 8
NUM_CLASSES = 32


def gat_conv(x, edge_index, W, att_src, att_dst, bias, heads, out_ch, negative_slope=0.2):
    n = x.shape[0]
    loop = jnp.arange(n, dtype=edge_index.dtype)
    src = jnp.concatenate([edge_index[0], loop])
    dst = jnp.concatenate([edge_index[1], loop])
    h = (x @ W).reshape(n, heads, out_ch)
    alpha_src = (h * att_src).sum(-1)  # [n, H]
    alpha_dst = (h * att_dst).sum(-1)  # [n, H]
    alpha = alpha_src[src] + alpha_dst[dst]  # [E', H]
    alpha = jax.nn.leaky_relu(alpha, negative_slope)
    amax = jax.ops.segment_max(alpha, dst, num_segments=n)
    amax = jnp.where(jnp.isfinite(amax), amax, 0.0)
    alpha = jnp.exp(alpha - amax[dst])
    denom = jax.ops.segment_sum(alpha, dst, num_segments=n)
    alpha = alpha / (denom[dst] + 1e-16)
    msg = h[src] * alpha[:, :, None]
    out = jax.ops.segment_sum(msg, dst, num_segments=n)  # [n, H, C]
    out = out.reshape(n, heads * out_ch) + bias
    return out


def setup_inputs(seed: int = 0):
    key = jax.random.key(seed)
    ks = jax.random.split(key, 12)
    x = jax.random.normal(ks[0], (N, F_IN), dtype=jnp.float32)
    edge_index = jax.random.randint(ks[1], (2, E), 0, N, dtype=jnp.int32)
    s1 = 1.0 / np.sqrt(F_IN)
    W1 = jax.random.normal(ks[2], (F_IN, H1 * C1), dtype=jnp.float32) * s1
    att_src1 = jax.random.normal(ks[3], (H1, C1), dtype=jnp.float32) * (1.0 / np.sqrt(C1))
    att_dst1 = jax.random.normal(ks[4], (H1, C1), dtype=jnp.float32) * (1.0 / np.sqrt(C1))
    b1 = jnp.zeros((H1 * C1,), dtype=jnp.float32)
    s2 = 1.0 / np.sqrt(H1 * C1)
    W2 = jax.random.normal(ks[5], (H1 * C1, 1 * NUM_CLASSES), dtype=jnp.float32) * s2
    att_src2 = jax.random.normal(ks[6], (1, NUM_CLASSES), dtype=jnp.float32) * (1.0 / np.sqrt(NUM_CLASSES))
    att_dst2 = jax.random.normal(ks[7], (1, NUM_CLASSES), dtype=jnp.float32) * (1.0 / np.sqrt(NUM_CLASSES))
    b2 = jnp.zeros((NUM_CLASSES,), dtype=jnp.float32)
    return {"x": x, "edge_index": edge_index, "W1": W1, "att_src1": att_src1, "att_dst1": att_dst1, "b1": b1, "W2": W2, "att_src2": att_src2, "att_dst2": att_dst2, "b2": b2}


def reference(x, edge_index, W1, att_src1, att_dst1, b1, W2, att_src2, att_dst2, b2):
    # eval mode: dropout layers are identity
    h = gat_conv(x, edge_index, W1, att_src1, att_dst1, b1, H1, C1)
    h = jax.nn.elu(h)
    h = gat_conv(h, edge_index, W2, att_src2, att_dst2, b2, 1, NUM_CLASSES)
    return jax.nn.log_softmax(h, axis=1)

if __name__ == "__main__":
    import jax
    _d = setup_inputs()
    print(jax.jit(kernel)(*tuple(_d.values())))

</pallas_src>

<mosaic_0001>
#map = affine_map<(d0, d1) -> (0, 0, 0)>
#map1 = affine_map<(d0, d1) -> (0, 0)>
module attributes {stable_mosaic.version = 14 : i64} {
  func.func @ek(%arg0: i32, %arg1: i32, %arg2: memref<32x125x80xi32, #tpu.memory_space<hbm>>, %arg3: memref<32x125x80xi32, #tpu.memory_space<hbm>>, %arg4: memref<10000x40xf32, #tpu.memory_space<hbm>>, %arg5: memref<10000x16xf32, #tpu.memory_space<hbm>>, %arg6: memref<10000x128xf32, #tpu.memory_space<hbm>>, %arg7: memref<2x10000x128xf32, #tpu.memory_space<hbm>>, %arg8: memref<125x80xi32, #tpu.memory_space<vmem>>, %arg9: memref<125x80xi32, #tpu.memory_space<vmem>>, %arg10: memref<4x80x40xf32, #tpu.memory_space<vmem>>, %arg11: memref<4x80x16xf32, #tpu.memory_space<vmem>>, %arg12: memref<4x80x40xf32, #tpu.memory_space<vmem>>, %arg13: memref<1280xf32, #tpu.memory_space<vmem>>, %arg14: memref<10000x40xf32, #tpu.memory_space<vmem_shared>>, %arg15: memref<4x!tpu.dma_semaphore, #tpu.memory_space<semaphore_mem>>, %arg16: memref<4x!tpu.dma_semaphore, #tpu.memory_space<semaphore_mem>>, %arg17: memref<4x!tpu.dma_semaphore, #tpu.memory_space<semaphore_mem>>) attributes {dimension_semantics = [#tpu.dimension_semantics<core_parallel>, #tpu.dimension_semantics<subcore_parallel>], iteration_bounds = array<i64: 2, 16>, scalar_prefetch = 0 : i64, scratch_operands = 10 : i64, tpu.core_type = #tpu.core_type<sc_vector_subcore>, window_params = [{transform_indices = #map}, {transform_indices = #map}, {transform_indices = #map1}, {transform_indices = #map1}, {transform_indices = #map1}, {transform_indices = #map}]} {
    %mul3A = arith.constant 2 : i32
    %mul3A_0 = arith.muli %arg1, %mul3A : i32
    %add3A = arith.addi %mul3A_0, %arg0 : i32
    %mul3A_1 = arith.constant 624 : i32
    %mul3A_2 = arith.muli %arg1, %mul3A_1 : i32
    %mul3A_3 = arith.constant 624 : i32
    %mul3A_4 = arith.muli %arg1, %mul3A_3 : i32
    "tpu.region"() ({
      %run_scoped3A = tpu.sem_alloc : memref<!tpu.dma_semaphore, #tpu.memory_space<semaphore_mem>>
      %dma_start3A_163 = arith.constant 0 : i32
      %dma_start3A_164 = tpu.memref_slice %arg14[%mul3A_4, %dma_start3A_163] : memref<10000x40xf32, #tpu.memory_space<vmem_shared>> -> memref<640x40xf32, #tpu.memory_space<vmem_shared>>
      %dma_start3A_165 = arith.constant 0 : i32
      %dma_start3A_166 = tpu.memref_slice %arg6[%mul3A_2, %dma_start3A_165] : memref<10000x128xf32, #tpu.memory_space<hbm>> -> memref<640x40xf32, #tpu.memory_space<hbm>>
      tpu.enqueue_dma source(%dma_start3A_166 : memref<640x40xf32, #tpu.memory_space<hbm>>) target(%dma_start3A_164 : memref<640x40xf32, #tpu.memory_space<vmem_shared>>) target_semaphore(%run_scoped3A : memref<!tpu.dma_semaphore, #tpu.memory_space<semaphore_mem>>)
      %dma_wait3A_167 = arith.constant 0 : i32
      %dma_wait3A_168 = tpu.memref_slice %arg14[%mul3A_4, %dma_wait3A_167] : memref<10000x40xf32, #tpu.memory_space<vmem_shared>> -> memref<640x40xf32, #tpu.memory_space<vmem_shared>>
      %dma_wait3A_169 = arith.constant 0 : i32
      %dma_wait3A_170 = tpu.memref_slice %arg6[%mul3A_2, %dma_wait3A_169] : memref<10000x128xf32, #tpu.memory_space<hbm>> -> memref<640x40xf32, #tpu.memory_space<hbm>>
      tpu.wait_dma2 semaphore(%run_scoped3A : memref<!tpu.dma_semaphore, #tpu.memory_space<semaphore_mem>>) src(%dma_wait3A_170 : memref<640x40xf32, #tpu.memory_space<hbm>>) dst(%dma_wait3A_168 : memref<640x40xf32, #tpu.memory_space<vmem_shared>>)
      tpu.yield
    }) : () -> ()
    "tpu.region"() ({
      %run_scoped3A = tpu.sem_alloc : memref<!tpu.dma_semaphore, #tpu.memory_space<semaphore_mem>>
      %dma_start3A_163 = arith.constant 0 : i32
      %dma_start3A_164 = arith.constant 0 : i32
      %dma_start3A_165 = tpu.memref_slice %arg2[%add3A, %dma_start3A_163, %dma_start3A_164] : memref<32x125x80xi32, #tpu.memory_space<hbm>> -> memref<1x125x80xi32, #tpu.memory_space<hbm>>
      %dma_start3A_166 = tpu.memref_squeeze %dma_start3A_165 : memref<1x125x80xi32, #tpu.memory_space<hbm>> -> memref<125x80xi32, #tpu.memory_space<hbm>>
      %dma_start3A_167 = arith.constant 0 : i32
      %dma_start3A_168 = arith.constant 0 : i32
      %dma_start3A_169 = tpu.memref_slice %arg2[%add3A, %dma_start3A_167, %dma_start3A_168] : memref<32x125x80xi32, #tpu.memory_space<hbm>> -> memref<1x125x80xi32, #tpu.memory_space<hbm>>
      %dma_start3A_170 = tpu.memref_squeeze %dma_start3A_169 : memref<1x125x80xi32, #tpu.memory_space<hbm>> -> memref<125x80xi32, #tpu.memory_space<hbm>>
      tpu.enqueue_dma source(%dma_start3A_170 : memref<125x80xi32, #tpu.memory_space<hbm>>) target(%arg8 : memref<125x80xi32, #tpu.memory_space<vmem>>) target_semaphore(%run_scoped3A : memref<!tpu.dma_semaphore, #tpu.memory_space<semaphore_mem>>)
      %dma_wait3A_171 = arith.constant 0 : i32
      %dma_wait3A_172 = arith.constant 0 : i32
      %dma_wait3A_173 = tpu.memref_slice %arg2[%add3A, %dma_wait3A_171, %dma_wait3A_172] : memref<32x125x80xi32, #tpu.memory_space<hbm>> -> memref<1x125x80xi32, #tpu.memory_space<hbm>>
      %dma_wait3A_174 = tpu.memref_squeeze %dma_wait3A_173 : memref<1x125x80xi32, #tpu.memory_space<hbm>> -> memref<125x80xi32, #tpu.memory_space<hbm>>
      %dma_wait3A_175 = arith.constant 0 : i32
      %dma_wait3A_176 = arith.constant 0 : i32
      %dma_wait3A_177 = tpu.memref_slice %arg2[%add3A, %dma_wait3A_175, %dma_wait3A_176] : memref<32x125x80xi32, #tpu.memory_space<hbm>> -> memref<1x125x80xi32, #tpu.memory_space<hbm>>
      %dma_wait3A_178 = tpu.memref_squeeze %dma_wait3A_177 : memref<1x125x80xi32, #tpu.memory_space<hbm>> -> memref<125x80xi32, #tpu.memory_space<hbm>>
      tpu.wait_dma2 semaphore(%run_scoped3A : memref<!tpu.dma_semaphore, #tpu.memory_space<semaphore_mem>>) src(%dma_wait3A_178 : memref<125x80xi32, #tpu.memory_space<hbm>>) dst(%arg8 : memref<125x80xi32, #tpu.memory_space<vmem>>)
      tpu.yield
    }) : () -> ()
    "tpu.region"() ({
      %run_scoped3A = tpu.sem_alloc : memref<!tpu.dma_semaphore, #tpu.memory_space<semaphore_mem>>
      %dma_start3A_163 = arith.constant 0 : i32
      %dma_start3A_164 = arith.constant 0 : i32
      %dma_start3A_165 = tpu.memref_slice %arg3[%add3A, %dma_start3A_163, %dma_start3A_164] : memref<32x125x80xi32, #tpu.memory_space<hbm>> -> memref<1x125x80xi32, #tpu.memory_space<hbm>>
      %dma_start3A_166 = tpu.memref_squeeze %dma_start3A_165 : memref<1x125x80xi32, #tpu.memory_space<hbm>> -> memref<125x80xi32, #tpu.memory_space<hbm>>
      %dma_start3A_167 = arith.constant 0 : i32
      %dma_start3A_168 = arith.constant 0 : i32
      %dma_start3A_169 = tpu.memref_slice %arg3[%add3A, %dma_start3A_167, %dma_start3A_168] : memref<32x125x80xi32, #tpu.memory_space<hbm>> -> memref<1x125x80xi32, #tpu.memory_space<hbm>>
      %dma_start3A_170 = tpu.memref_squeeze %dma_start3A_169 : memref<1x125x80xi32, #tpu.memory_space<hbm>> -> memref<125x80xi32, #tpu.memory_space<hbm>>
      tpu.enqueue_dma source(%dma_start3A_170 : memref<125x80xi32, #tpu.memory_space<hbm>>) target(%arg9 : memref<125x80xi32, #tpu.memory_space<vmem>>) target_semaphore(%run_scoped3A : memref<!tpu.dma_semaphore, #tpu.memory_space<semaphore_mem>>)
      %dma_wait3A_171 = arith.constant 0 : i32
      %dma_wait3A_172 = arith.constant 0 : i32
      %dma_wait3A_173 = tpu.memref_slice %arg3[%add3A, %dma_wait3A_171, %dma_wait3A_172] : memref<32x125x80xi32, #tpu.memory_space<hbm>> -> memref<1x125x80xi32, #tpu.memory_space<hbm>>
      %dma_wait3A_174 = tpu.memref_squeeze %dma_wait3A_173 : memref<1x125x80xi32, #tpu.memory_space<hbm>> -> memref<125x80xi32, #tpu.memory_space<hbm>>
      %dma_wait3A_175 = arith.constant 0 : i32
      %dma_wait3A_176 = arith.constant 0 : i32
      %dma_wait3A_177 = tpu.memref_slice %arg3[%add3A, %dma_wait3A_175, %dma_wait3A_176] : memref<32x125x80xi32, #tpu.memory_space<hbm>> -> memref<1x125x80xi32, #tpu.memory_space<hbm>>
      %dma_wait3A_178 = tpu.memref_squeeze %dma_wait3A_177 : memref<1x125x80xi32, #tpu.memory_space<hbm>> -> memref<125x80xi32, #tpu.memory_space<hbm>>
      tpu.wait_dma2 semaphore(%run_scoped3A : memref<!tpu.dma_semaphore, #tpu.memory_space<semaphore_mem>>) src(%dma_wait3A_178 : memref<125x80xi32, #tpu.memory_space<hbm>>) dst(%arg9 : memref<125x80xi32, #tpu.memory_space<vmem>>)
      tpu.yield
    }) : () -> ()
    %barrier3A = arith.constant 0 : index
    tpu.barrier barrier_id(%barrier3A)
    %iota3A = tpu.iota {dimensions = array<i32: 0>} : vector<16xi32>
    %dma_start3A = arith.constant 0 : i32
    %dma_start3A_5 = arith.constant 0 : i32
    %dma_start3A_6 = arith.constant 0 : i32
    %dma_start3A_7 = arith.constant 0 : i32
    %dma_start3A_8 = arith.constant 0 : i32
    %dma_start3A_9 = tpu.memref_slice %arg10[%dma_start3A_5, %dma_start3A_7, %dma_start3A_8] : memref<4x80x40xf32, #tpu.memory_space<vmem>> -> memref<1x80x40xf32, #tpu.memory_space<vmem>>
    %dma_start3A_10 = tpu.memref_squeeze %dma_start3A_9 : memref<1x80x40xf32, #tpu.memory_space<vmem>> -> memref<80x40xf32, #tpu.memory_space<vmem>>
    %dma_start3A_11 = arith.constant 0 : i32
    %dma_start3A_12 = tpu.memref_slice %arg8[%dma_start3A, %dma_start3A_11] : memref<125x80xi32, #tpu.memory_space<vmem>> -> memref<1x80xi32, #tpu.memory_space<vmem>>
    %dma_start3A_13 = tpu.memref_squeeze %dma_start3A_12 : memref<1x80xi32, #tpu.memory_space<vmem>> -> memref<80xi32, #tpu.memory_space<vmem>>
    %dma_start3A_14 = arith.constant 0 : i32
    %dma_start3A_15 = arith.constant 0 : i32
    %dma_start3A_16 = tpu.memref_slice %arg4[%dma_start3A_14, %dma_start3A_15] : memref<10000x40xf32, #tpu.memory_space<hbm>> -> memref<10000x40xf32, #tpu.memory_space<hbm>>
    %dma_start3A_17 = tpu.memref_slice %arg15[%dma_start3A_6] : memref<4x!tpu.dma_semaphore, #tpu.memory_space<semaphore_mem>> -> memref<1x!tpu.dma_semaphore, #tpu.memory_space<semaphore_mem>>
    %dma_start3A_18 = tpu.memref_squeeze %dma_start3A_17 : memref<1x!tpu.dma_semaphore, #tpu.memory_space<semaphore_mem>> -> memref<!tpu.dma_semaphore, #tpu.memory_space<semaphore_mem>>
    tpu.enqueue_indirect_dma source(%dma_start3A_16 : memref<10000x40xf32, #tpu.memory_space<hbm>>) target(%dma_start3A_10 : memref<80x40xf32, #tpu.memory_space<vmem>>) offsets(%dma_start3A_13 : memref<80xi32, #tpu.memory_space<vmem>>) semaphore(%dma_start3A_18 : memref<!tpu.dma_semaphore, #tpu.memory_space<semaphore_mem>>)
    %dma_start3A_19 = arith.constant 0 : i32
    %dma_start3A_20 = arith.constant 0 : i32
    %dma_start3A_21 = arith.constant 0 : i32
    %dma_start3A_22 = arith.constant 0 : i32
    %dma_start3A_23 = arith.constant 0 : i32
    %dma_start3A_24 = tpu.memref_slice %arg11[%dma_start3A_20, %dma_start3A_22, %dma_start3A_23] : memref<4x80x16xf32, #tpu.memory_space<vmem>> -> memref<1x80x16xf32, #tpu.memory_space<vmem>>
    %dma_start3A_25 = tpu.memref_squeeze %dma_start3A_24 : memref<1x80x16xf32, #tpu.memory_space<vmem>> -> memref<80x16xf32, #tpu.memory_space<vmem>>
    %dma_start3A_26 = arith.constant 0 : i32
    %dma_start3A_27 = tpu.memref_slice %arg9[%dma_start3A_19, %dma_start3A_26] : memref<125x80xi32, #tpu.memory_space<vmem>> -> memref<1x80xi32, #tpu.memory_space<vmem>>
    %dma_start3A_28 = tpu.memref_squeeze %dma_start3A_27 : memref<1x80xi32, #tpu.memory_space<vmem>> -> memref<80xi32, #tpu.memory_space<vmem>>
    %dma_start3A_29 = arith.constant 0 : i32
    %dma_start3A_30 = arith.constant 0 : i32
    %dma_start3A_31 = tpu.memref_slice %arg5[%dma_start3A_29, %dma_start3A_30] : memref<10000x16xf32, #tpu.memory_space<hbm>> -> memref<10000x16xf32, #tpu.memory_space<hbm>>
    %dma_start3A_32 = tpu.memref_slice %arg16[%dma_start3A_21] : memref<4x!tpu.dma_semaphore, #tpu.memory_space<semaphore_mem>> -> memref<1x!tpu.dma_semaphore, #tpu.memory_space<semaphore_mem>>
    %dma_start3A_33 = tpu.memref_squeeze %dma_start3A_32 : memref<1x!tpu.dma_semaphore, #tpu.memory_space<semaphore_mem>> -> memref<!tpu.dma_semaphore, #tpu.memory_space<semaphore_mem>>
    tpu.enqueue_indirect_dma source(%dma_start3A_31 : memref<10000x16xf32, #tpu.memory_space<hbm>>) target(%dma_start3A_25 : memref<80x16xf32, #tpu.memory_space<vmem>>) offsets(%dma_start3A_28 : memref<80xi32, #tpu.memory_space<vmem>>) semaphore(%dma_start3A_33 : memref<!tpu.dma_semaphore, #tpu.memory_space<semaphore_mem>>)
    %dma_start3A_34 = arith.constant 1 : i32
    %dma_start3A_35 = arith.constant 1 : i32
    %dma_start3A_36 = arith.constant 1 : i32
    %dma_start3A_37 = arith.constant 0 : i32
    %dma_start3A_38 = arith.constant 0 : i32
    %dma_start3A_39 = tpu.memref_slice %arg10[%dma_start3A_35, %dma_start3A_37, %dma_start3A_38] : memref<4x80x40xf32, #tpu.memory_space<vmem>> -> memref<1x80x40xf32, #tpu.memory_space<vmem>>
    %dma_start3A_40 = tpu.memref_squeeze %dma_start3A_39 : memref<1x80x40xf32, #tpu.memory_space<vmem>> -> memref<80x40xf32, #tpu.memory_space<vmem>>
    %dma_start3A_41 = arith.constant 0 : i32
    %dma_start3A_42 = tpu.memref_slice %arg8[%dma_start3A_34, %dma_start3A_41] : memref<125x80xi32, #tpu.memory_space<vmem>> -> memref<1x80xi32, #tpu.memory_space<vmem>>
    %dma_start3A_43 = tpu.memref_squeeze %dma_start3A_42 : memref<1x80xi32, #tpu.memory_space<vmem>> -> memref<80xi32, #tpu.memory_space<vmem>>
    %dma_start3A_44 = arith.constant 0 : i32
    %dma_start3A_45 = arith.constant 0 : i32
    %dma_start3A_46 = tpu.memref_slice %arg4[%dma_start3A_44, %dma_start3A_45] : memref<10000x40xf32, #tpu.memory_space<hbm>> -> memref<10000x40xf32, #tpu.memory_space<hbm>>
    %dma_start3A_47 = tpu.memref_slice %arg15[%dma_start3A_36] : memref<4x!tpu.dma_semaphore, #tpu.memory_space<semaphore_mem>> -> memref<1x!tpu.dma_semaphore, #tpu.memory_space<semaphore_mem>>
    %dma_start3A_48 = tpu.memref_squeeze %dma_start3A_47 : memref<1x!tpu.dma_semaphore, #tpu.memory_space<semaphore_mem>> -> memref<!tpu.dma_semaphore, #tpu.memory_space<semaphore_mem>>
    tpu.enqueue_indirect_dma source(%dma_start3A_46 : memref<10000x40xf32, #tpu.memory_space<hbm>>) target(%dma_start3A_40 : memref<80x40xf32, #tpu.memory_space<vmem>>) offsets(%dma_start3A_43 : memref<80xi32, #tpu.memory_space<vmem>>) semaphore(%dma_start3A_48 : memref<!tpu.dma_semaphore, #tpu.memory_space<semaphore_mem>>)
    %dma_start3A_49 = arith.constant 1 : i32
    %dma_start3A_50 = arith.constant 1 : i32
    %dma_start3A_51 = arith.constant 1 : i32
    %dma_start3A_52 = arith.constant 0 : i32
    %dma_start3A_53 = arith.constant 0 : i32
    %dma_start3A_54 = tpu.memref_slice %arg11[%dma_start3A_50, %dma_start3A_52, %dma_start3A_53] : memref<4x80x16xf32, #tpu.memory_space<vmem>> -> memref<1x80x16xf32, #tpu.memory_space<vmem>>
    %dma_start3A_55 = tpu.memref_squeeze %dma_start3A_54 : memref<1x80x16xf32, #tpu.memory_space<vmem>> -> memref<80x16xf32, #tpu.memory_space<vmem>>
    %dma_start3A_56 = arith.constant 0 : i32
    %dma_start3A_57 = tpu.memref_slice %arg9[%dma_start3A_49, %dma_start3A_56] : memref<125x80xi32, #tpu.memory_space<vmem>> -> memref<1x80xi32, #tpu.memory_space<vmem>>
    %dma_start3A_58 = tpu.memref_squeeze %dma_start3A_57 : memref<1x80xi32, #tpu.memory_space<vmem>> -> memref<80xi32, #tpu.memory_space<vmem>>
    %dma_start3A_59 = arith.constant 0 : i32
    %dma_start3A_60 = arith.constant 0 : i32
    %dma_start3A_61 = tpu.memref_slice %arg5[%dma_start3A_59, %dma_start3A_60] : memref<10000x16xf32, #tpu.memory_space<hbm>> -> memref<10000x16xf32, #tpu.memory_space<hbm>>
    %dma_start3A_62 = tpu.memref_slice %arg16[%dma_start3A_51] : memref<4x!tpu.dma_semaphore, #tpu.memory_space<semaphore_mem>> -> memref<1x!tpu.dma_semaphore, #tpu.memory_space<semaphore_mem>>
    %dma_start3A_63 = tpu.memref_squeeze %dma_start3A_62 : memref<1x!tpu.dma_semaphore, #tpu.memory_space<semaphore_mem>> -> memref<!tpu.dma_semaphore, #tpu.memory_space<semaphore_mem>>
    tpu.enqueue_indirect_dma source(%dma_start3A_61 : memref<10000x16xf32, #tpu.memory_space<hbm>>) target(%dma_start3A_55 : memref<80x16xf32, #tpu.memory_space<vmem>>) offsets(%dma_start3A_58 : memref<80xi32, #tpu.memory_space<vmem>>) semaphore(%dma_start3A_63 : memref<!tpu.dma_semaphore, #tpu.memory_space<semaphore_mem>>)
    %dma_start3A_64 = arith.constant 2 : i32
    %dma_start3A_65 = arith.constant 2 : i32
    %dma_start3A_66 = arith.constant 2 : i32
    %dma_start3A_67 = arith.constant 0 : i32
    %dma_start3A_68 = arith.constant 0 : i32
    %dma_start3A_69 = tpu.memref_slice %arg10[%dma_start3A_65, %dma_start3A_67, %dma_start3A_68] : memref<4x80x40xf32, #tpu.memory_space<vmem>> -> memref<1x80x40xf32, #tpu.memory_space<vmem>>
    %dma_start3A_70 = tpu.memref_squeeze %dma_start3A_69 : memref<1x80x40xf32, #tpu.memory_space<vmem>> -> memref<80x40xf32, #tpu.memory_space<vmem>>
    %dma_start3A_71 = arith.constant 0 : i32
    %dma_start3A_72 = tpu.memref_slice %arg8[%dma_start3A_64, %dma_start3A_71] : memref<125x80xi32, #tpu.memory_space<vmem>> -> memref<1x80xi32, #tpu.memory_space<vmem>>
    %dma_start3A_73 = tpu.memref_squeeze %dma_start3A_72 : memref<1x80xi32, #tpu.memory_space<vmem>> -> memref<80xi32, #tpu.memory_space<vmem>>
    %dma_start3A_74 = arith.constant 0 : i32
    %dma_start3A_75 = arith.constant 0 : i32
    %dma_start3A_76 = tpu.memref_slice %arg4[%dma_start3A_74, %dma_start3A_75] : memref<10000x40xf32, #tpu.memory_space<hbm>> -> memref<10000x40xf32, #tpu.memory_space<hbm>>
    %dma_start3A_77 = tpu.memref_slice %arg15[%dma_start3A_66] : memref<4x!tpu.dma_semaphore, #tpu.memory_space<semaphore_mem>> -> memref<1x!tpu.dma_semaphore, #tpu.memory_space<semaphore_mem>>
    %dma_start3A_78 = tpu.memref_squeeze %dma_start3A_77 : memref<1x!tpu.dma_semaphore, #tpu.memory_space<semaphore_mem>> -> memref<!tpu.dma_semaphore, #tpu.memory_space<semaphore_mem>>
    tpu.enqueue_indirect_dma source(%dma_start3A_76 : memref<10000x40xf32, #tpu.memory_space<hbm>>) target(%dma_start3A_70 : memref<80x40xf32, #tpu.memory_space<vmem>>) offsets(%dma_start3A_73 : memref<80xi32, #tpu.memory_space<vmem>>) semaphore(%dma_start3A_78 : memref<!tpu.dma_semaphore, #tpu.memory_space<semaphore_mem>>)
    %dma_start3A_79 = arith.constant 2 : i32
    %dma_start3A_80 = arith.constant 2 : i32
    %dma_start3A_81 = arith.constant 2 : i32
    %dma_start3A_82 = arith.constant 0 : i32
    %dma_start3A_83 = arith.constant 0 : i32
    %dma_start3A_84 = tpu.memref_slice %arg11[%dma_start3A_80, %dma_start3A_82, %dma_start3A_83] : memref<4x80x16xf32, #tpu.memory_space<vmem>> -> memref<1x80x16xf32, #tpu.memory_space<vmem>>
    %dma_start3A_85 = tpu.memref_squeeze %dma_start3A_84 : memref<1x80x16xf32, #tpu.memory_space<vmem>> -> memref<80x16xf32, #tpu.memory_space<vmem>>
    %dma_start3A_86 = arith.constant 0 : i32
    %dma_start3A_87 = tpu.memref_slice %arg9[%dma_start3A_79, %dma_start3A_86] : memref<125x80xi32, #tpu.memory_space<vmem>> -> memref<1x80xi32, #tpu.memory_space<vmem>>
    %dma_start3A_88 = tpu.memref_squeeze %dma_start3A_87 : memref<1x80xi32, #tpu.memory_space<vmem>> -> memref<80xi32, #tpu.memory_space<vmem>>
    %dma_start3A_89 = arith.constant 0 : i32
    %dma_start3A_90 = arith.constant 0 : i32
    %dma_start3A_91 = tpu.memref_slice %arg5[%dma_start3A_89, %dma_start3A_90] : memref<10000x16xf32, #tpu.memory_space<hbm>> -> memref<10000x16xf32, #tpu.memory_space<hbm>>
    %dma_start3A_92 = tpu.memref_slice %arg16[%dma_start3A_81] : memref<4x!tpu.dma_semaphore, #tpu.memory_space<semaphore_mem>> -> memref<1x!tpu.dma_semaphore, #tpu.memory_space<semaphore_mem>>
    %dma_start3A_93 = tpu.memref_squeeze %dma_start3A_92 : memref<1x!tpu.dma_semaphore, #tpu.memory_space<semaphore_mem>> -> memref<!tpu.dma_semaphore, #tpu.memory_space<semaphore_mem>>
    tpu.enqueue_indirect_dma source(%dma_start3A_91 : memref<10000x16xf32, #tpu.memory_space<hbm>>) target(%dma_start3A_85 : memref<80x16xf32, #tpu.memory_space<vmem>>) offsets(%dma_start3A_88 : memref<80xi32, #tpu.memory_space<vmem>>) semaphore(%dma_start3A_93 : memref<!tpu.dma_semaphore, #tpu.memory_space<semaphore_mem>>)
    %scan3A = arith.constant 0 : i32
    %scan3A_94 = arith.constant 0 : i32
    %scan3A_95 = arith.constant 125 : i32
    %scan3A_96 = arith.addi %scan3A_94, %scan3A_95 : i32
    %scan3A_97 = arith.constant 1 : i32
    scf.for %scan3A_163 = %scan3A_94 to %scan3A_96 step %scan3A_97  : i32 {
      %rem3A = arith.constant 4 : i32
      %rem3A_164 = arith.remsi %scan3A_163, %rem3A : i32
      %add3A_165 = arith.constant 4 : i32
      %add3A_166 = arith.addi %scan3A_163, %add3A_165 : i32
      %sub3A = arith.constant 1 : i32
      %sub3A_167 = arith.subi %add3A_166, %sub3A : i32
      %lt3A = arith.constant 125 : i32
      %lt3A_168 = arith.cmpi slt, %sub3A_167, %lt3A : i32
      %convert_element_type3A = arith.extui %lt3A_168 : i1 to i32
      %cond3A = arith.constant 0 : i32
      %cond3A_169 = arith.cmpi ne, %convert_element_type3A, %cond3A : i32
      scf.if %cond3A_169 {
        %add3A_212 = arith.constant 4 : i32
        %add3A_213 = arith.addi %scan3A_163, %add3A_212 : i32
        %sub3A_214 = arith.constant 1 : i32
        %sub3A_215 = arith.subi %add3A_213, %sub3A_214 : i32
        %add3A_216 = arith.constant 4 : i32
        %add3A_217 = arith.addi %scan3A_163, %add3A_216 : i32
        %sub3A_218 = arith.constant 1 : i32
        %sub3A_219 = arith.subi %add3A_217, %sub3A_218 : i32
        %rem3A_220 = arith.constant 4 : i32
        %rem3A_221 = arith.remsi %sub3A_219, %rem3A_220 : i32
        %dma_start3A_222 = arith.constant 0 : i32
        %dma_start3A_223 = arith.constant 0 : i32
        %dma_start3A_224 = tpu.memref_slice %arg10[%rem3A_221, %dma_start3A_222, %dma_start3A_223] : memref<4x80x40xf32, #tpu.memory_space<vmem>> -> memref<1x80x40xf32, #tpu.memory_space<vmem>>
        %dma_start3A_225 = tpu.memref_squeeze %dma_start3A_224 : memref<1x80x40xf32, #tpu.memory_space<vmem>> -> memref<80x40xf32, #tpu.memory_space<vmem>>
        %dma_start3A_226 = arith.constant 0 : i32
        %dma_start3A_227 = tpu.memref_slice %arg8[%sub3A_215, %dma_start3A_226] : memref<125x80xi32, #tpu.memory_space<vmem>> -> memref<1x80xi32, #tpu.memory_space<vmem>>
        %dma_start3A_228 = tpu.memref_squeeze %dma_start3A_227 : memref<1x80xi32, #tpu.memory_space<vmem>> -> memref<80xi32, #tpu.memory_space<vmem>>
        %dma_start3A_229 = arith.constant 0 : i32
        %dma_start3A_230 = arith.constant 0 : i32
        %dma_start3A_231 = tpu.memref_slice %arg4[%dma_start3A_229, %dma_start3A_230] : memref<10000x40xf32, #tpu.memory_space<hbm>> -> memref<10000x40xf32, #tpu.memory_space<hbm>>
        %dma_start3A_232 = tpu.memref_slice %arg15[%rem3A_221] : memref<4x!tpu.dma_semaphore, #tpu.memory_space<semaphore_mem>> -> memref<1x!tpu.dma_semaphore, #tpu.memory_space<semaphore_mem>>
        %dma_start3A_233 = tpu.memref_squeeze %dma_start3A_232 : memref<1x!tpu.dma_semaphore, #tpu.memory_space<semaphore_mem>> -> memref<!tpu.dma_semaphore, #tpu.memory_space<semaphore_mem>>
        tpu.enqueue_indirect_dma source(%dma_start3A_231 : memref<10000x40xf32, #tpu.memory_space<hbm>>) target(%dma_start3A_225 : memref<80x40xf32, #tpu.memory_space<vmem>>) offsets(%dma_start3A_228 : memref<80xi32, #tpu.memory_space<vmem>>) semaphore(%dma_start3A_233 : memref<!tpu.dma_semaphore, #tpu.memory_space<semaphore_mem>>)
        %dma_start3A_234 = arith.constant 0 : i32
        %dma_start3A_235 = arith.constant 0 : i32
        %dma_start3A_236 = tpu.memref_slice %arg11[%rem3A_221, %dma_start3A_234, %dma_start3A_235] : memref<4x80x16xf32, #tpu.memory_space<vmem>> -> memref<1x80x16xf32, #tpu.memory_space<vmem>>
        %dma_start3A_237 = tpu.memref_squeeze %dma_start3A_236 : memref<1x80x16xf32, #tpu.memory_space<vmem>> -> memref<80x16xf32, #tpu.memory_space<vmem>>
        %dma_start3A_238 = arith.constant 0 : i32
        %dma_start3A_239 = tpu.memref_slice %arg9[%sub3A_215, %dma_start3A_238] : memref<125x80xi32, #tpu.memory_space<vmem>> -> memref<1x80xi32, #tpu.memory_space<vmem>>
        %dma_start3A_240 = tpu.memref_squeeze %dma_start3A_239 : memref<1x80xi32, #tpu.memory_space<vmem>> -> memref<80xi32, #tpu.memory_space<vmem>>
        %dma_start3A_241 = arith.constant 0 : i32
        %dma_start3A_242 = arith.constant 0 : i32
        %dma_start3A_243 = tpu.memref_slice %arg5[%dma_start3A_241, %dma_start3A_242] : memref<10000x16xf32, #tpu.memory_space<hbm>> -> memref<10000x16xf32, #tpu.memory_space<hbm>>
        %dma_start3A_244 = tpu.memref_slice %arg16[%rem3A_221] : memref<4x!tpu.dma_semaphore, #tpu.memory_space<semaphore_mem>> -> memref<1x!tpu.dma_semaphore, #tpu.memory_space<semaphore_mem>>
        %dma_start3A_245 = tpu.memref_squeeze %dma_start3A_244 : memref<1x!tpu.dma_semaphore, #tpu.memory_space<semaphore_mem>> -> memref<!tpu.dma_semaphore, #tpu.memory_space<semaphore_mem>>
        tpu.enqueue_indirect_dma source(%dma_start3A_243 : memref<10000x16xf32, #tpu.memory_space<hbm>>) target(%dma_start3A_237 : memref<80x16xf32, #tpu.memory_space<vmem>>) offsets(%dma_start3A_240 : memref<80xi32, #tpu.memory_space<vmem>>) semaphore(%dma_start3A_245 : memref<!tpu.dma_semaphore, #tpu.memory_space<semaphore_mem>>)
      } else {
      }
      %dma_wait3A_170 = arith.constant 0 : i32
      %dma_wait3A_171 = arith.constant 0 : i32
      %dma_wait3A_172 = tpu.memref_slice %arg10[%rem3A_164, %dma_wait3A_170, %dma_wait3A_171] : memref<4x80x40xf32, #tpu.memory_space<vmem>> -> memref<1x80x40xf32, #tpu.memory_space<vmem>>
      %dma_wait3A_173 = tpu.memref_squeeze %dma_wait3A_172 : memref<1x80x40xf32, #tpu.memory_space<vmem>> -> memref<80x40xf32, #tpu.memory_space<vmem>>
      %dma_wait3A_174 = arith.constant 0 : i32
      %dma_wait3A_175 = tpu.memref_slice %arg8[%scan3A_163, %dma_wait3A_174] : memref<125x80xi32, #tpu.memory_space<vmem>> -> memref<1x80xi32, #tpu.memory_space<vmem>>
      %dma_wait3A_176 = tpu.memref_squeeze %dma_wait3A_175 : memref<1x80xi32, #tpu.memory_space<vmem>> -> memref<80xi32, #tpu.memory_space<vmem>>
      %dma_wait3A_177 = arith.constant 0 : i32
      %dma_wait3A_178 = arith.constant 0 : i32
      %dma_wait3A_179 = tpu.memref_slice %arg4[%dma_wait3A_177, %dma_wait3A_178] : memref<10000x40xf32, #tpu.memory_space<hbm>> -> memref<10000x40xf32, #tpu.memory_space<hbm>>
      %dma_wait3A_180 = tpu.memref_slice %arg15[%rem3A_164] : memref<4x!tpu.dma_semaphore, #tpu.memory_space<semaphore_mem>> -> memref<1x!tpu.dma_semaphore, #tpu.memory_space<semaphore_mem>>
      %dma_wait3A_181 = tpu.memref_squeeze %dma_wait3A_180 : memref<1x!tpu.dma_semaphore, #tpu.memory_space<semaphore_mem>> -> memref<!tpu.dma_semaphore, #tpu.memory_space<semaphore_mem>>
      tpu.wait_indirect_dma semaphore(%dma_wait3A_181 : memref<!tpu.dma_semaphore, #tpu.memory_space<semaphore_mem>>) src(%dma_wait3A_179 : memref<10000x40xf32, #tpu.memory_space<hbm>>) dst(%dma_wait3A_173 : memref<80x40xf32, #tpu.memory_space<vmem>>)
      %dma_wait3A_182 = arith.constant 0 : i32
      %dma_wait3A_183 = arith.constant 0 : i32
      %dma_wait3A_184 = tpu.memref_slice %arg11[%rem3A_164, %dma_wait3A_182, %dma_wait3A_183] : memref<4x80x16xf32, #tpu.memory_space<vmem>> -> memref<1x80x16xf32, #tpu.memory_space<vmem>>
      %dma_wait3A_185 = tpu.memref_squeeze %dma_wait3A_184 : memref<1x80x16xf32, #tpu.memory_space<vmem>> -> memref<80x16xf32, #tpu.memory_space<vmem>>
      %dma_wait3A_186 = arith.constant 0 : i32
      %dma_wait3A_187 = tpu.memref_slice %arg9[%scan3A_163, %dma_wait3A_186] : memref<125x80xi32, #tpu.memory_space<vmem>> -> memref<1x80xi32, #tpu.memory_space<vmem>>
      %dma_wait3A_188 = tpu.memref_squeeze %dma_wait3A_187 : memref<1x80xi32, #tpu.memory_space<vmem>> -> memref<80xi32, #tpu.memory_space<vmem>>
      %dma_wait3A_189 = arith.constant 0 : i32
      %dma_wait3A_190 = arith.constant 0 : i32
      %dma_wait3A_191 = tpu.memref_slice %arg5[%dma_wait3A_189, %dma_wait3A_190] : memref<10000x16xf32, #tpu.memory_space<hbm>> -> memref<10000x16xf32, #tpu.memory_space<hbm>>
      %dma_wait3A_192 = tpu.memref_slice %arg16[%rem3A_164] : memref<4x!tpu.dma_semaphore, #tpu.memory_space<semaphore_mem>> -> memref<1x!tpu.dma_semaphore, #tpu.memory_space<semaphore_mem>>
      %dma_wait3A_193 = tpu.memref_squeeze %dma_wait3A_192 : memref<1x!tpu.dma_semaphore, #tpu.memory_space<semaphore_mem>> -> memref<!tpu.dma_semaphore, #tpu.memory_space<semaphore_mem>>
      tpu.wait_indirect_dma semaphore(%dma_wait3A_193 : memref<!tpu.dma_semaphore, #tpu.memory_space<semaphore_mem>>) src(%dma_wait3A_191 : memref<10000x16xf32, #tpu.memory_space<hbm>>) dst(%dma_wait3A_185 : memref<80x16xf32, #tpu.memory_space<vmem>>)
      %ge3A = arith.constant 4 : i32
      %ge3A_194 = arith.cmpi sge, %scan3A_163, %ge3A : i32
      %convert_element_type3A_195 = arith.extui %ge3A_194 : i1 to i32
      %cond3A_196 = arith.constant 0 : i32
      %cond3A_197 = arith.cmpi ne, %convert_element_type3A_195, %cond3A_196 : i32
      scf.if %cond3A_197 {
        %dma_wait3A_212 = arith.constant 0 : i32
        %dma_wait3A_213 = arith.constant 0 : i32
        %dma_wait3A_214 = tpu.memref_slice %arg12[%rem3A_164, %dma_wait3A_212, %dma_wait3A_213] : memref<4x80x40xf32, #tpu.memory_space<vmem>> -> memref<1x80x40xf32, #tpu.memory_space<vmem>>
        %dma_wait3A_215 = tpu.memref_squeeze %dma_wait3A_214 : memref<1x80x40xf32, #tpu.memory_space<vmem>> -> memref<80x40xf32, #tpu.memory_space<vmem>>
        %dma_wait3A_216 = arith.constant 0 : i32
        %dma_wait3A_217 = tpu.memref_slice %arg9[%scan3A_163, %dma_wait3A_216] : memref<125x80xi32, #tpu.memory_space<vmem>> -> memref<1x80xi32, #tpu.memory_space<vmem>>
        %dma_wait3A_218 = tpu.memref_squeeze %dma_wait3A_217 : memref<1x80xi32, #tpu.memory_space<vmem>> -> memref<80xi32, #tpu.memory_space<vmem>>
        %dma_wait3A_219 = arith.constant 0 : i32
        %dma_wait3A_220 = arith.constant 0 : i32
        %dma_wait3A_221 = tpu.memref_slice %arg14[%dma_wait3A_219, %dma_wait3A_220] : memref<10000x40xf32, #tpu.memory_space<vmem_shared>> -> memref<10000x40xf32, #tpu.memory_space<vmem_shared>>
        %dma_wait3A_222 = tpu.memref_slice %arg17[%rem3A_164] : memref<4x!tpu.dma_semaphore, #tpu.memory_space<semaphore_mem>> -> memref<1x!tpu.dma_semaphore, #tpu.memory_space<semaphore_mem>>
        %dma_wait3A_223 = tpu.memref_squeeze %dma_wait3A_222 : memref<1x!tpu.dma_semaphore, #tpu.memory_space<semaphore_mem>> -> memref<!tpu.dma_semaphore, #tpu.memory_space<semaphore_mem>>
        tpu.wait_indirect_dma semaphore(%dma_wait3A_223 : memref<!tpu.dma_semaphore, #tpu.memory_space<semaphore_mem>>) src(%dma_wait3A_215 : memref<80x40xf32, #tpu.memory_space<vmem>>) dst(%dma_wait3A_221 : memref<10000x40xf32, #tpu.memory_space<vmem_shared>>)
      } else {
      }
      %parallel_loop3A = arith.constant 0 : i32
      %parallel_loop3A_198 = arith.constant 80 : i32
      %parallel_loop3A_199 = arith.constant 1 : i32
      scf.for %parallel_loop3A_212 = %parallel_loop3A to %parallel_loop3A_198 step %parallel_loop3A_199  : i32 {
        %parallel_loop3A_213 = arith.index_cast %rem3A_164 : i32 to index
        %parallel_loop3A_214 = arith.index_cast %parallel_loop3A_212 : i32 to index
        %parallel_loop3A_215 = arith.constant 0 : index
        %parallel_loop3A_216 = tpu.vector_load %arg10[%parallel_loop3A_213, %parallel_loop3A_214, %parallel_loop3A_215] {strides = array<i32>} : memref<4x80x40xf32, #tpu.memory_space<vmem>>, vector<16xf32>,
        %parallel_loop3A_217 = arith.index_cast %rem3A_164 : i32 to index
        %parallel_loop3A_218 = arith.index_cast %parallel_loop3A_212 : i32 to index
        %parallel_loop3A_219 = arith.constant 0 : index
        %parallel_loop3A_220 = tpu.vector_load %arg11[%parallel_loop3A_217, %parallel_loop3A_218, %parallel_loop3A_219] {strides = array<i32>} : memref<4x80x16xf32, #tpu.memory_space<vmem>>, vector<16xf32>,
        %parallel_loop3A_221 = arith.addf %parallel_loop3A_216, %parallel_loop3A_220 : vector<16xf32>
        %parallel_loop3A_222 = arith.constant 2.000000e-01 : f32
        %parallel_loop3A_223 = vector.broadcast %parallel_loop3A_222 : f32 to vector<16xf32>
        %parallel_loop3A_224 = arith.mulf %parallel_loop3A_223, %parallel_loop3A_221 : vector<16xf32>
        %parallel_loop3A_225 = arith.maximumf %parallel_loop3A_221, %parallel_loop3A_224 : vector<16xf32>
        %parallel_loop3A_226 = math.exp %parallel_loop3A_225 : vector<16xf32>
        %parallel_loop3A_227 = arith.index_cast %rem3A_164 : i32 to index
        %parallel_loop3A_228 = arith.index_cast %parallel_loop3A_212 : i32 to index
        %parallel_loop3A_229 = arith.constant 0 : index
        %parallel_loop3A_230 = tpu.vector_load %arg12[%parallel_loop3A_227, %parallel_loop3A_228, %parallel_loop3A_229] {strides = array<i32>} : memref<4x80x40xf32, #tpu.memory_space<vmem>>, vector<16xf32>,
        tpu.vector_store %arg12[%parallel_loop3A_227, %parallel_loop3A_228, %parallel_loop3A_229], %parallel_loop3A_226 {strides = array<i32>} : memref<4x80x40xf32, #tpu.memory_space<vmem>>, vector<16xf32>,
        %parallel_loop3A_231 = arith.constant 16 : i32
        %parallel_loop3A_232 = arith.muli %parallel_loop3A_212, %parallel_loop3A_231 : i32
        %parallel_loop3A_233 = arith.index_cast %parallel_loop3A_232 : i32 to index
        %parallel_loop3A_234 = tpu.vector_load %arg13[%parallel_loop3A_233] {strides = array<i32>} : memref<1280xf32, #tpu.memory_space<vmem>>, vector<16xf32>,
        tpu.vector_store %arg13[%parallel_loop3A_233], %parallel_loop3A_226 {strides = array<i32>} : memref<1280xf32, #tpu.memory_space<vmem>>, vector<16xf32>,
        %parallel_loop3A_235 = arith.constant 16 : i32
        %parallel_loop3A_236 = arith.muli %parallel_loop3A_212, %parallel_loop3A_235 : i32
        %parallel_loop3A_237 = vector.broadcast %parallel_loop3A_236 : i32 to vector<16xi32>
        %parallel_loop3A_238 = tpu.vector_load_idx %arg13[%parallel_loop3A_237] : memref<1280xf32, #tpu.memory_space<vmem>>[vector<16xi32>], vector<16xf32>,
        %parallel_loop3A_239 = arith.index_cast %rem3A_164 : i32 to index
        %parallel_loop3A_240 = arith.index_cast %parallel_loop3A_212 : i32 to index
        %parallel_loop3A_241 = arith.constant 8 : index
        %parallel_loop3A_242 = tpu.vector_load %arg10[%parallel_loop3A_239, %parallel_loop3A_240, %parallel_loop3A_241] {strides = array<i32>} : memref<4x80x40xf32, #tpu.memory_space<vmem>>, vector<16xf32>,
        %parallel_loop3A_243 = arith.mulf %parallel_loop3A_242, %parallel_loop3A_238 : vector<16xf32>
        %parallel_loop3A_244 = arith.index_cast %rem3A_164 : i32 to index
        %parallel_loop3A_245 = arith.index_cast %parallel_loop3A_212 : i32 to index
        %parallel_loop3A_246 = arith.constant 8 : index
        %parallel_loop3A_247 = tpu.vector_load %arg12[%parallel_loop3A_244, %parallel_loop3A_245, %parallel_loop3A_246] {strides = array<i32>} : memref<4x80x40xf32, #tpu.memory_space<vmem>>, vector<16xf32>,
        tpu.vector_store %arg12[%parallel_loop3A_244, %parallel_loop3A_245, %parallel_loop3A_246], %parallel_loop3A_243 {strides = array<i32>} : memref<4x80x40xf32, #tpu.memory_space<vmem>>, vector<16xf32>,
        %parallel_loop3A_248 = tpu.vector_load_idx %arg13[%parallel_loop3A_237] : memref<1280xf32, #tpu.memory_space<vmem>>[vector<16xi32>], vector<16xf32>,
        %parallel_loop3A_249 = arith.index_cast %rem3A_164 : i32 to index
        %parallel_loop3A_250 = arith.index_cast %parallel_loop3A_212 : i32 to index
        %parallel_loop3A_251 = arith.constant 24 : index
        %parallel_loop3A_252 = tpu.vector_load %arg10[%parallel_loop3A_249, %parallel_loop3A_250, %parallel_loop3A_251] {strides = array<i32>} : memref<4x80x40xf32, #tpu.memory_space<vmem>>, vector<16xf32>,
        %parallel_loop3A_253 = arith.mulf %parallel_loop3A_252, %parallel_loop3A_248 : vector<16xf32>
        %parallel_loop3A_254 = arith.index_cast %rem3A_164 : i32 to index
        %parallel_loop3A_255 = arith.index_cast %parallel_loop3A_212 : i32 to index
        %parallel_loop3A_256 = arith.constant 24 : index
        %parallel_loop3A_257 = tpu.vector_load %arg12[%parallel_loop3A_254, %parallel_loop3A_255, %parallel_loop3A_256] {strides = array<i32>} : memref<4x80x40xf32, #tpu.memory_space<vmem>>, vector<16xf32>,
        tpu.vector_store %arg12[%parallel_loop3A_254, %parallel_loop3A_255, %parallel_loop3A_256], %parallel_loop3A_253 {strides = array<i32>} : memref<4x80x40xf32, #tpu.memory_space<vmem>>, vector<16xf32>,
      } {sc.loop_unroll_factor = 8 : i64, sc.parallel_access}
      %dma_start3A_200 = arith.constant 0 : i32
      %dma_start3A_201 = arith.constant 0 : i32
      %dma_start3A_202 = tpu.memref_slice %arg12[%rem3A_164, %dma_start3A_200, %dma_start3A_201] : memref<4x80x40xf32, #tpu.memory_space<vmem>> -> memref<1x80x40xf32, #tpu.memory_space<vmem>>
      %dma_start3A_203 = tpu.memref_squeeze %dma_start3A_202 : memref<1x80x40xf32, #tpu.memory_space<vmem>> -> memref<80x40xf32, #tpu.memory_space<vmem>>
      %dma_start3A_204 = arith.constant 0 : i32
      %dma_start3A_205 = tpu.memref_slice %arg9[%scan3A_163, %dma_start3A_204] : memref<125x80xi32, #tpu.memory_space<vmem>> -> memref<1x80xi32, #tpu.memory_space<vmem>>
      %dma_start3A_206 = tpu.memref_squeeze %dma_start3A_205 : memref<1x80xi32, #tpu.memory_space<vmem>> -> memref<80xi32, #tpu.memory_space<vmem>>
      %dma_start3A_207 = arith.constant 0 : i32
      %dma_start3A_208 = arith.constant 0 : i32
      %dma_start3A_209 = tpu.memref_slice %arg14[%dma_start3A_207, %dma_start3A_208] : memref<10000x40xf32, #tpu.memory_space<vmem_shared>> -> memref<10000x40xf32, #tpu.memory_space<vmem_shared>>
      %dma_start3A_210 = tpu.memref_slice %arg17[%rem3A_164] : memref<4x!tpu.dma_semaphore, #tpu.memory_space<semaphore_mem>> -> memref<1x!tpu.dma_semaphore, #tpu.memory_space<semaphore_mem>>
      %dma_start3A_211 = tpu.memref_squeeze %dma_start3A_210 : memref<1x!tpu.dma_semaphore, #tpu.memory_space<semaphore_mem>> -> memref<!tpu.dma_semaphore, #tpu.memory_space<semaphore_mem>>
      tpu.enqueue_indirect_dma source(%dma_start3A_203 : memref<80x40xf32, #tpu.memory_space<vmem>>) target(%dma_start3A_209 : memref<10000x40xf32, #tpu.memory_space<vmem_shared>>) offsets(%dma_start3A_206 : memref<80xi32, #tpu.memory_space<vmem>>) semaphore(%dma_start3A_211 : memref<!tpu.dma_semaphore, #tpu.memory_space<semaphore_mem>>) {add = true}
    }
    %scan3A_98 = arith.constant 125 : i32
    %dma_wait3A = arith.constant 0 : i32
    %dma_wait3A_99 = arith.constant 0 : i32
    %dma_wait3A_100 = arith.constant 0 : i32
    %dma_wait3A_101 = arith.constant 0 : i32
    %dma_wait3A_102 = arith.constant 0 : i32
    %dma_wait3A_103 = tpu.memref_slice %arg12[%dma_wait3A, %dma_wait3A_101, %dma_wait3A_102] : memref<4x80x40xf32, #tpu.memory_space<vmem>> -> memref<1x80x40xf32, #tpu.memory_space<vmem>>
    %dma_wait3A_104 = tpu.memref_squeeze %dma_wait3A_103 : memref<1x80x40xf32, #tpu.memory_space<vmem>> -> memref<80x40xf32, #tpu.memory_space<vmem>>
    %dma_wait3A_105 = arith.constant 0 : i32
    %dma_wait3A_106 = tpu.memref_slice %arg9[%dma_wait3A_99, %dma_wait3A_105] : memref<125x80xi32, #tpu.memory_space<vmem>> -> memref<1x80xi32, #tpu.memory_space<vmem>>
    %dma_wait3A_107 = tpu.memref_squeeze %dma_wait3A_106 : memref<1x80xi32, #tpu.memory_space<vmem>> -> memref<80xi32, #tpu.memory_space<vmem>>
    %dma_wait3A_108 = arith.constant 0 : i32
    %dma_wait3A_109 = arith.constant 0 : i32
    %dma_wait3A_110 = tpu.memref_slice %arg14[%dma_wait3A_108, %dma_wait3A_109] : memref<10000x40xf32, #tpu.memory_space<vmem_shared>> -> memref<10000x40xf32, #tpu.memory_space<vmem_shared>>
    %dma_wait3A_111 = tpu.memref_slice %arg17[%dma_wait3A_100] : memref<4x!tpu.dma_semaphore, #tpu.memory_space<semaphore_mem>> -> memref<1x!tpu.dma_semaphore, #tpu.memory_space<semaphore_mem>>
    %dma_wait3A_112 = tpu.memref_squeeze %dma_wait3A_111 : memref<1x!tpu.dma_semaphore, #tpu.memory_space<semaphore_mem>> -> memref<!tpu.dma_semaphore, #tpu.memory_space<semaphore_mem>>
    tpu.wait_indirect_dma semaphore(%dma_wait3A_112 : memref<!tpu.dma_semaphore, #tpu.memory_space<semaphore_mem>>) src(%dma_wait3A_104 : memref<80x40xf32, #tpu.memory_space<vmem>>) dst(%dma_wait3A_110 : memref<10000x40xf32, #tpu.memory_space<vmem_shared>>)
    %dma_wait3A_113 = arith.constant 1 : i32
    %dma_wait3A_114 = arith.constant 1 : i32
    %dma_wait3A_115 = arith.constant 1 : i32
    %dma_wait3A_116 = arith.constant 0 : i32
    %dma_wait3A_117 = arith.constant 0 : i32
    %dma_wait3A_118 = tpu.memref_slice %arg12[%dma_wait3A_113, %dma_wait3A_116, %dma_wait3A_117] : memref<4x80x40xf32, #tpu.memory_space<vmem>> -> memref<1x80x40xf32, #tpu.memory_space<vmem>>
    %dma_wait3A_119 = tpu.memref_squeeze %dma_wait3A_118 : memref<1x80x40xf32, #tpu.memory_space<vmem>> -> memref<80x40xf32, #tpu.memory_space<vmem>>
    %dma_wait3A_120 = arith.constant 0 : i32
    %dma_wait3A_121 = tpu.memref_slice %arg9[%dma_wait3A_114, %dma_wait3A_120] : memref<125x80xi32, #tpu.memory_space<vmem>> -> memref<1x80xi32, #tpu.memory_space<vmem>>
    %dma_wait3A_122 = tpu.memref_squeeze %dma_wait3A_121 : memref<1x80xi32, #tpu.memory_space<vmem>> -> memref<80xi32, #tpu.memory_space<vmem>>
    %dma_wait3A_123 = arith.constant 0 : i32
    %dma_wait3A_124 = arith.constant 0 : i32
    %dma_wait3A_125 = tpu.memref_slice %arg14[%dma_wait3A_123, %dma_wait3A_124] : memref<10000x40xf32, #tpu.memory_space<vmem_shared>> -> memref<10000x40xf32, #tpu.memory_space<vmem_shared>>
    %dma_wait3A_126 = tpu.memref_slice %arg17[%dma_wait3A_115] : memref<4x!tpu.dma_semaphore, #tpu.memory_space<semaphore_mem>> -> memref<1x!tpu.dma_semaphore, #tpu.memory_space<semaphore_mem>>
    %dma_wait3A_127 = tpu.memref_squeeze %dma_wait3A_126 : memref<1x!tpu.dma_semaphore, #tpu.memory_space<semaphore_mem>> -> memref<!tpu.dma_semaphore, #tpu.memory_space<semaphore_mem>>
    tpu.wait_indirect_dma semaphore(%dma_wait3A_127 : memref<!tpu.dma_semaphore, #tpu.memory_space<semaphore_mem>>) src(%dma_wait3A_119 : memref<80x40xf32, #tpu.memory_space<vmem>>) dst(%dma_wait3A_125 : memref<10000x40xf32, #tpu.memory_space<vmem_shared>>)
    %dma_wait3A_128 = arith.constant 2 : i32
    %dma_wait3A_129 = arith.constant 2 : i32
    %dma_wait3A_130 = arith.constant 2 : i32
    %dma_wait3A_131 = arith.constant 0 : i32
    %dma_wait3A_132 = arith.constant 0 : i32
    %dma_wait3A_133 = tpu.memref_slice %arg12[%dma_wait3A_128, %dma_wait3A_131, %dma_wait3A_132] : memref<4x80x40xf32, #tpu.memory_space<vmem>> -> memref<1x80x40xf32, #tpu.memory_space<vmem>>
    %dma_wait3A_134 = tpu.memref_squeeze %dma_wait3A_133 : memref<1x80x40xf32, #tpu.memory_space<vmem>> -> memref<80x40xf32, #tpu.memory_space<vmem>>
    %dma_wait3A_135 = arith.constant 0 : i32
    %dma_wait3A_136 = tpu.memref_slice %arg9[%dma_wait3A_129, %dma_wait3A_135] : memref<125x80xi32, #tpu.memory_space<vmem>> -> memref<1x80xi32, #tpu.memory_space<vmem>>
    %dma_wait3A_137 = tpu.memref_squeeze %dma_wait3A_136 : memref<1x80xi32, #tpu.memory_space<vmem>> -> memref<80xi32, #tpu.memory_space<vmem>>
    %dma_wait3A_138 = arith.constant 0 : i32
    %dma_wait3A_139 = arith.constant 0 : i32
    %dma_wait3A_140 = tpu.memref_slice %arg14[%dma_wait3A_138, %dma_wait3A_139] : memref<10000x40xf32, #tpu.memory_space<vmem_shared>> -> memref<10000x40xf32, #tpu.memory_space<vmem_shared>>
    %dma_wait3A_141 = tpu.memref_slice %arg17[%dma_wait3A_130] : memref<4x!tpu.dma_semaphore, #tpu.memory_space<semaphore_mem>> -> memref<1x!tpu.dma_semaphore, #tpu.memory_space<semaphore_mem>>
    %dma_wait3A_142 = tpu.memref_squeeze %dma_wait3A_141 : memref<1x!tpu.dma_semaphore, #tpu.memory_space<semaphore_mem>> -> memref<!tpu.dma_semaphore, #tpu.memory_space<semaphore_mem>>
    tpu.wait_indirect_dma semaphore(%dma_wait3A_142 : memref<!tpu.dma_semaphore, #tpu.memory_space<semaphore_mem>>) src(%dma_wait3A_134 : memref<80x40xf32, #tpu.memory_space<vmem>>) dst(%dma_wait3A_140 : memref<10000x40xf32, #tpu.memory_space<vmem_shared>>)
    %dma_wait3A_143 = arith.constant 3 : i32
    %dma_wait3A_144 = arith.constant 3 : i32
    %dma_wait3A_145 = arith.constant 3 : i32
    %dma_wait3A_146 = arith.constant 0 : i32
    %dma_wait3A_147 = arith.constant 0 : i32
    %dma_wait3A_148 = tpu.memref_slice %arg12[%dma_wait3A_143, %dma_wait3A_146, %dma_wait3A_147] : memref<4x80x40xf32, #tpu.memory_space<vmem>> -> memref<1x80x40xf32, #tpu.memory_space<vmem>>
    %dma_wait3A_149 = tpu.memref_squeeze %dma_wait3A_148 : memref<1x80x40xf32, #tpu.memory_space<vmem>> -> memref<80x40xf32, #tpu.memory_space<vmem>>
    %dma_wait3A_150 = arith.constant 0 : i32
    %dma_wait3A_151 = tpu.memref_slice %arg9[%dma_wait3A_144, %dma_wait3A_150] : memref<125x80xi32, #tpu.memory_space<vmem>> -> memref<1x80xi32, #tpu.memory_space<vmem>>
    %dma_wait3A_152 = tpu.memref_squeeze %dma_wait3A_151 : memref<1x80xi32, #tpu.memory_space<vmem>> -> memref<80xi32, #tpu.memory_space<vmem>>
    %dma_wait3A_153 = arith.constant 0 : i32
    %dma_wait3A_154 = arith.constant 0 : i32
    %dma_wait3A_155 = tpu.memref_slice %arg14[%dma_wait3A_153, %dma_wait3A_154] : memref<10000x40xf32, #tpu.memory_space<vmem_shared>> -> memref<10000x40xf32, #tpu.memory_space<vmem_shared>>
    %dma_wait3A_156 = tpu.memref_slice %arg17[%dma_wait3A_145] : memref<4x!tpu.dma_semaphore, #tpu.memory_space<semaphore_mem>> -> memref<1x!tpu.dma_semaphore, #tpu.memory_space<semaphore_mem>>
    %dma_wait3A_157 = tpu.memref_squeeze %dma_wait3A_156 : memref<1x!tpu.dma_semaphore, #tpu.memory_space<semaphore_mem>> -> memref<!tpu.dma_semaphore, #tpu.memory_space<semaphore_mem>>
    tpu.wait_indirect_dma semaphore(%dma_wait3A_157 : memref<!tpu.dma_semaphore, #tpu.memory_space<semaphore_mem>>) src(%dma_wait3A_149 : memref<80x40xf32, #tpu.memory_space<vmem>>) dst(%dma_wait3A_155 : memref<10000x40xf32, #tpu.memory_space<vmem_shared>>)
    %barrier3A_158 = arith.constant 0 : index
    tpu.barrier barrier_id(%barrier3A_158)
    %mul3A_159 = arith.constant 624 : i32
    %mul3A_160 = arith.muli %arg1, %mul3A_159 : i32
    %mul3A_161 = arith.constant 624 : i32
    %mul3A_162 = arith.muli %arg1, %mul3A_161 : i32
    "tpu.region"() ({
      %run_scoped3A = tpu.sem_alloc : memref<!tpu.dma_semaphore, #tpu.memory_space<semaphore_mem>>
      %dma_start3A_163 = arith.constant 0 : i32
      %dma_start3A_164 = tpu.memref_slice %arg7[%arg0, %mul3A_162, %dma_start3A_163] : memref<2x10000x128xf32, #tpu.memory_space<hbm>> -> memref<1x640x40xf32, #tpu.memory_space<hbm>>
      %dma_start3A_165 = tpu.memref_squeeze %dma_start3A_164 : memref<1x640x40xf32, #tpu.memory_space<hbm>> -> memref<640x40xf32, #tpu.memory_space<hbm>>
      %dma_start3A_166 = arith.constant 0 : i32
      %dma_start3A_167 = tpu.memref_slice %arg14[%mul3A_160, %dma_start3A_166] : memref<10000x40xf32, #tpu.memory_space<vmem_shared>> -> memref<640x40xf32, #tpu.memory_space<vmem_shared>>
      tpu.enqueue_dma source(%dma_start3A_167 : memref<640x40xf32, #tpu.memory_space<vmem_shared>>) target(%dma_start3A_165 : memref<640x40xf32, #tpu.memory_space<hbm>>) target_semaphore(%run_scoped3A : memref<!tpu.dma_semaphore, #tpu.memory_space<semaphore_mem>>)
      %dma_wait3A_168 = arith.constant 0 : i32
      %dma_wait3A_169 = tpu.memref_slice %arg7[%arg0, %mul3A_162, %dma_wait3A_168] : memref<2x10000x128xf32, #tpu.memory_space<hbm>> -> memref<1x640x40xf32, #tpu.memory_space<hbm>>
      %dma_wait3A_170 = tpu.memref_squeeze %dma_wait3A_169 : memref<1x640x40xf32, #tpu.memory_space<hbm>> -> memref<640x40xf32, #tpu.memory_space<hbm>>
      %dma_wait3A_171 = arith.constant 0 : i32
      %dma_wait3A_172 = tpu.memref_slice %arg14[%mul3A_160, %dma_wait3A_171] : memref<10000x40xf32, #tpu.memory_space<vmem_shared>> -> memref<640x40xf32, #tpu.memory_space<vmem_shared>>
      tpu.wait_dma2 semaphore(%run_scoped3A : memref<!tpu.dma_semaphore, #tpu.memory_space<semaphore_mem>>) src(%dma_wait3A_172 : memref<640x40xf32, #tpu.memory_space<vmem_shared>>) dst(%dma_wait3A_170 : memref<640x40xf32, #tpu.memory_space<hbm>>)
      tpu.yield
    }) : () -> ()
    return
  }
}

#map = affine_map<(d0, d1) -> (0, 0, 0)>
#map1 = affine_map<(d0, d1) -> (0, 0)>
module attributes {stable_mosaic.version = 14 : i64} {
  func.func @ek(%arg0: i32, %arg1: i32, %arg2: memref<32x125x80xi32, #tpu.memory_space<hbm>>, %arg3: memref<32x125x80xi32, #tpu.memory_space<hbm>>, %arg4: memref<10000x72xf32, #tpu.memory_space<hbm>>, %arg5: memref<10000x16xf32, #tpu.memory_space<hbm>>, %arg6: memref<10000x128xf32, #tpu.memory_space<hbm>>, %arg7: memref<2x10000x128xf32, #tpu.memory_space<hbm>>, %arg8: memref<125x80xi32, #tpu.memory_space<vmem>>, %arg9: memref<125x80xi32, #tpu.memory_space<vmem>>, %arg10: memref<4x80x72xf32, #tpu.memory_space<vmem>>, %arg11: memref<4x80x16xf32, #tpu.memory_space<vmem>>, %arg12: memref<4x80x72xf32, #tpu.memory_space<vmem>>, %arg13: memref<1280xf32, #tpu.memory_space<vmem>>, %arg14: memref<10000x72xf32, #tpu.memory_space<vmem_shared>>, %arg15: memref<4x!tpu.dma_semaphore, #tpu.memory_space<semaphore_mem>>, %arg16: memref<4x!tpu.dma_semaphore, #tpu.memory_space<semaphore_mem>>, %arg17: memref<4x!tpu.dma_semaphore, #tpu.memory_space<semaphore_mem>>) attributes {dimension_semantics = [#tpu.dimension_semantics<core_parallel>, #tpu.dimension_semantics<subcore_parallel>], iteration_bounds = array<i64: 2, 16>, scalar_prefetch = 0 : i64, scratch_operands = 10 : i64, tpu.core_type = #tpu.core_type<sc_vector_subcore>, window_params = [{transform_indices = #map}, {transform_indices = #map}, {transform_indices = #map1}, {transform_indices = #map1}, {transform_indices = #map1}, {transform_indices = #map}]} {
    %mul3A = arith.constant 2 : i32
    %mul3A_0 = arith.muli %arg1, %mul3A : i32
    %add3A = arith.addi %mul3A_0, %arg0 : i32
    %mul3A_1 = arith.constant 624 : i32
    %mul3A_2 = arith.muli %arg1, %mul3A_1 : i32
    %mul3A_3 = arith.constant 624 : i32
    %mul3A_4 = arith.muli %arg1, %mul3A_3 : i32
    "tpu.region"() ({
      %run_scoped3A = tpu.sem_alloc : memref<!tpu.dma_semaphore, #tpu.memory_space<semaphore_mem>>
      %dma_start3A_163 = arith.constant 0 : i32
      %dma_start3A_164 = tpu.memref_slice %arg14[%mul3A_4, %dma_start3A_163] : memref<10000x72xf32, #tpu.memory_space<vmem_shared>> -> memref<640x72xf32, #tpu.memory_space<vmem_shared>>
      %dma_start3A_165 = arith.constant 0 : i32
      %dma_start3A_166 = tpu.memref_slice %arg6[%mul3A_2, %dma_start3A_165] : memref<10000x128xf32, #tpu.memory_space<hbm>> -> memref<640x72xf32, #tpu.memory_space<hbm>>
      tpu.enqueue_dma source(%dma_start3A_166 : memref<640x72xf32, #tpu.memory_space<hbm>>) target(%dma_start3A_164 : memref<640x72xf32, #tpu.memory_space<vmem_shared>>) target_semaphore(%run_scoped3A : memref<!tpu.dma_semaphore, #tpu.memory_space<semaphore_mem>>)
      %dma_wait3A_167 = arith.constant 0 : i32
      %dma_wait3A_168 = tpu.memref_slice %arg14[%mul3A_4, %dma_wait3A_167] : memref<10000x72xf32, #tpu.memory_space<vmem_shared>> -> memref<640x72xf32, #tpu.memory_space<vmem_shared>>
      %dma_wait3A_169 = arith.constant 0 : i32
      %dma_wait3A_170 = tpu.memref_slice %arg6[%mul3A_2, %dma_wait3A_169] : memref<10000x128xf32, #tpu.memory_space<hbm>> -> memref<640x72xf32, #tpu.memory_space<hbm>>
      tpu.wait_dma2 semaphore(%run_scoped3A : memref<!tpu.dma_semaphore, #tpu.memory_space<semaphore_mem>>) src(%dma_wait3A_170 : memref<640x72xf32, #tpu.memory_space<hbm>>) dst(%dma_wait3A_168 : memref<640x72xf32, #tpu.memory_space<vmem_shared>>)
      tpu.yield
    }) : () -> ()
    "tpu.region"() ({
      %run_scoped3A = tpu.sem_alloc : memref<!tpu.dma_semaphore, #tpu.memory_space<semaphore_mem>>
      %dma_start3A_163 = arith.constant 0 : i32
      %dma_start3A_164 = arith.constant 0 : i32
      %dma_start3A_165 = tpu.memref_slice %arg2[%add3A, %dma_start3A_163, %dma_start3A_164] : memref<32x125x80xi32, #tpu.memory_space<hbm>> -> memref<1x125x80xi32, #tpu.memory_space<hbm>>
      %dma_start3A_166 = tpu.memref_squeeze %dma_start3A_165 : memref<1x125x80xi32, #tpu.memory_space<hbm>> -> memref<125x80xi32, #tpu.memory_space<hbm>>
      %dma_start3A_167 = arith.constant 0 : i32
      %dma_start3A_168 = arith.constant 0 : i32
      %dma_start3A_169 = tpu.memref_slice %arg2[%add3A, %dma_start3A_167, %dma_start3A_168] : memref<32x125x80xi32, #tpu.memory_space<hbm>> -> memref<1x125x80xi32, #tpu.memory_space<hbm>>
      %dma_start3A_170 = tpu.memref_squeeze %dma_start3A_169 : memref<1x125x80xi32, #tpu.memory_space<hbm>> -> memref<125x80xi32, #tpu.memory_space<hbm>>
      tpu.enqueue_dma source(%dma_start3A_170 : memref<125x80xi32, #tpu.memory_space<hbm>>) target(%arg8 : memref<125x80xi32, #tpu.memory_space<vmem>>) target_semaphore(%run_scoped3A : memref<!tpu.dma_semaphore, #tpu.memory_space<semaphore_mem>>)
      %dma_wait3A_171 = arith.constant 0 : i32
      %dma_wait3A_172 = arith.constant 0 : i32
      %dma_wait3A_173 = tpu.memref_slice %arg2[%add3A, %dma_wait3A_171, %dma_wait3A_172] : memref<32x125x80xi32, #tpu.memory_space<hbm>> -> memref<1x125x80xi32, #tpu.memory_space<hbm>>
      %dma_wait3A_174 = tpu.memref_squeeze %dma_wait3A_173 : memref<1x125x80xi32, #tpu.memory_space<hbm>> -> memref<125x80xi32, #tpu.memory_space<hbm>>
      %dma_wait3A_175 = arith.constant 0 : i32
      %dma_wait3A_176 = arith.constant 0 : i32
      %dma_wait3A_177 = tpu.memref_slice %arg2[%add3A, %dma_wait3A_175, %dma_wait3A_176] : memref<32x125x80xi32, #tpu.memory_space<hbm>> -> memref<1x125x80xi32, #tpu.memory_space<hbm>>
      %dma_wait3A_178 = tpu.memref_squeeze %dma_wait3A_177 : memref<1x125x80xi32, #tpu.memory_space<hbm>> -> memref<125x80xi32, #tpu.memory_space<hbm>>
      tpu.wait_dma2 semaphore(%run_scoped3A : memref<!tpu.dma_semaphore, #tpu.memory_space<semaphore_mem>>) src(%dma_wait3A_178 : memref<125x80xi32, #tpu.memory_space<hbm>>) dst(%arg8 : memref<125x80xi32, #tpu.memory_space<vmem>>)
      tpu.yield
    }) : () -> ()
    "tpu.region"() ({
      %run_scoped3A = tpu.sem_alloc : memref<!tpu.dma_semaphore, #tpu.memory_space<semaphore_mem>>
      %dma_start3A_163 = arith.constant 0 : i32
      %dma_start3A_164 = arith.constant 0 : i32
      %dma_start3A_165 = tpu.memref_slice %arg3[%add3A, %dma_start3A_163, %dma_start3A_164] : memref<32x125x80xi32, #tpu.memory_space<hbm>> -> memref<1x125x80xi32, #tpu.memory_space<hbm>>
      %dma_start3A_166 = tpu.memref_squeeze %dma_start3A_165 : memref<1x125x80xi32, #tpu.memory_space<hbm>> -> memref<125x80xi32, #tpu.memory_space<hbm>>
      %dma_start3A_167 = arith.constant 0 : i32
      %dma_start3A_168 = arith.constant 0 : i32
      %dma_start3A_169 = tpu.memref_slice %arg3[%add3A, %dma_start3A_167, %dma_start3A_168] : memref<32x125x80xi32, #tpu.memory_space<hbm>> -> memref<1x125x80xi32, #tpu.memory_space<hbm>>
      %dma_start3A_170 = tpu.memref_squeeze %dma_start3A_169 : memref<1x125x80xi32, #tpu.memory_space<hbm>> -> memref<125x80xi32, #tpu.memory_space<hbm>>
      tpu.enqueue_dma source(%dma_start3A_170 : memref<125x80xi32, #tpu.memory_space<hbm>>) target(%arg9 : memref<125x80xi32, #tpu.memory_space<vmem>>) target_semaphore(%run_scoped3A : memref<!tpu.dma_semaphore, #tpu.memory_space<semaphore_mem>>)
      %dma_wait3A_171 = arith.constant 0 : i32
      %dma_wait3A_172 = arith.constant 0 : i32
      %dma_wait3A_173 = tpu.memref_slice %arg3[%add3A, %dma_wait3A_171, %dma_wait3A_172] : memref<32x125x80xi32, #tpu.memory_space<hbm>> -> memref<1x125x80xi32, #tpu.memory_space<hbm>>
      %dma_wait3A_174 = tpu.memref_squeeze %dma_wait3A_173 : memref<1x125x80xi32, #tpu.memory_space<hbm>> -> memref<125x80xi32, #tpu.memory_space<hbm>>
      %dma_wait3A_175 = arith.constant 0 : i32
      %dma_wait3A_176 = arith.constant 0 : i32
      %dma_wait3A_177 = tpu.memref_slice %arg3[%add3A, %dma_wait3A_175, %dma_wait3A_176] : memref<32x125x80xi32, #tpu.memory_space<hbm>> -> memref<1x125x80xi32, #tpu.memory_space<hbm>>
      %dma_wait3A_178 = tpu.memref_squeeze %dma_wait3A_177 : memref<1x125x80xi32, #tpu.memory_space<hbm>> -> memref<125x80xi32, #tpu.memory_space<hbm>>
      tpu.wait_dma2 semaphore(%run_scoped3A : memref<!tpu.dma_semaphore, #tpu.memory_space<semaphore_mem>>) src(%dma_wait3A_178 : memref<125x80xi32, #tpu.memory_space<hbm>>) dst(%arg9 : memref<125x80xi32, #tpu.memory_space<vmem>>)
      tpu.yield
    }) : () -> ()
    %barrier3A = arith.constant 0 : index
    tpu.barrier barrier_id(%barrier3A)
    %iota3A = tpu.iota {dimensions = array<i32: 0>} : vector<16xi32>
    %dma_start3A = arith.constant 0 : i32
    %dma_start3A_5 = arith.constant 0 : i32
    %dma_start3A_6 = arith.constant 0 : i32
    %dma_start3A_7 = arith.constant 0 : i32
    %dma_start3A_8 = arith.constant 0 : i32
    %dma_start3A_9 = tpu.memref_slice %arg10[%dma_start3A_5, %dma_start3A_7, %dma_start3A_8] : memref<4x80x72xf32, #tpu.memory_space<vmem>> -> memref<1x80x72xf32, #tpu.memory_space<vmem>>
    %dma_start3A_10 = tpu.memref_squeeze %dma_start3A_9 : memref<1x80x72xf32, #tpu.memory_space<vmem>> -> memref<80x72xf32, #tpu.memory_space<vmem>>
    %dma_start3A_11 = arith.constant 0 : i32
    %dma_start3A_12 = tpu.memref_slice %arg8[%dma_start3A, %dma_start3A_11] : memref<125x80xi32, #tpu.memory_space<vmem>> -> memref<1x80xi32, #tpu.memory_space<vmem>>
    %dma_start3A_13 = tpu.memref_squeeze %dma_start3A_12 : memref<1x80xi32, #tpu.memory_space<vmem>> -> memref<80xi32, #tpu.memory_space<vmem>>
    %dma_start3A_14 = arith.constant 0 : i32
    %dma_start3A_15 = arith.constant 0 : i32
    %dma_start3A_16 = tpu.memref_slice %arg4[%dma_start3A_14, %dma_start3A_15] : memref<10000x72xf32, #tpu.memory_space<hbm>> -> memref<10000x72xf32, #tpu.memory_space<hbm>>
    %dma_start3A_17 = tpu.memref_slice %arg15[%dma_start3A_6] : memref<4x!tpu.dma_semaphore, #tpu.memory_space<semaphore_mem>> -> memref<1x!tpu.dma_semaphore, #tpu.memory_space<semaphore_mem>>
    %dma_start3A_18 = tpu.memref_squeeze %dma_start3A_17 : memref<1x!tpu.dma_semaphore, #tpu.memory_space<semaphore_mem>> -> memref<!tpu.dma_semaphore, #tpu.memory_space<semaphore_mem>>
    tpu.enqueue_indirect_dma source(%dma_start3A_16 : memref<10000x72xf32, #tpu.memory_space<hbm>>) target(%dma_start3A_10 : memref<80x72xf32, #tpu.memory_space<vmem>>) offsets(%dma_start3A_13 : memref<80xi32, #tpu.memory_space<vmem>>) semaphore(%dma_start3A_18 : memref<!tpu.dma_semaphore, #tpu.memory_space<semaphore_mem>>)
    %dma_start3A_19 = arith.constant 0 : i32
    %dma_start3A_20 = arith.constant 0 : i32
    %dma_start3A_21 = arith.constant 0 : i32
    %dma_start3A_22 = arith.constant 0 : i32
    %dma_start3A_23 = arith.constant 0 : i32
    %dma_start3A_24 = tpu.memref_slice %arg11[%dma_start3A_20, %dma_start3A_22, %dma_start3A_23] : memref<4x80x16xf32, #tpu.memory_space<vmem>> -> memref<1x80x16xf32, #tpu.memory_space<vmem>>
    %dma_start3A_25 = tpu.memref_squeeze %dma_start3A_24 : memref<1x80x16xf32, #tpu.memory_space<vmem>> -> memref<80x16xf32, #tpu.memory_space<vmem>>
    %dma_start3A_26 = arith.constant 0 : i32
    %dma_start3A_27 = tpu.memref_slice %arg9[%dma_start3A_19, %dma_start3A_26] : memref<125x80xi32, #tpu.memory_space<vmem>> -> memref<1x80xi32, #tpu.memory_space<vmem>>
    %dma_start3A_28 = tpu.memref_squeeze %dma_start3A_27 : memref<1x80xi32, #tpu.memory_space<vmem>> -> memref<80xi32, #tpu.memory_space<vmem>>
    %dma_start3A_29 = arith.constant 0 : i32
    %dma_start3A_30 = arith.constant 0 : i32
    %dma_start3A_31 = tpu.memref_slice %arg5[%dma_start3A_29, %dma_start3A_30] : memref<10000x16xf32, #tpu.memory_space<hbm>> -> memref<10000x16xf32, #tpu.memory_space<hbm>>
    %dma_start3A_32 = tpu.memref_slice %arg16[%dma_start3A_21] : memref<4x!tpu.dma_semaphore, #tpu.memory_space<semaphore_mem>> -> memref<1x!tpu.dma_semaphore, #tpu.memory_space<semaphore_mem>>
    %dma_start3A_33 = tpu.memref_squeeze %dma_start3A_32 : memref<1x!tpu.dma_semaphore, #tpu.memory_space<semaphore_mem>> -> memref<!tpu.dma_semaphore, #tpu.memory_space<semaphore_mem>>
    tpu.enqueue_indirect_dma source(%dma_start3A_31 : memref<10000x16xf32, #tpu.memory_space<hbm>>) target(%dma_start3A_25 : memref<80x16xf32, #tpu.memory_space<vmem>>) offsets(%dma_start3A_28 : memref<80xi32, #tpu.memory_space<vmem>>) semaphore(%dma_start3A_33 : memref<!tpu.dma_semaphore, #tpu.memory_space<semaphore_mem>>)
    %dma_start3A_34 = arith.constant 1 : i32
    %dma_start3A_35 = arith.constant 1 : i32
    %dma_start3A_36 = arith.constant 1 : i32
    %dma_start3A_37 = arith.constant 0 : i32
    %dma_start3A_38 = arith.constant 0 : i32
    %dma_start3A_39 = tpu.memref_slice %arg10[%dma_start3A_35, %dma_start3A_37, %dma_start3A_38] : memref<4x80x72xf32, #tpu.memory_space<vmem>> -> memref<1x80x72xf32, #tpu.memory_space<vmem>>
    %dma_start3A_40 = tpu.memref_squeeze %dma_start3A_39 : memref<1x80x72xf32, #tpu.memory_space<vmem>> -> memref<80x72xf32, #tpu.memory_space<vmem>>
    %dma_start3A_41 = arith.constant 0 : i32
    %dma_start3A_42 = tpu.memref_slice %arg8[%dma_start3A_34, %dma_start3A_41] : memref<125x80xi32, #tpu.memory_space<vmem>> -> memref<1x80xi32, #tpu.memory_space<vmem>>
    %dma_start3A_43 = tpu.memref_squeeze %dma_start3A_42 : memref<1x80xi32, #tpu.memory_space<vmem>> -> memref<80xi32, #tpu.memory_space<vmem>>
    %dma_start3A_44 = arith.constant 0 : i32
    %dma_start3A_45 = arith.constant 0 : i32
    %dma_start3A_46 = tpu.memref_slice %arg4[%dma_start3A_44, %dma_start3A_45] : memref<10000x72xf32, #tpu.memory_space<hbm>> -> memref<10000x72xf32, #tpu.memory_space<hbm>>
    %dma_start3A_47 = tpu.memref_slice %arg15[%dma_start3A_36] : memref<4x!tpu.dma_semaphore, #tpu.memory_space<semaphore_mem>> -> memref<1x!tpu.dma_semaphore, #tpu.memory_space<semaphore_mem>>
    %dma_start3A_48 = tpu.memref_squeeze %dma_start3A_47 : memref<1x!tpu.dma_semaphore, #tpu.memory_space<semaphore_mem>> -> memref<!tpu.dma_semaphore, #tpu.memory_space<semaphore_mem>>
    tpu.enqueue_indirect_dma source(%dma_start3A_46 : memref<10000x72xf32, #tpu.memory_space<hbm>>) target(%dma_start3A_40 : memref<80x72xf32, #tpu.memory_space<vmem>>) offsets(%dma_start3A_43 : memref<80xi32, #tpu.memory_space<vmem>>) semaphore(%dma_start3A_48 : memref<!tpu.dma_semaphore, #tpu.memory_space<semaphore_mem>>)
    %dma_start3A_49 = arith.constant 1 : i32
    %dma_start3A_50 = arith.constant 1 : i32
    %dma_start3A_51 = arith.constant 1 : i32
    %dma_start3A_52 = arith.constant 0 : i32
    %dma_start3A_53 = arith.constant 0 : i32
    %dma_start3A_54 = tpu.memref_slice %arg11[%dma_start3A_50, %dma_start3A_52, %dma_start3A_53] : memref<4x80x16xf32, #tpu.memory_space<vmem>> -> memref<1x80x16xf32, #tpu.memory_space<vmem>>
    %dma_start3A_55 = tpu.memref_squeeze %dma_start3A_54 : memref<1x80x16xf32, #tpu.memory_space<vmem>> -> memref<80x16xf32, #tpu.memory_space<vmem>>
    %dma_start3A_56 = arith.constant 0 : i32
    %dma_start3A_57 = tpu.memref_slice %arg9[%dma_start3A_49, %dma_start3A_56] : memref<125x80xi32, #tpu.memory_space<vmem>> -> memref<1x80xi32, #tpu.memory_space<vmem>>
    %dma_start3A_58 = tpu.memref_squeeze %dma_start3A_57 : memref<1x80xi32, #tpu.memory_space<vmem>> -> memref<80xi32, #tpu.memory_space<vmem>>
    %dma_start3A_59 = arith.constant 0 : i32
    %dma_start3A_60 = arith.constant 0 : i32
    %dma_start3A_61 = tpu.memref_slice %arg5[%dma_start3A_59, %dma_start3A_60] : memref<10000x16xf32, #tpu.memory_space<hbm>> -> memref<10000x16xf32, #tpu.memory_space<hbm>>
    %dma_start3A_62 = tpu.memref_slice %arg16[%dma_start3A_51] : memref<4x!tpu.dma_semaphore, #tpu.memory_space<semaphore_mem>> -> memref<1x!tpu.dma_semaphore, #tpu.memory_space<semaphore_mem>>
    %dma_start3A_63 = tpu.memref_squeeze %dma_start3A_62 : memref<1x!tpu.dma_semaphore, #tpu.memory_space<semaphore_mem>> -> memref<!tpu.dma_semaphore, #tpu.memory_space<semaphore_mem>>
    tpu.enqueue_indirect_dma source(%dma_start3A_61 : memref<10000x16xf32, #tpu.memory_space<hbm>>) target(%dma_start3A_55 : memref<80x16xf32, #tpu.memory_space<vmem>>) offsets(%dma_start3A_58 : memref<80xi32, #tpu.memory_space<vmem>>) semaphore(%dma_start3A_63 : memref<!tpu.dma_semaphore, #tpu.memory_space<semaphore_mem>>)
    %dma_start3A_64 = arith.constant 2 : i32
    %dma_start3A_65 = arith.constant 2 : i32
    %dma_start3A_66 = arith.constant 2 : i32
    %dma_start3A_67 = arith.constant 0 : i32
    %dma_start3A_68 = arith.constant 0 : i32
    %dma_start3A_69 = tpu.memref_slice %arg10[%dma_start3A_65, %dma_start3A_67, %dma_start3A_68] : memref<4x80x72xf32, #tpu.memory_space<vmem>> -> memref<1x80x72xf32, #tpu.memory_space<vmem>>
    %dma_start3A_70 = tpu.memref_squeeze %dma_start3A_69 : memref<1x80x72xf32, #tpu.memory_space<vmem>> -> memref<80x72xf32, #tpu.memory_space<vmem>>
    %dma_start3A_71 = arith.constant 0 : i32
    %dma_start3A_72 = tpu.memref_slice %arg8[%dma_start3A_64, %dma_start3A_71] : memref<125x80xi32, #tpu.memory_space<vmem>> -> memref<1x80xi32, #tpu.memory_space<vmem>>
    %dma_start3A_73 = tpu.memref_squeeze %dma_start3A_72 : memref<1x80xi32, #tpu.memory_space<vmem>> -> memref<80xi32, #tpu.memory_space<vmem>>
    %dma_start3A_74 = arith.constant 0 : i32
    %dma_start3A_75 = arith.constant 0 : i32
    %dma_start3A_76 = tpu.memref_slice %arg4[%dma_start3A_74, %dma_start3A_75] : memref<10000x72xf32, #tpu.memory_space<hbm>> -> memref<10000x72xf32, #tpu.memory_space<hbm>>
    %dma_start3A_77 = tpu.memref_slice %arg15[%dma_start3A_66] : memref<4x!tpu.dma_semaphore, #tpu.memory_space<semaphore_mem>> -> memref<1x!tpu.dma_semaphore, #tpu.memory_space<semaphore_mem>>
    %dma_start3A_78 = tpu.memref_squeeze %dma_start3A_77 : memref<1x!tpu.dma_semaphore, #tpu.memory_space<semaphore_mem>> -> memref<!tpu.dma_semaphore, #tpu.memory_space<semaphore_mem>>
    tpu.enqueue_indirect_dma source(%dma_start3A_76 : memref<10000x72xf32, #tpu.memory_space<hbm>>) target(%dma_start3A_70 : memref<80x72xf32, #tpu.memory_space<vmem>>) offsets(%dma_start3A_73 : memref<80xi32, #tpu.memory_space<vmem>>) semaphore(%dma_start3A_78 : memref<!tpu.dma_semaphore, #tpu.memory_space<semaphore_mem>>)
    %dma_start3A_79 = arith.constant 2 : i32
    %dma_start3A_80 = arith.constant 2 : i32
    %dma_start3A_81 = arith.constant 2 : i32
    %dma_start3A_82 = arith.constant 0 : i32
    %dma_start3A_83 = arith.constant 0 : i32
    %dma_start3A_84 = tpu.memref_slice %arg11[%dma_start3A_80, %dma_start3A_82, %dma_start3A_83] : memref<4x80x16xf32, #tpu.memory_space<vmem>> -> memref<1x80x16xf32, #tpu.memory_space<vmem>>
    %dma_start3A_85 = tpu.memref_squeeze %dma_start3A_84 : memref<1x80x16xf32, #tpu.memory_space<vmem>> -> memref<80x16xf32, #tpu.memory_space<vmem>>
    %dma_start3A_86 = arith.constant 0 : i32
    %dma_start3A_87 = tpu.memref_slice %arg9[%dma_start3A_79, %dma_start3A_86] : memref<125x80xi32, #tpu.memory_space<vmem>> -> memref<1x80xi32, #tpu.memory_space<vmem>>
    %dma_start3A_88 = tpu.memref_squeeze %dma_start3A_87 : memref<1x80xi32, #tpu.memory_space<vmem>> -> memref<80xi32, #tpu.memory_space<vmem>>
    %dma_start3A_89 = arith.constant 0 : i32
    %dma_start3A_90 = arith.constant 0 : i32
    %dma_start3A_91 = tpu.memref_slice %arg5[%dma_start3A_89, %dma_start3A_90] : memref<10000x16xf32, #tpu.memory_space<hbm>> -> memref<10000x16xf32, #tpu.memory_space<hbm>>
    %dma_start3A_92 = tpu.memref_slice %arg16[%dma_start3A_81] : memref<4x!tpu.dma_semaphore, #tpu.memory_space<semaphore_mem>> -> memref<1x!tpu.dma_semaphore, #tpu.memory_space<semaphore_mem>>
    %dma_start3A_93 = tpu.memref_squeeze %dma_start3A_92 : memref<1x!tpu.dma_semaphore, #tpu.memory_space<semaphore_mem>> -> memref<!tpu.dma_semaphore, #tpu.memory_space<semaphore_mem>>
    tpu.enqueue_indirect_dma source(%dma_start3A_91 : memref<10000x16xf32, #tpu.memory_space<hbm>>) target(%dma_start3A_85 : memref<80x16xf32, #tpu.memory_space<vmem>>) offsets(%dma_start3A_88 : memref<80xi32, #tpu.memory_space<vmem>>) semaphore(%dma_start3A_93 : memref<!tpu.dma_semaphore, #tpu.memory_space<semaphore_mem>>)
    %scan3A = arith.constant 0 : i32
    %scan3A_94 = arith.constant 0 : i32
    %scan3A_95 = arith.constant 125 : i32
    %scan3A_96 = arith.addi %scan3A_94, %scan3A_95 : i32
    %scan3A_97 = arith.constant 1 : i32
    scf.for %scan3A_163 = %scan3A_94 to %scan3A_96 step %scan3A_97  : i32 {
      %rem3A = arith.constant 4 : i32
      %rem3A_164 = arith.remsi %scan3A_163, %rem3A : i32
      %add3A_165 = arith.constant 4 : i32
      %add3A_166 = arith.addi %scan3A_163, %add3A_165 : i32
      %sub3A = arith.constant 1 : i32
      %sub3A_167 = arith.subi %add3A_166, %sub3A : i32
      %lt3A = arith.constant 125 : i32
      %lt3A_168 = arith.cmpi slt, %sub3A_167, %lt3A : i32
      %convert_element_type3A = arith.extui %lt3A_168 : i1 to i32
      %cond3A = arith.constant 0 : i32
      %cond3A_169 = arith.cmpi ne, %convert_element_type3A, %cond3A : i32
      scf.if %cond3A_169 {
        %add3A_212 = arith.constant 4 : i32
        %add3A_213 = arith.addi %scan3A_163, %add3A_212 : i32
        %sub3A_214 = arith.constant 1 : i32
        %sub3A_215 = arith.subi %add3A_213, %sub3A_214 : i32
        %add3A_216 = arith.constant 4 : i32
        %add3A_217 = arith.addi %scan3A_163, %add3A_216 : i32
        %sub3A_218 = arith.constant 1 : i32
        %sub3A_219 = arith.subi %add3A_217, %sub3A_218 : i32
        %rem3A_220 = arith.constant 4 : i32
        %rem3A_221 = arith.remsi %sub3A_219, %rem3A_220 : i32
        %dma_start3A_222 = arith.constant 0 : i32
        %dma_start3A_223 = arith.constant 0 : i32
        %dma_start3A_224 = tpu.memref_slice %arg10[%rem3A_221, %dma_start3A_222, %dma_start3A_223] : memref<4x80x72xf32, #tpu.memory_space<vmem>> -> memref<1x80x72xf32, #tpu.memory_space<vmem>>
        %dma_start3A_225 = tpu.memref_squeeze %dma_start3A_224 : memref<1x80x72xf32, #tpu.memory_space<vmem>> -> memref<80x72xf32, #tpu.memory_space<vmem>>
        %dma_start3A_226 = arith.constant 0 : i32
        %dma_start3A_227 = tpu.memref_slice %arg8[%sub3A_215, %dma_start3A_226] : memref<125x80xi32, #tpu.memory_space<vmem>> -> memref<1x80xi32, #tpu.memory_space<vmem>>
        %dma_start3A_228 = tpu.memref_squeeze %dma_start3A_227 : memref<1x80xi32, #tpu.memory_space<vmem>> -> memref<80xi32, #tpu.memory_space<vmem>>
        %dma_start3A_229 = arith.constant 0 : i32
        %dma_start3A_230 = arith.constant 0 : i32
        %dma_start3A_231 = tpu.memref_slice %arg4[%dma_start3A_229, %dma_start3A_230] : memref<10000x72xf32, #tpu.memory_space<hbm>> -> memref<10000x72xf32, #tpu.memory_space<hbm>>
        %dma_start3A_232 = tpu.memref_slice %arg15[%rem3A_221] : memref<4x!tpu.dma_semaphore, #tpu.memory_space<semaphore_mem>> -> memref<1x!tpu.dma_semaphore, #tpu.memory_space<semaphore_mem>>
        %dma_start3A_233 = tpu.memref_squeeze %dma_start3A_232 : memref<1x!tpu.dma_semaphore, #tpu.memory_space<semaphore_mem>> -> memref<!tpu.dma_semaphore, #tpu.memory_space<semaphore_mem>>
        tpu.enqueue_indirect_dma source(%dma_start3A_231 : memref<10000x72xf32, #tpu.memory_space<hbm>>) target(%dma_start3A_225 : memref<80x72xf32, #tpu.memory_space<vmem>>) offsets(%dma_start3A_228 : memref<80xi32, #tpu.memory_space<vmem>>) semaphore(%dma_start3A_233 : memref<!tpu.dma_semaphore, #tpu.memory_space<semaphore_mem>>)
        %dma_start3A_234 = arith.constant 0 : i32
        %dma_start3A_235 = arith.constant 0 : i32
        %dma_start3A_236 = tpu.memref_slice %arg11[%rem3A_221, %dma_start3A_234, %dma_start3A_235] : memref<4x80x16xf32, #tpu.memory_space<vmem>> -> memref<1x80x16xf32, #tpu.memory_space<vmem>>
        %dma_start3A_237 = tpu.memref_squeeze %dma_start3A_236 : memref<1x80x16xf32, #tpu.memory_space<vmem>> -> memref<80x16xf32, #tpu.memory_space<vmem>>
        %dma_start3A_238 = arith.constant 0 : i32
        %dma_start3A_239 = tpu.memref_slice %arg9[%sub3A_215, %dma_start3A_238] : memref<125x80xi32, #tpu.memory_space<vmem>> -> memref<1x80xi32, #tpu.memory_space<vmem>>
        %dma_start3A_240 = tpu.memref_squeeze %dma_start3A_239 : memref<1x80xi32, #tpu.memory_space<vmem>> -> memref<80xi32, #tpu.memory_space<vmem>>
        %dma_start3A_241 = arith.constant 0 : i32
        %dma_start3A_242 = arith.constant 0 : i32
        %dma_start3A_243 = tpu.memref_slice %arg5[%dma_start3A_241, %dma_start3A_242] : memref<10000x16xf32, #tpu.memory_space<hbm>> -> memref<10000x16xf32, #tpu.memory_space<hbm>>
        %dma_start3A_244 = tpu.memref_slice %arg16[%rem3A_221] : memref<4x!tpu.dma_semaphore, #tpu.memory_space<semaphore_mem>> -> memref<1x!tpu.dma_semaphore, #tpu.memory_space<semaphore_mem>>
        %dma_start3A_245 = tpu.memref_squeeze %dma_start3A_244 : memref<1x!tpu.dma_semaphore, #tpu.memory_space<semaphore_mem>> -> memref<!tpu.dma_semaphore, #tpu.memory_space<semaphore_mem>>
        tpu.enqueue_indirect_dma source(%dma_start3A_243 : memref<10000x16xf32, #tpu.memory_space<hbm>>) target(%dma_start3A_237 : memref<80x16xf32, #tpu.memory_space<vmem>>) offsets(%dma_start3A_240 : memref<80xi32, #tpu.memory_space<vmem>>) semaphore(%dma_start3A_245 : memref<!tpu.dma_semaphore, #tpu.memory_space<semaphore_mem>>)
      } else {
      }
      %dma_wait3A_170 = arith.constant 0 : i32
      %dma_wait3A_171 = arith.constant 0 : i32
      %dma_wait3A_172 = tpu.memref_slice %arg10[%rem3A_164, %dma_wait3A_170, %dma_wait3A_171] : memref<4x80x72xf32, #tpu.memory_space<vmem>> -> memref<1x80x72xf32, #tpu.memory_space<vmem>>
      %dma_wait3A_173 = tpu.memref_squeeze %dma_wait3A_172 : memref<1x80x72xf32, #tpu.memory_space<vmem>> -> memref<80x72xf32, #tpu.memory_space<vmem>>
      %dma_wait3A_174 = arith.constant 0 : i32
      %dma_wait3A_175 = tpu.memref_slice %arg8[%scan3A_163, %dma_wait3A_174] : memref<125x80xi32, #tpu.memory_space<vmem>> -> memref<1x80xi32, #tpu.memory_space<vmem>>
      %dma_wait3A_176 = tpu.memref_squeeze %dma_wait3A_175 : memref<1x80xi32, #tpu.memory_space<vmem>> -> memref<80xi32, #tpu.memory_space<vmem>>
      %dma_wait3A_177 = arith.constant 0 : i32
      %dma_wait3A_178 = arith.constant 0 : i32
      %dma_wait3A_179 = tpu.memref_slice %arg4[%dma_wait3A_177, %dma_wait3A_178] : memref<10000x72xf32, #tpu.memory_space<hbm>> -> memref<10000x72xf32, #tpu.memory_space<hbm>>
      %dma_wait3A_180 = tpu.memref_slice %arg15[%rem3A_164] : memref<4x!tpu.dma_semaphore, #tpu.memory_space<semaphore_mem>> -> memref<1x!tpu.dma_semaphore, #tpu.memory_space<semaphore_mem>>
      %dma_wait3A_181 = tpu.memref_squeeze %dma_wait3A_180 : memref<1x!tpu.dma_semaphore, #tpu.memory_space<semaphore_mem>> -> memref<!tpu.dma_semaphore, #tpu.memory_space<semaphore_mem>>
      tpu.wait_indirect_dma semaphore(%dma_wait3A_181 : memref<!tpu.dma_semaphore, #tpu.memory_space<semaphore_mem>>) src(%dma_wait3A_179 : memref<10000x72xf32, #tpu.memory_space<hbm>>) dst(%dma_wait3A_173 : memref<80x72xf32, #tpu.memory_space<vmem>>)
      %dma_wait3A_182 = arith.constant 0 : i32
      %dma_wait3A_183 = arith.constant 0 : i32
      %dma_wait3A_184 = tpu.memref_slice %arg11[%rem3A_164, %dma_wait3A_182, %dma_wait3A_183] : memref<4x80x16xf32, #tpu.memory_space<vmem>> -> memref<1x80x16xf32, #tpu.memory_space<vmem>>
      %dma_wait3A_185 = tpu.memref_squeeze %dma_wait3A_184 : memref<1x80x16xf32, #tpu.memory_space<vmem>> -> memref<80x16xf32, #tpu.memory_space<vmem>>
      %dma_wait3A_186 = arith.constant 0 : i32
      %dma_wait3A_187 = tpu.memref_slice %arg9[%scan3A_163, %dma_wait3A_186] : memref<125x80xi32, #tpu.memory_space<vmem>> -> memref<1x80xi32, #tpu.memory_space<vmem>>
      %dma_wait3A_188 = tpu.memref_squeeze %dma_wait3A_187 : memref<1x80xi32, #tpu.memory_space<vmem>> -> memref<80xi32, #tpu.memory_space<vmem>>
      %dma_wait3A_189 = arith.constant 0 : i32
      %dma_wait3A_190 = arith.constant 0 : i32
      %dma_wait3A_191 = tpu.memref_slice %arg5[%dma_wait3A_189, %dma_wait3A_190] : memref<10000x16xf32, #tpu.memory_space<hbm>> -> memref<10000x16xf32, #tpu.memory_space<hbm>>
      %dma_wait3A_192 = tpu.memref_slice %arg16[%rem3A_164] : memref<4x!tpu.dma_semaphore, #tpu.memory_space<semaphore_mem>> -> memref<1x!tpu.dma_semaphore, #tpu.memory_space<semaphore_mem>>
      %dma_wait3A_193 = tpu.memref_squeeze %dma_wait3A_192 : memref<1x!tpu.dma_semaphore, #tpu.memory_space<semaphore_mem>> -> memref<!tpu.dma_semaphore, #tpu.memory_space<semaphore_mem>>
      tpu.wait_indirect_dma semaphore(%dma_wait3A_193 : memref<!tpu.dma_semaphore, #tpu.memory_space<semaphore_mem>>) src(%dma_wait3A_191 : memref<10000x16xf32, #tpu.memory_space<hbm>>) dst(%dma_wait3A_185 : memref<80x16xf32, #tpu.memory_space<vmem>>)
      %ge3A = arith.constant 4 : i32
      %ge3A_194 = arith.cmpi sge, %scan3A_163, %ge3A : i32
      %convert_element_type3A_195 = arith.extui %ge3A_194 : i1 to i32
      %cond3A_196 = arith.constant 0 : i32
      %cond3A_197 = arith.cmpi ne, %convert_element_type3A_195, %cond3A_196 : i32
      scf.if %cond3A_197 {
        %dma_wait3A_212 = arith.constant 0 : i32
        %dma_wait3A_213 = arith.constant 0 : i32
        %dma_wait3A_214 = tpu.memref_slice %arg12[%rem3A_164, %dma_wait3A_212, %dma_wait3A_213] : memref<4x80x72xf32, #tpu.memory_space<vmem>> -> memref<1x80x72xf32, #tpu.memory_space<vmem>>
        %dma_wait3A_215 = tpu.memref_squeeze %dma_wait3A_214 : memref<1x80x72xf32, #tpu.memory_space<vmem>> -> memref<80x72xf32, #tpu.memory_space<vmem>>
        %dma_wait3A_216 = arith.constant 0 : i32
        %dma_wait3A_217 = tpu.memref_slice %arg9[%scan3A_163, %dma_wait3A_216] : memref<125x80xi32, #tpu.memory_space<vmem>> -> memref<1x80xi32, #tpu.memory_space<vmem>>
        %dma_wait3A_218 = tpu.memref_squeeze %dma_wait3A_217 : memref<1x80xi32, #tpu.memory_space<vmem>> -> memref<80xi32, #tpu.memory_space<vmem>>
        %dma_wait3A_219 = arith.constant 0 : i32
        %dma_wait3A_220 = arith.constant 0 : i32
        %dma_wait3A_221 = tpu.memref_slice %arg14[%dma_wait3A_219, %dma_wait3A_220] : memref<10000x72xf32, #tpu.memory_space<vmem_shared>> -> memref<10000x72xf32, #tpu.memory_space<vmem_shared>>
        %dma_wait3A_222 = tpu.memref_slice %arg17[%rem3A_164] : memref<4x!tpu.dma_semaphore, #tpu.memory_space<semaphore_mem>> -> memref<1x!tpu.dma_semaphore, #tpu.memory_space<semaphore_mem>>
        %dma_wait3A_223 = tpu.memref_squeeze %dma_wait3A_222 : memref<1x!tpu.dma_semaphore, #tpu.memory_space<semaphore_mem>> -> memref<!tpu.dma_semaphore, #tpu.memory_space<semaphore_mem>>
        tpu.wait_indirect_dma semaphore(%dma_wait3A_223 : memref<!tpu.dma_semaphore, #tpu.memory_space<semaphore_mem>>) src(%dma_wait3A_215 : memref<80x72xf32, #tpu.memory_space<vmem>>) dst(%dma_wait3A_221 : memref<10000x72xf32, #tpu.memory_space<vmem_shared>>)
      } else {
      }
      %parallel_loop3A = arith.constant 0 : i32
      %parallel_loop3A_198 = arith.constant 80 : i32
      %parallel_loop3A_199 = arith.constant 1 : i32
      scf.for %parallel_loop3A_212 = %parallel_loop3A to %parallel_loop3A_198 step %parallel_loop3A_199  : i32 {
        %parallel_loop3A_213 = arith.index_cast %rem3A_164 : i32 to index
        %parallel_loop3A_214 = arith.index_cast %parallel_loop3A_212 : i32 to index
        %parallel_loop3A_215 = arith.constant 0 : index
        %parallel_loop3A_216 = tpu.vector_load %arg10[%parallel_loop3A_213, %parallel_loop3A_214, %parallel_loop3A_215] {strides = array<i32>} : memref<4x80x72xf32, #tpu.memory_space<vmem>>, vector<16xf32>,
        %parallel_loop3A_217 = arith.index_cast %rem3A_164 : i32 to index
        %parallel_loop3A_218 = arith.index_cast %parallel_loop3A_212 : i32 to index
        %parallel_loop3A_219 = arith.constant 0 : index
        %parallel_loop3A_220 = tpu.vector_load %arg11[%parallel_loop3A_217, %parallel_loop3A_218, %parallel_loop3A_219] {strides = array<i32>} : memref<4x80x16xf32, #tpu.memory_space<vmem>>, vector<16xf32>,
        %parallel_loop3A_221 = arith.addf %parallel_loop3A_216, %parallel_loop3A_220 : vector<16xf32>
        %parallel_loop3A_222 = arith.constant 2.000000e-01 : f32
        %parallel_loop3A_223 = vector.broadcast %parallel_loop3A_222 : f32 to vector<16xf32>
        %parallel_loop3A_224 = arith.mulf %parallel_loop3A_223, %parallel_loop3A_221 : vector<16xf32>
        %parallel_loop3A_225 = arith.maximumf %parallel_loop3A_221, %parallel_loop3A_224 : vector<16xf32>
        %parallel_loop3A_226 = math.exp %parallel_loop3A_225 : vector<16xf32>
        %parallel_loop3A_227 = arith.index_cast %rem3A_164 : i32 to index
        %parallel_loop3A_228 = arith.index_cast %parallel_loop3A_212 : i32 to index
        %parallel_loop3A_229 = arith.constant 0 : index
        %parallel_loop3A_230 = tpu.vector_load %arg12[%parallel_loop3A_227, %parallel_loop3A_228, %parallel_loop3A_229] {strides = array<i32>} : memref<4x80x72xf32, #tpu.memory_space<vmem>>, vector<16xf32>,
        tpu.vector_store %arg12[%parallel_loop3A_227, %parallel_loop3A_228, %parallel_loop3A_229], %parallel_loop3A_226 {strides = array<i32>} : memref<4x80x72xf32, #tpu.memory_space<vmem>>, vector<16xf32>,
        %parallel_loop3A_231 = arith.constant 16 : i32
        %parallel_loop3A_232 = arith.muli %parallel_loop3A_212, %parallel_loop3A_231 : i32
        %parallel_loop3A_233 = arith.index_cast %parallel_loop3A_232 : i32 to index
        %parallel_loop3A_234 = tpu.vector_load %arg13[%parallel_loop3A_233] {strides = array<i32>} : memref<1280xf32, #tpu.memory_space<vmem>>, vector<16xf32>,
        tpu.vector_store %arg13[%parallel_loop3A_233], %parallel_loop3A_226 {strides = array<i32>} : memref<1280xf32, #tpu.memory_space<vmem>>, vector<16xf32>,
        %parallel_loop3A_235 = arith.constant 16 : i32
        %parallel_loop3A_236 = arith.muli %parallel_loop3A_212, %parallel_loop3A_235 : i32
        %parallel_loop3A_237 = vector.broadcast %parallel_loop3A_236 : i32 to vector<16xi32>
        %parallel_loop3A_238 = arith.constant 3 : i32
        %parallel_loop3A_239 = vector.broadcast %parallel_loop3A_238 : i32 to vector<16xi32>
        %parallel_loop3A_240 = arith.shrsi %iota3A, %parallel_loop3A_239 : vector<16xi32>
        %parallel_loop3A_241 = arith.addi %parallel_loop3A_237, %parallel_loop3A_240 : vector<16xi32>
        %parallel_loop3A_242 = arith.constant 0 : i32
        %parallel_loop3A_243 = vector.broadcast %parallel_loop3A_242 : i32 to vector<16xi32>
        %parallel_loop3A_244 = arith.addi %parallel_loop3A_241, %parallel_loop3A_243 : vector<16xi32>
        %parallel_loop3A_245 = tpu.vector_load_idx %arg13[%parallel_loop3A_244] : memref<1280xf32, #tpu.memory_space<vmem>>[vector<16xi32>], vector<16xf32>,
        %parallel_loop3A_246 = arith.index_cast %rem3A_164 : i32 to index
        %parallel_loop3A_247 = arith.index_cast %parallel_loop3A_212 : i32 to index
        %parallel_loop3A_248 = arith.constant 8 : index
        %parallel_loop3A_249 = tpu.vector_load %arg10[%parallel_loop3A_246, %parallel_loop3A_247, %parallel_loop3A_248] {strides = array<i32>} : memref<4x80x72xf32, #tpu.memory_space<vmem>>, vector<16xf32>,
        %parallel_loop3A_250 = arith.mulf %parallel_loop3A_249, %parallel_loop3A_245 : vector<16xf32>
        %parallel_loop3A_251 = arith.index_cast %rem3A_164 : i32 to index
        %parallel_loop3A_252 = arith.index_cast %parallel_loop3A_212 : i32 to index
        %parallel_loop3A_253 = arith.constant 8 : index
        %parallel_loop3A_254 = tpu.vector_load %arg12[%parallel_loop3A_251, %parallel_loop3A_252, %parallel_loop3A_253] {strides = array<i32>} : memref<4x80x72xf32, #tpu.memory_space<vmem>>, vector<16xf32>,
        tpu.vector_store %arg12[%parallel_loop3A_251, %parallel_loop3A_252, %parallel_loop3A_253], %parallel_loop3A_250 {strides = array<i32>} : memref<4x80x72xf32, #tpu.memory_space<vmem>>, vector<16xf32>,
        %parallel_loop3A_255 = arith.constant 3 : i32
        %parallel_loop3A_256 = vector.broadcast %parallel_loop3A_255 : i32 to vector<16xi32>
        %parallel_loop3A_257 = arith.shrsi %iota3A, %parallel_loop3A_256 : vector<16xi32>
        %parallel_loop3A_258 = arith.addi %parallel_loop3A_237, %parallel_loop3A_257 : vector<16xi32>
        %parallel_loop3A_259 = arith.constant 2 : i32
        %parallel_loop3A_260 = vector.broadcast %parallel_loop3A_259 : i32 to vector<16xi32>
        %parallel_loop3A_261 = arith.addi %parallel_loop3A_258, %parallel_loop3A_260 : vector<16xi32>
        %parallel_loop3A_262 = tpu.vector_load_idx %arg13[%parallel_loop3A_261] : memref<1280xf32, #tpu.memory_space<vmem>>[vector<16xi32>], vector<16xf32>,
        %parallel_loop3A_263 = arith.index_cast %rem3A_164 : i32 to index
        %parallel_loop3A_264 = arith.index_cast %parallel_loop3A_212 : i32 to index
        %parallel_loop3A_265 = arith.constant 24 : index
        %parallel_loop3A_266 = tpu.vector_load %arg10[%parallel_loop3A_263, %parallel_loop3A_264, %parallel_loop3A_265] {strides = array<i32>} : memref<4x80x72xf32, #tpu.memory_space<vmem>>, vector<16xf32>,
        %parallel_loop3A_267 = arith.mulf %parallel_loop3A_266, %parallel_loop3A_262 : vector<16xf32>
        %parallel_loop3A_268 = arith.index_cast %rem3A_164 : i32 to index
        %parallel_loop3A_269 = arith.index_cast %parallel_loop3A_212 : i32 to index
        %parallel_loop3A_270 = arith.constant 24 : index
        %parallel_loop3A_271 = tpu.vector_load %arg12[%parallel_loop3A_268, %parallel_loop3A_269, %parallel_loop3A_270] {strides = array<i32>} : memref<4x80x72xf32, #tpu.memory_space<vmem>>, vector<16xf32>,
        tpu.vector_store %arg12[%parallel_loop3A_268, %parallel_loop3A_269, %parallel_loop3A_270], %parallel_loop3A_267 {strides = array<i32>} : memref<4x80x72xf32, #tpu.memory_space<vmem>>, vector<16xf32>,
        %parallel_loop3A_272 = arith.constant 3 : i32
        %parallel_loop3A_273 = vector.broadcast %parallel_loop3A_272 : i32 to vector<16xi32>
        %parallel_loop3A_274 = arith.shrsi %iota3A, %parallel_loop3A_273 : vector<16xi32>
        %parallel_loop3A_275 = arith.addi %parallel_loop3A_237, %parallel_loop3A_274 : vector<16xi32>
        %parallel_loop3A_276 = arith.constant 4 : i32
        %parallel_loop3A_277 = vector.broadcast %parallel_loop3A_276 : i32 to vector<16xi32>
        %parallel_loop3A_278 = arith.addi %parallel_loop3A_275, %parallel_loop3A_277 : vector<16xi32>
        %parallel_loop3A_279 = tpu.vector_load_idx %arg13[%parallel_loop3A_278] : memref<1280xf32, #tpu.memory_space<vmem>>[vector<16xi32>], vector<16xf32>,
        %parallel_loop3A_280 = arith.index_cast %rem3A_164 : i32 to index
        %parallel_loop3A_281 = arith.index_cast %parallel_loop3A_212 : i32 to index
        %parallel_loop3A_282 = arith.constant 40 : index
        %parallel_loop3A_283 = tpu.vector_load %arg10[%parallel_loop3A_280, %parallel_loop3A_281, %parallel_loop3A_282] {strides = array<i32>} : memref<4x80x72xf32, #tpu.memory_space<vmem>>, vector<16xf32>,
        %parallel_loop3A_284 = arith.mulf %parallel_loop3A_283, %parallel_loop3A_279 : vector<16xf32>
        %parallel_loop3A_285 = arith.index_cast %rem3A_164 : i32 to index
        %parallel_loop3A_286 = arith.index_cast %parallel_loop3A_212 : i32 to index
        %parallel_loop3A_287 = arith.constant 40 : index
        %parallel_loop3A_288 = tpu.vector_load %arg12[%parallel_loop3A_285, %parallel_loop3A_286, %parallel_loop3A_287] {strides = array<i32>} : memref<4x80x72xf32, #tpu.memory_space<vmem>>, vector<16xf32>,
        tpu.vector_store %arg12[%parallel_loop3A_285, %parallel_loop3A_286, %parallel_loop3A_287], %parallel_loop3A_284 {strides = array<i32>} : memref<4x80x72xf32, #tpu.memory_space<vmem>>, vector<16xf32>,
        %parallel_loop3A_289 = arith.constant 3 : i32
        %parallel_loop3A_290 = vector.broadcast %parallel_loop3A_289 : i32 to vector<16xi32>
        %parallel_loop3A_291 = arith.shrsi %iota3A, %parallel_loop3A_290 : vector<16xi32>
        %parallel_loop3A_292 = arith.addi %parallel_loop3A_237, %parallel_loop3A_291 : vector<16xi32>
        %parallel_loop3A_293 = arith.constant 6 : i32
        %parallel_loop3A_294 = vector.broadcast %parallel_loop3A_293 : i32 to vector<16xi32>
        %parallel_loop3A_295 = arith.addi %parallel_loop3A_292, %parallel_loop3A_294 : vector<16xi32>
        %parallel_loop3A_296 = tpu.vector_load_idx %arg13[%parallel_loop3A_295] : memref<1280xf32, #tpu.memory_space<vmem>>[vector<16xi32>], vector<16xf32>,
        %parallel_loop3A_297 = arith.index_cast %rem3A_164 : i32 to index
        %parallel_loop3A_298 = arith.index_cast %parallel_loop3A_212 : i32 to index
        %parallel_loop3A_299 = arith.constant 56 : index
        %parallel_loop3A_300 = tpu.vector_load %arg10[%parallel_loop3A_297, %parallel_loop3A_298, %parallel_loop3A_299] {strides = array<i32>} : memref<4x80x72xf32, #tpu.memory_space<vmem>>, vector<16xf32>,
        %parallel_loop3A_301 = arith.mulf %parallel_loop3A_300, %parallel_loop3A_296 : vector<16xf32>
        %parallel_loop3A_302 = arith.index_cast %rem3A_164 : i32 to index
        %parallel_loop3A_303 = arith.index_cast %parallel_loop3A_212 : i32 to index
        %parallel_loop3A_304 = arith.constant 56 : index
        %parallel_loop3A_305 = tpu.vector_load %arg12[%parallel_loop3A_302, %parallel_loop3A_303, %parallel_loop3A_304] {strides = array<i32>} : memref<4x80x72xf32, #tpu.memory_space<vmem>>, vector<16xf32>,
        tpu.vector_store %arg12[%parallel_loop3A_302, %parallel_loop3A_303, %parallel_loop3A_304], %parallel_loop3A_301 {strides = array<i32>} : memref<4x80x72xf32, #tpu.memory_space<vmem>>, vector<16xf32>,
      } {sc.loop_unroll_factor = 8 : i64, sc.parallel_access}
      %dma_start3A_200 = arith.constant 0 : i32
      %dma_start3A_201 = arith.constant 0 : i32
      %dma_start3A_202 = tpu.memref_slice %arg12[%rem3A_164, %dma_start3A_200, %dma_start3A_201] : memref<4x80x72xf32, #tpu.memory_space<vmem>> -> memref<1x80x72xf32, #tpu.memory_space<vmem>>
      %dma_start3A_203 = tpu.memref_squeeze %dma_start3A_202 : memref<1x80x72xf32, #tpu.memory_space<vmem>> -> memref<80x72xf32, #tpu.memory_space<vmem>>
      %dma_start3A_204 = arith.constant 0 : i32
      %dma_start3A_205 = tpu.memref_slice %arg9[%scan3A_163, %dma_start3A_204] : memref<125x80xi32, #tpu.memory_space<vmem>> -> memref<1x80xi32, #tpu.memory_space<vmem>>
      %dma_start3A_206 = tpu.memref_squeeze %dma_start3A_205 : memref<1x80xi32, #tpu.memory_space<vmem>> -> memref<80xi32, #tpu.memory_space<vmem>>
      %dma_start3A_207 = arith.constant 0 : i32
      %dma_start3A_208 = arith.constant 0 : i32
      %dma_start3A_209 = tpu.memref_slice %arg14[%dma_start3A_207, %dma_start3A_208] : memref<10000x72xf32, #tpu.memory_space<vmem_shared>> -> memref<10000x72xf32, #tpu.memory_space<vmem_shared>>
      %dma_start3A_210 = tpu.memref_slice %arg17[%rem3A_164] : memref<4x!tpu.dma_semaphore, #tpu.memory_space<semaphore_mem>> -> memref<1x!tpu.dma_semaphore, #tpu.memory_space<semaphore_mem>>
      %dma_start3A_211 = tpu.memref_squeeze %dma_start3A_210 : memref<1x!tpu.dma_semaphore, #tpu.memory_space<semaphore_mem>> -> memref<!tpu.dma_semaphore, #tpu.memory_space<semaphore_mem>>
      tpu.enqueue_indirect_dma source(%dma_start3A_203 : memref<80x72xf32, #tpu.memory_space<vmem>>) target(%dma_start3A_209 : memref<10000x72xf32, #tpu.memory_space<vmem_shared>>) offsets(%dma_start3A_206 : memref<80xi32, #tpu.memory_space<vmem>>) semaphore(%dma_start3A_211 : memref<!tpu.dma_semaphore, #tpu.memory_space<semaphore_mem>>) {add = true}
    }
    %scan3A_98 = arith.constant 125 : i32
    %dma_wait3A = arith.constant 0 : i32
    %dma_wait3A_99 = arith.constant 0 : i32
    %dma_wait3A_100 = arith.constant 0 : i32
    %dma_wait3A_101 = arith.constant 0 : i32
    %dma_wait3A_102 = arith.constant 0 : i32
    %dma_wait3A_103 = tpu.memref_slice %arg12[%dma_wait3A, %dma_wait3A_101, %dma_wait3A_102] : memref<4x80x72xf32, #tpu.memory_space<vmem>> -> memref<1x80x72xf32, #tpu.memory_space<vmem>>
    %dma_wait3A_104 = tpu.memref_squeeze %dma_wait3A_103 : memref<1x80x72xf32, #tpu.memory_space<vmem>> -> memref<80x72xf32, #tpu.memory_space<vmem>>
    %dma_wait3A_105 = arith.constant 0 : i32
    %dma_wait3A_106 = tpu.memref_slice %arg9[%dma_wait3A_99, %dma_wait3A_105] : memref<125x80xi32, #tpu.memory_space<vmem>> -> memref<1x80xi32, #tpu.memory_space<vmem>>
    %dma_wait3A_107 = tpu.memref_squeeze %dma_wait3A_106 : memref<1x80xi32, #tpu.memory_space<vmem>> -> memref<80xi32, #tpu.memory_space<vmem>>
    %dma_wait3A_108 = arith.constant 0 : i32
    %dma_wait3A_109 = arith.constant 0 : i32
    %dma_wait3A_110 = tpu.memref_slice %arg14[%dma_wait3A_108, %dma_wait3A_109] : memref<10000x72xf32, #tpu.memory_space<vmem_shared>> -> memref<10000x72xf32, #tpu.memory_space<vmem_shared>>
    %dma_wait3A_111 = tpu.memref_slice %arg17[%dma_wait3A_100] : memref<4x!tpu.dma_semaphore, #tpu.memory_space<semaphore_mem>> -> memref<1x!tpu.dma_semaphore, #tpu.memory_space<semaphore_mem>>
    %dma_wait3A_112 = tpu.memref_squeeze %dma_wait3A_111 : memref<1x!tpu.dma_semaphore, #tpu.memory_space<semaphore_mem>> -> memref<!tpu.dma_semaphore, #tpu.memory_space<semaphore_mem>>
    tpu.wait_indirect_dma semaphore(%dma_wait3A_112 : memref<!tpu.dma_semaphore, #tpu.memory_space<semaphore_mem>>) src(%dma_wait3A_104 : memref<80x72xf32, #tpu.memory_space<vmem>>) dst(%dma_wait3A_110 : memref<10000x72xf32, #tpu.memory_space<vmem_shared>>)
    %dma_wait3A_113 = arith.constant 1 : i32
    %dma_wait3A_114 = arith.constant 1 : i32
    %dma_wait3A_115 = arith.constant 1 : i32
    %dma_wait3A_116 = arith.constant 0 : i32
    %dma_wait3A_117 = arith.constant 0 : i32
    %dma_wait3A_118 = tpu.memref_slice %arg12[%dma_wait3A_113, %dma_wait3A_116, %dma_wait3A_117] : memref<4x80x72xf32, #tpu.memory_space<vmem>> -> memref<1x80x72xf32, #tpu.memory_space<vmem>>
    %dma_wait3A_119 = tpu.memref_squeeze %dma_wait3A_118 : memref<1x80x72xf32, #tpu.memory_space<vmem>> -> memref<80x72xf32, #tpu.memory_space<vmem>>
    %dma_wait3A_120 = arith.constant 0 : i32
    %dma_wait3A_121 = tpu.memref_slice %arg9[%dma_wait3A_114, %dma_wait3A_120] : memref<125x80xi32, #tpu.memory_space<vmem>> -> memref<1x80xi32, #tpu.memory_space<vmem>>
    %dma_wait3A_122 = tpu.memref_squeeze %dma_wait3A_121 : memref<1x80xi32, #tpu.memory_space<vmem>> -> memref<80xi32, #tpu.memory_space<vmem>>
    %dma_wait3A_123 = arith.constant 0 : i32
    %dma_wait3A_124 = arith.constant 0 : i32
    %dma_wait3A_125 = tpu.memref_slice %arg14[%dma_wait3A_123, %dma_wait3A_124] : memref<10000x72xf32, #tpu.memory_space<vmem_shared>> -> memref<10000x72xf32, #tpu.memory_space<vmem_shared>>
    %dma_wait3A_126 = tpu.memref_slice %arg17[%dma_wait3A_115] : memref<4x!tpu.dma_semaphore, #tpu.memory_space<semaphore_mem>> -> memref<1x!tpu.dma_semaphore, #tpu.memory_space<semaphore_mem>>
    %dma_wait3A_127 = tpu.memref_squeeze %dma_wait3A_126 : memref<1x!tpu.dma_semaphore, #tpu.memory_space<semaphore_mem>> -> memref<!tpu.dma_semaphore, #tpu.memory_space<semaphore_mem>>
    tpu.wait_indirect_dma semaphore(%dma_wait3A_127 : memref<!tpu.dma_semaphore, #tpu.memory_space<semaphore_mem>>) src(%dma_wait3A_119 : memref<80x72xf32, #tpu.memory_space<vmem>>) dst(%dma_wait3A_125 : memref<10000x72xf32, #tpu.memory_space<vmem_shared>>)
    %dma_wait3A_128 = arith.constant 2 : i32
    %dma_wait3A_129 = arith.constant 2 : i32
    %dma_wait3A_130 = arith.constant 2 : i32
    %dma_wait3A_131 = arith.constant 0 : i32
    %dma_wait3A_132 = arith.constant 0 : i32
    %dma_wait3A_133 = tpu.memref_slice %arg12[%dma_wait3A_128, %dma_wait3A_131, %dma_wait3A_132] : memref<4x80x72xf32, #tpu.memory_space<vmem>> -> memref<1x80x72xf32, #tpu.memory_space<vmem>>
    %dma_wait3A_134 = tpu.memref_squeeze %dma_wait3A_133 : memref<1x80x72xf32, #tpu.memory_space<vmem>> -> memref<80x72xf32, #tpu.memory_space<vmem>>
    %dma_wait3A_135 = arith.constant 0 : i32
    %dma_wait3A_136 = tpu.memref_slice %arg9[%dma_wait3A_129, %dma_wait3A_135] : memref<125x80xi32, #tpu.memory_space<vmem>> -> memref<1x80xi32, #tpu.memory_space<vmem>>
    %dma_wait3A_137 = tpu.memref_squeeze %dma_wait3A_136 : memref<1x80xi32, #tpu.memory_space<vmem>> -> memref<80xi32, #tpu.memory_space<vmem>>
    %dma_wait3A_138 = arith.constant 0 : i32
    %dma_wait3A_139 = arith.constant 0 : i32
    %dma_wait3A_140 = tpu.memref_slice %arg14[%dma_wait3A_138, %dma_wait3A_139] : memref<10000x72xf32, #tpu.memory_space<vmem_shared>> -> memref<10000x72xf32, #tpu.memory_space<vmem_shared>>
    %dma_wait3A_141 = tpu.memref_slice %arg17[%dma_wait3A_130] : memref<4x!tpu.dma_semaphore, #tpu.memory_space<semaphore_mem>> -> memref<1x!tpu.dma_semaphore, #tpu.memory_space<semaphore_mem>>
    %dma_wait3A_142 = tpu.memref_squeeze %dma_wait3A_141 : memref<1x!tpu.dma_semaphore, #tpu.memory_space<semaphore_mem>> -> memref<!tpu.dma_semaphore, #tpu.memory_space<semaphore_mem>>
    tpu.wait_indirect_dma semaphore(%dma_wait3A_142 : memref<!tpu.dma_semaphore, #tpu.memory_space<semaphore_mem>>) src(%dma_wait3A_134 : memref<80x72xf32, #tpu.memory_space<vmem>>) dst(%dma_wait3A_140 : memref<10000x72xf32, #tpu.memory_space<vmem_shared>>)
    %dma_wait3A_143 = arith.constant 3 : i32
    %dma_wait3A_144 = arith.constant 3 : i32
    %dma_wait3A_145 = arith.constant 3 : i32
    %dma_wait3A_146 = arith.constant 0 : i32
    %dma_wait3A_147 = arith.constant 0 : i32
    %dma_wait3A_148 = tpu.memref_slice %arg12[%dma_wait3A_143, %dma_wait3A_146, %dma_wait3A_147] : memref<4x80x72xf32, #tpu.memory_space<vmem>> -> memref<1x80x72xf32, #tpu.memory_space<vmem>>
    %dma_wait3A_149 = tpu.memref_squeeze %dma_wait3A_148 : memref<1x80x72xf32, #tpu.memory_space<vmem>> -> memref<80x72xf32, #tpu.memory_space<vmem>>
    %dma_wait3A_150 = arith.constant 0 : i32
    %dma_wait3A_151 = tpu.memref_slice %arg9[%dma_wait3A_144, %dma_wait3A_150] : memref<125x80xi32, #tpu.memory_space<vmem>> -> memref<1x80xi32, #tpu.memory_space<vmem>>
    %dma_wait3A_152 = tpu.memref_squeeze %dma_wait3A_151 : memref<1x80xi32, #tpu.memory_space<vmem>> -> memref<80xi32, #tpu.memory_space<vmem>>
    %dma_wait3A_153 = arith.constant 0 : i32
    %dma_wait3A_154 = arith.constant 0 : i32
    %dma_wait3A_155 = tpu.memref_slice %arg14[%dma_wait3A_153, %dma_wait3A_154] : memref<10000x72xf32, #tpu.memory_space<vmem_shared>> -> memref<10000x72xf32, #tpu.memory_space<vmem_shared>>
    %dma_wait3A_156 = tpu.memref_slice %arg17[%dma_wait3A_145] : memref<4x!tpu.dma_semaphore, #tpu.memory_space<semaphore_mem>> -> memref<1x!tpu.dma_semaphore, #tpu.memory_space<semaphore_mem>>
    %dma_wait3A_157 = tpu.memref_squeeze %dma_wait3A_156 : memref<1x!tpu.dma_semaphore, #tpu.memory_space<semaphore_mem>> -> memref<!tpu.dma_semaphore, #tpu.memory_space<semaphore_mem>>
    tpu.wait_indirect_dma semaphore(%dma_wait3A_157 : memref<!tpu.dma_semaphore, #tpu.memory_space<semaphore_mem>>) src(%dma_wait3A_149 : memref<80x72xf32, #tpu.memory_space<vmem>>) dst(%dma_wait3A_155 : memref<10000x72xf32, #tpu.memory_space<vmem_shared>>)
    %barrier3A_158 = arith.constant 0 : index
    tpu.barrier barrier_id(%barrier3A_158)
    %mul3A_159 = arith.constant 624 : i32
    %mul3A_160 = arith.muli %arg1, %mul3A_159 : i32
    %mul3A_161 = arith.constant 624 : i32
    %mul3A_162 = arith.muli %arg1, %mul3A_161 : i32
    "tpu.region"() ({
      %run_scoped3A = tpu.sem_alloc : memref<!tpu.dma_semaphore, #tpu.memory_space<semaphore_mem>>
      %dma_start3A_163 = arith.constant 0 : i32
      %dma_start3A_164 = tpu.memref_slice %arg7[%arg0, %mul3A_162, %dma_start3A_163] : memref<2x10000x128xf32, #tpu.memory_space<hbm>> -> memref<1x640x72xf32, #tpu.memory_space<hbm>>
      %dma_start3A_165 = tpu.memref_squeeze %dma_start3A_164 : memref<1x640x72xf32, #tpu.memory_space<hbm>> -> memref<640x72xf32, #tpu.memory_space<hbm>>
      %dma_start3A_166 = arith.constant 0 : i32
      %dma_start3A_167 = tpu.memref_slice %arg14[%mul3A_160, %dma_start3A_166] : memref<10000x72xf32, #tpu.memory_space<vmem_shared>> -> memref<640x72xf32, #tpu.memory_space<vmem_shared>>
      tpu.enqueue_dma source(%dma_start3A_167 : memref<640x72xf32, #tpu.memory_space<vmem_shared>>) target(%dma_start3A_165 : memref<640x72xf32, #tpu.memory_space<hbm>>) target_semaphore(%run_scoped3A : memref<!tpu.dma_semaphore, #tpu.memory_space<semaphore_mem>>)
      %dma_wait3A_168 = arith.constant 0 : i32
      %dma_wait3A_169 = tpu.memref_slice %arg7[%arg0, %mul3A_162, %dma_wait3A_168] : memref<2x10000x128xf32, #tpu.memory_space<hbm>> -> memref<1x640x72xf32, #tpu.memory_space<hbm>>
      %dma_wait3A_170 = tpu.memref_squeeze %dma_wait3A_169 : memref<1x640x72xf32, #tpu.memory_space<hbm>> -> memref<640x72xf32, #tpu.memory_space<hbm>>
      %dma_wait3A_171 = arith.constant 0 : i32
      %dma_wait3A_172 = tpu.memref_slice %arg14[%mul3A_160, %dma_wait3A_171] : memref<10000x72xf32, #tpu.memory_space<vmem_shared>> -> memref<640x72xf32, #tpu.memory_space<vmem_shared>>
      tpu.wait_dma2 semaphore(%run_scoped3A : memref<!tpu.dma_semaphore, #tpu.memory_space<semaphore_mem>>) src(%dma_wait3A_172 : memref<640x72xf32, #tpu.memory_space<vmem_shared>>) dst(%dma_wait3A_170 : memref<640x72xf32, #tpu.memory_space<hbm>>)
      tpu.yield
    }) : () -> ()
    return
  }
}

module attributes {stable_mosaic.version = 14 : i64} {
  func.func @_prep1_body(%arg0: i32, %arg1: memref<1000x128xf32, #tpu.memory_space<vmem>>, %arg2: memref<128x64xf32, #tpu.memory_space<vmem>>, %arg3: memref<64x8xf32, #tpu.memory_space<vmem>>, %arg4: memref<64x8xf32, #tpu.memory_space<vmem>>, %arg5: memref<8x64xf32, #tpu.memory_space<vmem>>, %arg6: memref<1000x72xf32, #tpu.memory_space<vmem>>, %arg7: memref<1000x16xf32, #tpu.memory_space<vmem>>, %arg8: memref<1000x128xf32, #tpu.memory_space<vmem>>) attributes {dimension_semantics = [#tpu.dimension_semantics<arbitrary>], iteration_bounds = array<i64: 10>, scalar_prefetch = 0 : i64, scratch_operands = 0 : i64, tpu.core_type = #tpu.core_type<tc>, window_params = [{transform_indices = @transform_0, window_bounds = array<i64: 1000, 128>}, {pipeline_mode = #tpu.pipeline_mode<synchronous>, transform_indices = @transform_1, window_bounds = array<i64: 128, 64>}, {pipeline_mode = #tpu.pipeline_mode<synchronous>, transform_indices = @transform_2, window_bounds = array<i64: 64, 8>}, {pipeline_mode = #tpu.pipeline_mode<synchronous>, transform_indices = @transform_3, window_bounds = array<i64: 64, 8>}, {pipeline_mode = #tpu.pipeline_mode<synchronous>, transform_indices = @transform_4, window_bounds = array<i64: 8, 64>}, {transform_indices = @transform_5, window_bounds = array<i64: 1000, 72>}, {transform_indices = @transform_6, window_bounds = array<i64: 1000, 16>}, {transform_indices = @transform_7, window_bounds = array<i64: 1000, 128>}]} {
    %get3A = arith.constant 0 : index
    %get3A_0 = arith.constant 0 : index
    %get3A_1 = vector.load %arg1[%get3A, %get3A_0] : memref<1000x128xf32, #tpu.memory_space<vmem>>, vector<1000x128xf32>
    %get3A_2 = arith.constant 0 : index
    %get3A_3 = arith.constant 0 : index
    %get3A_4 = vector.load %arg2[%get3A_2, %get3A_3] : memref<128x64xf32, #tpu.memory_space<vmem>>, vector<128x64xf32>
    %dot_general3A = arith.constant dense<0.000000e+00> : vector<1000x64xf32>
    %dot_general3A_5 = tpu.matmul %get3A_1, %get3A_4, %dot_general3A {dimension_numbers = #tpu.dot_dimension_numbers<[1], [0], [0], [1], [0, 0, 1, 1], [], []>, transpose_lhs_hint = false} : vector<1000x128xf32>, vector<128x64xf32>, vector<1000x64xf32> -> vector<1000x64xf32>
    %get3A_6 = arith.constant 0 : index
    %get3A_7 = arith.constant 0 : index
    %get3A_8 = vector.load %arg3[%get3A_6, %get3A_7] : memref<64x8xf32, #tpu.memory_space<vmem>>, vector<64x8xf32>
    %dot_general3A_9 = arith.constant dense<0.000000e+00> : vector<1000x8xf32>
    %dot_general3A_10 = tpu.matmul %dot_general3A_5, %get3A_8, %dot_general3A_9 {dimension_numbers = #tpu.dot_dimension_numbers<[1], [0], [0], [1], [0, 0, 1, 1], [], []>, transpose_lhs_hint = false} : vector<1000x64xf32>, vector<64x8xf32>, vector<1000x8xf32> -> vector<1000x8xf32>
    %get3A_11 = arith.constant 0 : index
    %get3A_12 = arith.constant 0 : index
    %get3A_13 = vector.load %arg4[%get3A_11, %get3A_12] : memref<64x8xf32, #tpu.memory_space<vmem>>, vector<64x8xf32>
    %dot_general3A_14 = arith.constant dense<0.000000e+00> : vector<1000x8xf32>
    %dot_general3A_15 = tpu.matmul %dot_general3A_5, %get3A_13, %dot_general3A_14 {dimension_numbers = #tpu.dot_dimension_numbers<[1], [0], [0], [1], [0, 0, 1, 1], [], []>, transpose_lhs_hint = false} : vector<1000x64xf32>, vector<64x8xf32>, vector<1000x8xf32> -> vector<1000x8xf32>
    %broadcast_in_dim3A = arith.constant 0.000000e+00 : f32
    %broadcast_in_dim3A_16 = vector.broadcast %broadcast_in_dim3A : f32 to vector<1000x8xf32>
    %concatenate3A = tpu.concatenate %dot_general3A_10, %dot_general3A_5 in 1 : vector<1000x8xf32>, vector<1000x64xf32> -> vector<1000x72xf32>
    %swap3A = arith.constant 0 : index
    %swap3A_17 = arith.constant 0 : index
    %swap3A_18 = vector.load %arg6[%swap3A, %swap3A_17] : memref<1000x72xf32, #tpu.memory_space<vmem>>, vector<1000x72xf32>
    tpu.vector_store %arg6[%swap3A, %swap3A_17], %concatenate3A {strides = array<i32>} : memref<1000x72xf32, #tpu.memory_space<vmem>>, vector<1000x72xf32>,
    %concatenate3A_19 = tpu.concatenate %dot_general3A_15, %broadcast_in_dim3A_16 in 1 : vector<1000x8xf32>, vector<1000x8xf32> -> vector<1000x16xf32>
    %swap3A_20 = arith.constant 0 : index
    %swap3A_21 = arith.constant 0 : index
    %swap3A_22 = vector.load %arg7[%swap3A_20, %swap3A_21] : memref<1000x16xf32, #tpu.memory_space<vmem>>, vector<1000x16xf32>
    tpu.vector_store %arg7[%swap3A_20, %swap3A_21], %concatenate3A_19 {strides = array<i32>} : memref<1000x16xf32, #tpu.memory_space<vmem>>, vector<1000x16xf32>,
    %add3A = arith.addf %dot_general3A_10, %dot_general3A_15 : vector<1000x8xf32>
    %gt3A = arith.constant 0.000000e+00 : f32
    %gt3A_23 = vector.broadcast %gt3A : f32 to vector<1000x8xf32>
    %gt3A_24 = arith.cmpf ogt, %add3A, %gt3A_23 : vector<1000x8xf32>
    %mul3A = arith.constant 2.000000e-01 : f32
    %mul3A_25 = vector.broadcast %mul3A : f32 to vector<1000x8xf32>
    %mul3A_26 = arith.mulf %mul3A_25, %add3A : vector<1000x8xf32>
    %select_n3A = arith.select %gt3A_24, %add3A, %mul3A_26 : vector<1000x8xi1>, vector<1000x8xf32>
    %exp3A = math.exp %select_n3A : vector<1000x8xf32>
    %get3A_27 = arith.constant 0 : index
    %get3A_28 = arith.constant 0 : index
    %get3A_29 = vector.load %arg5[%get3A_27, %get3A_28] : memref<8x64xf32, #tpu.memory_space<vmem>>, vector<8x64xf32>
    %dot_general3A_30 = arith.constant dense<0.000000e+00> : vector<1000x64xf32>
    %dot_general3A_31 = tpu.matmul %exp3A, %get3A_29, %dot_general3A_30 {dimension_numbers = #tpu.dot_dimension_numbers<[1], [0], [0], [1], [0, 0, 1, 1], [], []>, transpose_lhs_hint = false} : vector<1000x8xf32>, vector<8x64xf32>, vector<1000x64xf32> -> vector<1000x64xf32>
    %mul3A_32 = arith.mulf %dot_general3A_31, %dot_general3A_5 : vector<1000x64xf32>
    %mul3A_33 = arith.constant 5.000000e-01 : f32
    %mul3A_34 = vector.broadcast %mul3A_33 : f32 to vector<1000x8xf32>
    %mul3A_35 = arith.mulf %mul3A_34, %exp3A : vector<1000x8xf32>
    %mul3A_36 = arith.constant 5.000000e-01 : f32
    %mul3A_37 = vector.broadcast %mul3A_36 : f32 to vector<1000x64xf32>
    %mul3A_38 = arith.mulf %mul3A_37, %mul3A_32 : vector<1000x64xf32>
    %broadcast_in_dim3A_39 = arith.constant 0.000000e+00 : f32
    %broadcast_in_dim3A_40 = vector.broadcast %broadcast_in_dim3A_39 : f32 to vector<1000x56xf32>
    %concatenate3A_41 = tpu.concatenate %mul3A_35, %mul3A_38, %broadcast_in_dim3A_40 in 1 : vector<1000x8xf32>, vector<1000x64xf32>, vector<1000x56xf32> -> vector<1000x128xf32>
    %swap3A_42 = arith.constant 0 : index
    %swap3A_43 = arith.constant 0 : index
    %swap3A_44 = vector.load %arg8[%swap3A_42, %swap3A_43] : memref<1000x128xf32, #tpu.memory_space<vmem>>, vector<1000x128xf32>
    tpu.vector_store %arg8[%swap3A_42, %swap3A_43], %concatenate3A_41 {strides = array<i32>} : memref<1000x128xf32, #tpu.memory_space<vmem>>, vector<1000x128xf32>,
    return
  }
  func.func @transform_0(%arg0: i32) -> (i32, i32) {
    %c0_i32 = arith.constant 0 : i32
    %c0_i32_0 = arith.constant 0 : i32
    return %arg0, %c0_i32 : i32, i32
  }
  func.func @transform_1(%arg0: i32) -> (i32, i32) {
    %c0_i32 = arith.constant 0 : i32
    %c0_i32_0 = arith.constant 0 : i32
    %c0_i32_1 = arith.constant 0 : i32
    return %c0_i32, %c0_i32_0 : i32, i32
  }
  func.func @transform_2(%arg0: i32) -> (i32, i32) {
    %c0_i32 = arith.constant 0 : i32
    %c0_i32_0 = arith.constant 0 : i32
    %c0_i32_1 = arith.constant 0 : i32
    return %c0_i32, %c0_i32_0 : i32, i32
  }
  func.func @transform_3(%arg0: i32) -> (i32, i32) {
    %c0_i32 = arith.constant 0 : i32
    %c0_i32_0 = arith.constant 0 : i32
    %c0_i32_1 = arith.constant 0 : i32
    return %c0_i32, %c0_i32_0 : i32, i32
  }
  func.func @transform_4(%arg0: i32) -> (i32, i32) {
    %c0_i32 = arith.constant 0 : i32
    %c0_i32_0 = arith.constant 0 : i32
    %c0_i32_1 = arith.constant 0 : i32
    return %c0_i32, %c0_i32_0 : i32, i32
  }
  func.func @transform_5(%arg0: i32) -> (i32, i32) {
    %c0_i32 = arith.constant 0 : i32
    %c0_i32_0 = arith.constant 0 : i32
    return %arg0, %c0_i32 : i32, i32
  }
  func.func @transform_6(%arg0: i32) -> (i32, i32) {
    %c0_i32 = arith.constant 0 : i32
    %c0_i32_0 = arith.constant 0 : i32
    return %arg0, %c0_i32 : i32, i32
  }
  func.func @transform_7(%arg0: i32) -> (i32, i32) {
    %c0_i32 = arith.constant 0 : i32
    %c0_i32_0 = arith.constant 0 : i32
    return %arg0, %c0_i32 : i32, i32
  }
}

module attributes {stable_mosaic.version = 14 : i64} {
  func.func @_mid_body(%arg0: i32, %arg1: memref<2x1000x128xf32, #tpu.memory_space<vmem>>, %arg2: memref<1x64xf32, #tpu.memory_space<vmem>>, %arg3: memref<64x32xf32, #tpu.memory_space<vmem>>, %arg4: memref<32x1xf32, #tpu.memory_space<vmem>>, %arg5: memref<32x1xf32, #tpu.memory_space<vmem>>, %arg6: memref<8x64xf32, #tpu.memory_space<vmem>>, %arg7: memref<1000x40xf32, #tpu.memory_space<vmem>>, %arg8: memref<1000x16xf32, #tpu.memory_space<vmem>>, %arg9: memref<1000x128xf32, #tpu.memory_space<vmem>>) attributes {dimension_semantics = [#tpu.dimension_semantics<arbitrary>], iteration_bounds = array<i64: 10>, scalar_prefetch = 0 : i64, scratch_operands = 0 : i64, tpu.core_type = #tpu.core_type<tc>, window_params = [{transform_indices = @transform_0, window_bounds = array<i64: 2, 1000, 128>}, {pipeline_mode = #tpu.pipeline_mode<synchronous>, transform_indices = @transform_1, window_bounds = array<i64: 1, 64>}, {pipeline_mode = #tpu.pipeline_mode<synchronous>, transform_indices = @transform_2, window_bounds = array<i64: 64, 32>}, {pipeline_mode = #tpu.pipeline_mode<synchronous>, transform_indices = @transform_3, window_bounds = array<i64: 32, 1>}, {pipeline_mode = #tpu.pipeline_mode<synchronous>, transform_indices = @transform_4, window_bounds = array<i64: 32, 1>}, {pipeline_mode = #tpu.pipeline_mode<synchronous>, transform_indices = @transform_5, window_bounds = array<i64: 8, 64>}, {transform_indices = @transform_6, window_bounds = array<i64: 1000, 40>}, {transform_indices = @transform_7, window_bounds = array<i64: 1000, 16>}, {transform_indices = @transform_8, window_bounds = array<i64: 1000, 128>}]} {
    %get3A = arith.constant 0 : index
    %get3A_0 = arith.constant 0 : index
    %get3A_1 = arith.constant 0 : index
    %get3A_2 = vector.load %arg1[%get3A, %get3A_0, %get3A_1] : memref<2x1000x128xf32, #tpu.memory_space<vmem>>, vector<1x1000x72xf32>
    %get3A_3 = vector.shape_cast %get3A_2 : vector<1x1000x72xf32> to vector<1000x72xf32>
    %get3A_4 = arith.constant 1 : index
    %get3A_5 = arith.constant 0 : index
    %get3A_6 = arith.constant 0 : index
    %get3A_7 = vector.load %arg1[%get3A_4, %get3A_5, %get3A_6] : memref<2x1000x128xf32, #tpu.memory_space<vmem>>, vector<1x1000x72xf32>
    %get3A_8 = vector.shape_cast %get3A_7 : vector<1x1000x72xf32> to vector<1000x72xf32>
    %add3A = arith.addf %get3A_3, %get3A_8 : vector<1000x72xf32>
    %slice3A = vector.extract_strided_slice %add3A {offsets = [0, 0], sizes = [1000, 8], strides = [1, 1]} : vector<1000x72xf32> to vector<1000x8xf32>
    %get3A_9 = arith.constant 0 : index
    %get3A_10 = arith.constant 0 : index
    %get3A_11 = vector.load %arg6[%get3A_9, %get3A_10] : memref<8x64xf32, #tpu.memory_space<vmem>>, vector<8x64xf32>
    %dot_general3A = arith.constant dense<0.000000e+00> : vector<1000x64xf32>
    %dot_general3A_12 = tpu.matmul %slice3A, %get3A_11, %dot_general3A {dimension_numbers = #tpu.dot_dimension_numbers<[1], [0], [0], [1], [0, 0, 1, 1], [], []>, transpose_lhs_hint = false} : vector<1000x8xf32>, vector<8x64xf32>, vector<1000x64xf32> -> vector<1000x64xf32>
    %add3A_13 = arith.constant 1.000000e-16 : f32
    %add3A_14 = vector.broadcast %add3A_13 : f32 to vector<1000x64xf32>
    %add3A_15 = arith.addf %dot_general3A_12, %add3A_14 : vector<1000x64xf32>
    %slice3A_16 = vector.extract_strided_slice %add3A {offsets = [0, 8], sizes = [1000, 64], strides = [1, 1]} : vector<1000x72xf32> to vector<1000x64xf32>
    %div3A = arith.divf %slice3A_16, %add3A_15 : vector<1000x64xf32>
    %get3A_17 = arith.constant 0 : index
    %get3A_18 = arith.constant 0 : index
    %get3A_19 = vector.load %arg2[%get3A_17, %get3A_18] : memref<1x64xf32, #tpu.memory_space<vmem>>, vector<1x64xf32>
    %add3A_20 = vector.broadcast %get3A_19 : vector<1x64xf32> to vector<1000x64xf32>
    %add3A_21 = arith.addf %div3A, %add3A_20 : vector<1000x64xf32>
    %gt3A = arith.constant 0.000000e+00 : f32
    %gt3A_22 = vector.broadcast %gt3A : f32 to vector<1000x64xf32>
    %gt3A_23 = arith.cmpf ogt, %add3A_21, %gt3A_22 : vector<1000x64xf32>
    %min3A = arith.constant 0.000000e+00 : f32
    %min3A_24 = vector.broadcast %min3A : f32 to vector<1000x64xf32>
    %min3A_25 = arith.minimumf %add3A_21, %min3A_24 : vector<1000x64xf32>
    %exp3A = math.exp %min3A_25 : vector<1000x64xf32>
    %sub3A = arith.constant 1.000000e+00 : f32
    %sub3A_26 = vector.broadcast %sub3A : f32 to vector<1000x64xf32>
    %sub3A_27 = arith.subf %exp3A, %sub3A_26 : vector<1000x64xf32>
    %select_n3A = arith.select %gt3A_23, %add3A_21, %sub3A_27 : vector<1000x64xi1>, vector<1000x64xf32>
    %get3A_28 = arith.constant 0 : index
    %get3A_29 = arith.constant 0 : index
    %get3A_30 = vector.load %arg3[%get3A_28, %get3A_29] : memref<64x32xf32, #tpu.memory_space<vmem>>, vector<64x32xf32>
    %dot_general3A_31 = arith.constant dense<0.000000e+00> : vector<1000x32xf32>
    %dot_general3A_32 = tpu.matmul %select_n3A, %get3A_30, %dot_general3A_31 {dimension_numbers = #tpu.dot_dimension_numbers<[1], [0], [0], [1], [0, 0, 1, 1], [], []>, transpose_lhs_hint = false} : vector<1000x64xf32>, vector<64x32xf32>, vector<1000x32xf32> -> vector<1000x32xf32>
    %get3A_33 = arith.constant 0 : index
    %get3A_34 = arith.constant 0 : index
    %get3A_35 = vector.load %arg4[%get3A_33, %get3A_34] : memref<32x1xf32, #tpu.memory_space<vmem>>, vector<32x1xf32>
    %dot_general3A_36 = arith.constant dense<0.000000e+00> : vector<1000x1xf32>
    %dot_general3A_37 = tpu.matmul %dot_general3A_32, %get3A_35, %dot_general3A_36 {dimension_numbers = #tpu.dot_dimension_numbers<[1], [0], [0], [1], [0, 0, 1, 1], [], []>, transpose_lhs_hint = false} : vector<1000x32xf32>, vector<32x1xf32>, vector<1000x1xf32> -> vector<1000x1xf32>
    %get3A_38 = arith.constant 0 : index
    %get3A_39 = arith.constant 0 : index
    %get3A_40 = vector.load %arg5[%get3A_38, %get3A_39] : memref<32x1xf32, #tpu.memory_space<vmem>>, vector<32x1xf32>
    %dot_general3A_41 = arith.constant dense<0.000000e+00> : vector<1000x1xf32>
    %dot_general3A_42 = tpu.matmul %dot_general3A_32, %get3A_40, %dot_general3A_41 {dimension_numbers = #tpu.dot_dimension_numbers<[1], [0], [0], [1], [0, 0, 1, 1], [], []>, transpose_lhs_hint = false} : vector<1000x32xf32>, vector<32x1xf32>, vector<1000x1xf32> -> vector<1000x1xf32>
    %add3A_43 = arith.addf %dot_general3A_37, %dot_general3A_42 : vector<1000x1xf32>
    %gt3A_44 = arith.constant 0.000000e+00 : f32
    %gt3A_45 = vector.broadcast %gt3A_44 : f32 to vector<1000x1xf32>
    %gt3A_46 = arith.cmpf ogt, %add3A_43, %gt3A_45 : vector<1000x1xf32>
    %mul3A = arith.constant 2.000000e-01 : f32
    %mul3A_47 = vector.broadcast %mul3A : f32 to vector<1000x1xf32>
    %mul3A_48 = arith.mulf %mul3A_47, %add3A_43 : vector<1000x1xf32>
    %select_n3A_49 = arith.select %gt3A_46, %add3A_43, %mul3A_48 : vector<1000x1xi1>, vector<1000x1xf32>
    %exp3A_50 = math.exp %select_n3A_49 : vector<1000x1xf32>
    %broadcast_in_dim3A = arith.constant 0.000000e+00 : f32
    %broadcast_in_dim3A_51 = vector.broadcast %broadcast_in_dim3A : f32 to vector<1000x7xf32>
    %broadcast_in_dim3A_52 = arith.constant 0.000000e+00 : f32
    %broadcast_in_dim3A_53 = vector.broadcast %broadcast_in_dim3A_52 : f32 to vector<1000x15xf32>
    %broadcast_in_dim3A_54 = arith.constant 0.000000e+00 : f32
    %broadcast_in_dim3A_55 = vector.broadcast %broadcast_in_dim3A_54 : f32 to vector<1000x88xf32>
    %concatenate3A = tpu.concatenate %dot_general3A_37, %broadcast_in_dim3A_51, %dot_general3A_32 in 1 : vector<1000x1xf32>, vector<1000x7xf32>, vector<1000x32xf32> -> vector<1000x40xf32>
    %swap3A = arith.constant 0 : index
    %swap3A_56 = arith.constant 0 : index
    %swap3A_57 = vector.load %arg7[%swap3A, %swap3A_56] : memref<1000x40xf32, #tpu.memory_space<vmem>>, vector<1000x40xf32>
    tpu.vector_store %arg7[%swap3A, %swap3A_56], %concatenate3A {strides = array<i32>} : memref<1000x40xf32, #tpu.memory_space<vmem>>, vector<1000x40xf32>,
    %concatenate3A_58 = tpu.concatenate %dot_general3A_42, %broadcast_in_dim3A_53 in 1 : vector<1000x1xf32>, vector<1000x15xf32> -> vector<1000x16xf32>
    %swap3A_59 = arith.constant 0 : index
    %swap3A_60 = arith.constant 0 : index
    %swap3A_61 = vector.load %arg8[%swap3A_59, %swap3A_60] : memref<1000x16xf32, #tpu.memory_space<vmem>>, vector<1000x16xf32>
    tpu.vector_store %arg8[%swap3A_59, %swap3A_60], %concatenate3A_58 {strides = array<i32>} : memref<1000x16xf32, #tpu.memory_space<vmem>>, vector<1000x16xf32>,
    %mul3A_62 = arith.constant 5.000000e-01 : f32
    %mul3A_63 = vector.broadcast %mul3A_62 : f32 to vector<1000x1xf32>
    %mul3A_64 = arith.mulf %mul3A_63, %exp3A_50 : vector<1000x1xf32>
    %mul3A_65 = arith.constant 5.000000e-01 : f32
    %mul3A_66 = vector.broadcast %mul3A_65 : f32 to vector<1000x1xf32>
    %mul3A_67 = arith.mulf %mul3A_66, %exp3A_50 : vector<1000x1xf32>
    %mul3A_68 = vector.broadcast %mul3A_67 : vector<1000x1xf32> to vector<1000x32xf32>
    %mul3A_69 = arith.mulf %mul3A_68, %dot_general3A_32 : vector<1000x32xf32>
    %concatenate3A_70 = tpu.concatenate %mul3A_64, %broadcast_in_dim3A_51, %mul3A_69, %broadcast_in_dim3A_55 in 1 : vector<1000x1xf32>, vector<1000x7xf32>, vector<1000x32xf32>, vector<1000x88xf32> -> vector<1000x128xf32>
    %swap3A_71 = arith.constant 0 : index
    %swap3A_72 = arith.constant 0 : index
    %swap3A_73 = vector.load %arg9[%swap3A_71, %swap3A_72] : memref<1000x128xf32, #tpu.memory_space<vmem>>, vector<1000x128xf32>
    tpu.vector_store %arg9[%swap3A_71, %swap3A_72], %concatenate3A_70 {strides = array<i32>} : memref<1000x128xf32, #tpu.memory_space<vmem>>, vector<1000x128xf32>,
    return
  }
  func.func @transform_0(%arg0: i32) -> (i32, i32, i32) {
    %c0_i32 = arith.constant 0 : i32
    %c0_i32_0 = arith.constant 0 : i32
    %c0_i32_1 = arith.constant 0 : i32
    return %c0_i32, %arg0, %c0_i32_0 : i32, i32, i32
  }
  func.func @transform_1(%arg0: i32) -> (i32, i32) {
    %c0_i32 = arith.constant 0 : i32
    %c0_i32_0 = arith.constant 0 : i32
    %c0_i32_1 = arith.constant 0 : i32
    return %c0_i32, %c0_i32_0 : i32, i32
  }
  func.func @transform_2(%arg0: i32) -> (i32, i32) {
    %c0_i32 = arith.constant 0 : i32
    %c0_i32_0 = arith.constant 0 : i32
    %c0_i32_1 = arith.constant 0 : i32
    return %c0_i32, %c0_i32_0 : i32, i32
  }
  func.func @transform_3(%arg0: i32) -> (i32, i32) {
    %c0_i32 = arith.constant 0 : i32
    %c0_i32_0 = arith.constant 0 : i32
    %c0_i32_1 = arith.constant 0 : i32
    return %c0_i32, %c0_i32_0 : i32, i32
  }
  func.func @transform_4(%arg0: i32) -> (i32, i32) {
    %c0_i32 = arith.constant 0 : i32
    %c0_i32_0 = arith.constant 0 : i32
    %c0_i32_1 = arith.constant 0 : i32
    return %c0_i32, %c0_i32_0 : i32, i32
  }
  func.func @transform_5(%arg0: i32) -> (i32, i32) {
    %c0_i32 = arith.constant 0 : i32
    %c0_i32_0 = arith.constant 0 : i32
    %c0_i32_1 = arith.constant 0 : i32
    return %c0_i32, %c0_i32_0 : i32, i32
  }
  func.func @transform_6(%arg0: i32) -> (i32, i32) {
    %c0_i32 = arith.constant 0 : i32
    %c0_i32_0 = arith.constant 0 : i32
    return %arg0, %c0_i32 : i32, i32
  }
  func.func @transform_7(%arg0: i32) -> (i32, i32) {
    %c0_i32 = arith.constant 0 : i32
    %c0_i32_0 = arith.constant 0 : i32
    return %arg0, %c0_i32 : i32, i32
  }
  func.func @transform_8(%arg0: i32) -> (i32, i32) {
    %c0_i32 = arith.constant 0 : i32
    %c0_i32_0 = arith.constant 0 : i32
    return %arg0, %c0_i32 : i32, i32
  }
}

module attributes {stable_mosaic.version = 14 : i64} {
  func.func @_fin_body(%arg0: i32, %arg1: memref<2x1000x128xf32, #tpu.memory_space<vmem>>, %arg2: memref<1x32xf32, #tpu.memory_space<vmem>>, %arg3: memref<1000x32xf32, #tpu.memory_space<vmem>>) attributes {dimension_semantics = [#tpu.dimension_semantics<arbitrary>], iteration_bounds = array<i64: 10>, scalar_prefetch = 0 : i64, scratch_operands = 0 : i64, tpu.core_type = #tpu.core_type<tc>, window_params = [{transform_indices = @transform_0, window_bounds = array<i64: 2, 1000, 128>}, {pipeline_mode = #tpu.pipeline_mode<synchronous>, transform_indices = @transform_1, window_bounds = array<i64: 1, 32>}, {transform_indices = @transform_2, window_bounds = array<i64: 1000, 32>}]} {
    %get3A = arith.constant 0 : index
    %get3A_0 = arith.constant 0 : index
    %get3A_1 = arith.constant 0 : index
    %get3A_2 = vector.load %arg1[%get3A, %get3A_0, %get3A_1] : memref<2x1000x128xf32, #tpu.memory_space<vmem>>, vector<1x1000x40xf32>
    %get3A_3 = vector.shape_cast %get3A_2 : vector<1x1000x40xf32> to vector<1000x40xf32>
    %get3A_4 = arith.constant 1 : index
    %get3A_5 = arith.constant 0 : index
    %get3A_6 = arith.constant 0 : index
    %get3A_7 = vector.load %arg1[%get3A_4, %get3A_5, %get3A_6] : memref<2x1000x128xf32, #tpu.memory_space<vmem>>, vector<1x1000x40xf32>
    %get3A_8 = vector.shape_cast %get3A_7 : vector<1x1000x40xf32> to vector<1000x40xf32>
    %add3A = arith.addf %get3A_3, %get3A_8 : vector<1000x40xf32>
    %slice3A = vector.extract_strided_slice %add3A {offsets = [0, 0], sizes = [1000, 1], strides = [1, 1]} : vector<1000x40xf32> to vector<1000x1xf32>
    %add3A_9 = arith.constant 1.000000e-16 : f32
    %add3A_10 = vector.broadcast %add3A_9 : f32 to vector<1000x1xf32>
    %add3A_11 = arith.addf %slice3A, %add3A_10 : vector<1000x1xf32>
    %slice3A_12 = vector.extract_strided_slice %add3A {offsets = [0, 8], sizes = [1000, 32], strides = [1, 1]} : vector<1000x40xf32> to vector<1000x32xf32>
    %div3A = vector.broadcast %add3A_11 : vector<1000x1xf32> to vector<1000x32xf32>
    %div3A_13 = arith.divf %slice3A_12, %div3A : vector<1000x32xf32>
    %get3A_14 = arith.constant 0 : index
    %get3A_15 = arith.constant 0 : index
    %get3A_16 = vector.load %arg2[%get3A_14, %get3A_15] : memref<1x32xf32, #tpu.memory_space<vmem>>, vector<1x32xf32>
    %add3A_17 = vector.broadcast %get3A_16 : vector<1x32xf32> to vector<1000x32xf32>
    %add3A_18 = arith.addf %div3A_13, %add3A_17 : vector<1000x32xf32>
    %reduce_max3A = arith.constant dense<0xFF800000> : vector<1000xf32>
    %reduce_max3A_19 = vector.multi_reduction <maximumf>, %add3A_18, %reduce_max3A [1] : vector<1000x32xf32> to vector<1000xf32>
    %broadcast_in_dim3A = vector.shape_cast %reduce_max3A_19 : vector<1000xf32> to vector<1000x1xf32>
    %sub3A = vector.broadcast %broadcast_in_dim3A : vector<1000x1xf32> to vector<1000x32xf32>
    %sub3A_20 = arith.subf %add3A_18, %sub3A : vector<1000x32xf32>
    %exp3A = math.exp %sub3A_20 : vector<1000x32xf32>
    %reduce_sum3A = arith.constant dense<0.000000e+00> : vector<1000xf32>
    %reduce_sum3A_21 = vector.multi_reduction <add>, %exp3A, %reduce_sum3A [1] : vector<1000x32xf32> to vector<1000xf32>
    %broadcast_in_dim3A_22 = vector.shape_cast %reduce_sum3A_21 : vector<1000xf32> to vector<1000x1xf32>
    %log3A = math.log %broadcast_in_dim3A_22 : vector<1000x1xf32>
    %add3A_23 = arith.addf %broadcast_in_dim3A, %log3A : vector<1000x1xf32>
    %sub3A_24 = vector.broadcast %add3A_23 : vector<1000x1xf32> to vector<1000x32xf32>
    %sub3A_25 = arith.subf %add3A_18, %sub3A_24 : vector<1000x32xf32>
    %swap3A = arith.constant 0 : index
    %swap3A_26 = arith.constant 0 : index
    %swap3A_27 = vector.load %arg3[%swap3A, %swap3A_26] : memref<1000x32xf32, #tpu.memory_space<vmem>>, vector<1000x32xf32>
    tpu.vector_store %arg3[%swap3A, %swap3A_26], %sub3A_25 {strides = array<i32>} : memref<1000x32xf32, #tpu.memory_space<vmem>>, vector<1000x32xf32>,
    return
  }
  func.func @transform_0(%arg0: i32) -> (i32, i32, i32) {
    %c0_i32 = arith.constant 0 : i32
    %c0_i32_0 = arith.constant 0 : i32
    %c0_i32_1 = arith.constant 0 : i32
    return %c0_i32, %arg0, %c0_i32_0 : i32, i32, i32
  }
  func.func @transform_1(%arg0: i32) -> (i32, i32) {
    %c0_i32 = arith.constant 0 : i32
    %c0_i32_0 = arith.constant 0 : i32
    %c0_i32_1 = arith.constant 0 : i32
    return %c0_i32, %c0_i32_0 : i32, i32
  }
  func.func @transform_2(%arg0: i32) -> (i32, i32) {
    %c0_i32 = arith.constant 0 : i32
    %c0_i32_0 = arith.constant 0 : i32
    return %arg0, %c0_i32 : i32, i32
  }
}

</mosaic_0001>

<sc_bundles>
// kernel: kernel.10.cloned.1.call-start
scs
__scs_entry_jumppad:
0x0: {  	(pc) =	sbr.rel $0x88, $3  }
0x1: {  	(tag) =	ssettag $0x0;
	lr =	simm.s32 $0x1  }
0x2: {  	[smem:$0x3F97] =	sst lr;
	_ =	strace $0xD0000000  }
0x3: {  	_ = 	snop  }
0x4: {  	_ = 	snop  }
0x5: {  	_ = 	snop  }
0x6: {  	_ = 	snop  }
0x7: {  	_ = 	snop  }
__scs_overlays_trampoline_lowered:
0x8: {  	[smem:$0x3FA6] =	sst s0  }
0x9: {  	[smem:$0x3FA7] =	sst s1  }
0xa: {  	[smem:$0x3FA8] =	sst s2  }
0xb: {  	[smem:$0x3FA9] =	sst s3  }
0xc: {  	[smem:$0x3FAA] =	sst s4  }
0xd: {  	[smem:$0x3FAB] =	sst s5  }
0xe: {  	[smem:$0x3FAC] =	sst s6  }
0xf: {  	[smem:$0x3FAD] =	sst s7  }
0x10: {  	[smem:$0x3FAE] =	sst s8  }
0x11: {  	[smem:$0x3FAF] =	sst s9;
	s0 =	simm.s32 @!p0 $0x0  }
0x12: {  	s1 =	sld [smem:$0x3F95];
	s0 =	simm.s32 @p0 $0x1  }
0x13: {  	[smem:$0x3FB0] =	sst s0;
	s0 =	simm.s32 @!p1 $0x0  }
0x14: {  	s2 =	sld [smem:$0x3F94];
	s0 =	simm.s32 @p1 $0x1  }
0x15: {  	[smem:$0x3FB1] =	sst s0;
	s0 =	simm.s32 @!p2 $0x0  }
0x16: {  	s3 =	sld [smem:$0x3FDB];
	s0 =	simm.s32 @p2 $0x1  }
0x17: {  	s4 =	simm.s32 $0x1BF5;
	[smem:$0x3FB3] =	sst s0  }
0x18: {  	s0 =	sld [smem:$0x3F96];
	_ =	swait.ge [sflag:s4], $0x0  }
0x19: {  	s7 =	sld [smem:$0x3F97]  }
0x1a: {  	s8 =	sadd.s32 $0xFFFFE003, lr  }
0x1b: {  	s9 =	sadd.s32 $0xFFFFFEF7, lr;
	s5 =	simm.s32 $0xFFFFFFFF;
	p2 =	slt.u32 s8, $0xFFFFF086  }
0x1c: {  	p1 =	slt.u32 s9, $0xF7A;
	s5 =	simm.s32 @!p2 $0x0  }
0x1d: {  	s5 =	simm.s32 @p1 $0x1;
	p0 =	seq.s32 s7, s2  }
0x1e: {  	s7 =	smul.u32 @!p0 $0xF7A, s2;
	p2 =	seq.s32 @!p0 s5, $0x0  }
0x1f: {  	s9 =	smul.u32 $0xF7A, s1;
	s8 =	simm.s32 @!p0 $0x1BF5;
	p2 =	por !p2, p0  }
0x20: {  	[sflag:s8] =	ssyncset.s32 @!p0 $0xFFFFF086;
	s6 =	sadd.s32 @!p0 s3, s7;
	s7 =	simm.s32 @!p0 $0x108  }
0x21: {  	s3 =	sadd.s32 s3, s9;
	s6 =	sadd.s32 @!p0 $0x88, s6;
	s7 =	simm.s32 @p2 $0x1082  }
0x22: {  	[simem:s7], [sflag:s8] =	dma.local @!p0 [hbm:s6], $0xF7A  }
0x23: {  	s9 =	sor.u32 $0xD0000000, s2;
	s6 =	simm.s32 $0x108;
	_ =	swait.ge @!p0 [sflag:s8], $0x0  }
0x24: {  	s3 =	sadd.s32 $0x88, s3;
	s6 =	simm.s32 @!p1 $0x1082;
	[sflag:s4] =	ssyncset.s32 $0xFFFFF086  }
0x25: {  	[simem:s6], [sflag:s4] =	dma.local [hbm:s3], $0xF7A  }
0x26: {  	[smem:$0x3F97] =	sst s1;
	(tag) =	ssettag s2;
	_ =	strace s9  }
0x27: {  	s1 =	sld [smem:$0x3FA7]  }
0x28: {  	s2 =	sld [smem:$0x3FA8]  }
0x29: {  	s4 =	sld [smem:$0x3FAA]  }
0x2a: {  	p0 =	seq.s32 s5, $0x0;
	s5 =	sld [smem:$0x3FAB]  }
0x2b: {  	s6 =	sld [smem:$0x3FAC]  }
0x2c: {  	s7 =	sld [smem:$0x3FAD]  }
0x2d: {  	s3 =	simm.s32 $0x108;
	s8 =	sld [smem:$0x3FAE]  }
0x2e: {  	s3 =	simm.s32 @!p0 $0x1082;
	s9 =	sld [smem:$0x3FAF]  }
0x2f: {  	lr =	sadd.s32 s0, s3;
	s0 =	sld [smem:$0x3FA6]  }
0x30: {  	s3 =	sld [smem:$0x3FA9]  }
0x31: {  	[smem:$0x3FB2] =	sst s10  }
0x32: {  	s10 =	sld [smem:$0x3FB0];
	_ =	sdelay $0x3  }
0x33: {  	p0 =	seq.s32 s10, $0x1;
	s10 =	sld [smem:$0x3FB2];
	_ =	sdelay $0x3  }
0x34: {  	[smem:$0x3FB2] =	sst s10  }
0x35: {  	s10 =	sld [smem:$0x3FB1];
	_ =	sdelay $0x3  }
0x36: {  	p1 =	seq.s32 s10, $0x1;
	s10 =	sld [smem:$0x3FB2];
	_ =	sdelay $0x3  }
0x37: {  	[smem:$0x3FB2] =	sst s10  }
0x38: {  	s10 =	sld [smem:$0x3FB3]  }
0x39: {  	_ = 	snop;
	(pc) =	sbr.ind lr, $3  }
0x3a: {  	_ = 	snop  }
0x3b: {  	_ = 	snop  }
0x3c: {  	p2 =	seq.s32 s10, $0x1;
	s10 =	sld [smem:$0x3FB2]  }
0x3d: {  	_ =	shalt  }
0x3e: {  	_ =	shalt  }
0x3f: {  	_ =	shalt  }
0x40: {  	_ =	shalt  }
0x41: {  	_ =	shalt  }
0x42: {  	_ =	shalt  }
0x43: {  	_ =	shalt  }
0x44: {  	_ =	shalt  }
0x45: {  	_ =	shalt  }
0x46: {  	_ =	shalt  }
0x47: {  	_ =	shalt  }
0x48: {  	_ =	shalt  }
0x49: {  	_ =	shalt  }
0x4a: {  	_ =	shalt  }
0x4b: {  	_ =	shalt  }
0x4c: {  	_ =	shalt  }
0x4d: {  	_ =	shalt  }
0x4e: {  	_ =	shalt  }
0x4f: {  	_ =	shalt  }
0x50: {  	_ =	shalt  }
0x51: {  	_ =	shalt  }
0x52: {  	_ =	shalt  }
0x53: {  	_ =	shalt  }
0x54: {  	_ =	shalt  }
0x55: {  	_ =	shalt  }
0x56: {  	_ =	shalt  }
0x57: {  	_ =	shalt  }
0x58: {  	_ =	shalt  }
0x59: {  	_ =	shalt  }
0x5a: {  	_ =	shalt  }
0x5b: {  	_ =	shalt  }
0x5c: {  	_ =	shalt  }
0x5d: {  	_ =	shalt  }
0x5e: {  	_ =	shalt  }
0x5f: {  	_ =	shalt  }
0x60: {  	_ =	shalt  }
0x61: {  	_ =	shalt  }
0x62: {  	_ =	shalt  }
0x63: {  	_ =	shalt  }
0x64: {  	_ =	shalt  }
0x65: {  	_ =	shalt  }
0x66: {  	_ =	shalt  }
0x67: {  	_ =	shalt  }
0x68: {  	_ =	shalt  }
0x69: {  	_ =	shalt  }
0x6a: {  	_ =	shalt  }
0x6b: {  	_ =	shalt  }
0x6c: {  	_ =	shalt  }
0x6d: {  	_ =	shalt  }
0x6e: {  	_ =	shalt  }
0x6f: {  	_ =	shalt  }
0x70: {  	_ =	shalt  }
0x71: {  	_ =	shalt  }
0x72: {  	_ =	shalt  }
0x73: {  	_ =	shalt  }
0x74: {  	_ =	shalt  }
0x75: {  	_ =	shalt  }
0x76: {  	_ =	shalt  }
0x77: {  	_ =	shalt  }
0x78: {  	_ =	shalt  }
0x79: {  	_ =	shalt  }
0x7a: {  	_ =	shalt  }
0x7b: {  	_ =	shalt  }
0x7c: {  	_ =	shalt  }
0x7d: {  	_ =	shalt  }
0x7e: {  	_ =	shalt  }
0x7f: {  	_ =	shalt  }
0x80: {  	_ =	shalt  }
0x81: {  	_ =	shalt  }
0x82: {  	_ =	shalt  }
0x83: {  	_ =	shalt  }
0x84: {  	_ =	shalt  }
0x85: {  	_ =	shalt  }
0x86: {  	_ =	shalt  }
0x87: {  	_ =	shalt  }
.Lfunc_end0:
.L_simem_size_0:
called_computation.1_lowered:
.L_overlay_start_0:
0x88: {  	s2 =	sld [smem:$0x3FD9]  }
0x89: {  	s3 =	sld [smem:$0x3FFE];
	_ =	sdelay $0x1  }
0x8a: {  	s1 =	srdreg.scid  }
0x8b: {  	s0 =	sand.u32 $0x1, s1  }
0x8c: {  	s17 =	sshll.u32 s0, $0xA;
	s2 =	sadd.s32 s3, s2  }
0x8d: {  	s2 =	sadd.s32 s2, s17  }
0x8e: {  	[smem:$0x3FBE] =	sst s2  }
0x8f: {  	_ = 	snop  }
0x90: {  	s2 =	sld [smem:$0x3FD0];
	(tm) =	ssettm $0x1  }
0x91: {  	s18 =	sld [smem:$0x3FFB];
	_ =	sdelay $0x3  }
0x92: {  	_ =	strace s18  }
0x93: {  	s3 =	sld [smem:$0x3FFC];
	_ =	sdelay $0x3  }
0x94: {  	_ =	strace s3  }
0x95: {  	s3 =	sld [smem:$0x3FFD];
	_ =	sdelay $0x3  }
0x96: {  	_ =	strace s3  }
0x97: {  	_ =	strace $0x8FFFFFFF  }
0x98: {  	s19 =	sld [smem:$0x3FDB];
	_ =	sdelay $0x1  }
0x99: {  	s4 =	simm.s32 $_scs_section_size  }
0x9a: {  	s5 =	simm.s32 $_size__tile_overlayer_lowered;
	s6 =	simm.s32 $_tile_overlayer_lowered  }
0x9b: {  	s22 =	simm.s32 $0x1BFF;
	s21 =	sshll.u32 s6, $0x1;
	s3 =	sadd.s32 s4, s19  }
0x9c: {  	s7 =	simm.s32 $0x0;
	s20 =	sshll.u32 s5, $0x1;
	s5 =	sadd.s32 s21, s3  }
0x9d: {  	[timem:s7], [sflag:s22] =	dma.local [hbm:s5], s20  }
0x9e: {  	_ =	swait.ge [sflag:s22], s20  }
0x9f: {  	s4 =	ssub.s32 $0x0, s20;
	[sflag:s22] =	ssyncset.done $0x0  }
0xa0: {  	[sflag:s22] =	ssyncadd.s32 s4;
	_ =	sdelay $0x1  }
0xa1: {  	s23 =	simm.s32 $0x1B8B  }
0xa2: {  	_ =	swait.ge [sflag:s23], $0x1  }
0xa3: {  	[sflag:s23] =	ssyncset.done $0x0  }
0xa4: {  	s25 =	simm.s32 $0x1B8E;
	s24 =	sld [smem:$0x3FFE];
	[sflag:s23] =	ssyncadd.s32 $0xFFFFFFFF  }
0xa5: {  	s26 =	simm.s32 $execute0_lowered;
	[smem:$0x3FD2] =	sst s25  }
0xa6: {  	s5 =	sshll.u32 s26, $0x1;
	_ =	strace $0x80000049;
	[dreg:$0x1] =	wrdreg $0xFFFFFFFF  }
0xa7: {  	s28 =	simm.s32 $_size_execute0_lowered;
	s3 =	sadd.s32 s3, s5;
	[dreg:$0x0] =	wrdreg $0x0  }
0xa8: {  	s5 =	sshll.u32 s28, $0x1;
	[dreg:$0x2] =	wrdreg s3  }
0xa9: {  	[dreg:$0x3] =	wrdreg s5  }
0xaa: {  	[dreg:$0x4] =	wrdreg $0xC0  }
0xab: {  	_ =	task [dreg:s7], $0x5FFFF  }
0xac: {  	[dreg:$0x1] =	wrdreg $0xFFFFFFFF  }
0xad: {  	[dreg:$0x0] =	wrdreg $0x60  }
0xae: {  	[dreg:$0x2] =	wrdreg s24  }
0xaf: {  	[dreg:$0x3] =	wrdreg s2  }
0xb0: {  	[dreg:$0x4] =	wrdreg $0xCB200  }
0xb1: {  	[dreg:$0x5] =	wrdreg $0x9  }
0xb2: {  	_ =	task.clear_ibuf [dreg:s7], $0x6FFFF;
	_ =	strace $0x90000049  }
0xb3: {  	s29 =	simm.s32 $0x9;
	_ =	strace $0x8000004B  }
0xb4: {  	_ =	swait.ge [sflag:s29], $0x1  }
0xb5: {  	[sflag:s29] =	ssyncadd.s32 $0xFFFFFFFF  }
0xb6: {  	_ =	strace $0x9000004B  }
0xb7: {  	_ =	sfence  }
0xb8: {  	s30 =	sld [smem:$0x0];
	_ =	sdelay $0x2  }
0xb9: {  	s31 =	sshll.u32 s1, $0xD;
	s1 =	sshrl.u32 s1, $0x2  }
0xba: {  	s3 =	sand.u32 $0x4000, s31;
	s1 =	sadd.s32 s1, s30  }
0xbb: {  	s0 =	sor.u32 s3, s0;
	s1 =	sshll.u32 s1, $0x11  }
0xbc: {  	s0 =	sor.u32 s1, s0  }
0xbd: {  	s0 =	sadd.s32 $0x8F2B, s0  }
0xbe: {  	[sflag:s0] =	ssyncadd.remote.s32 $0x1  }
0xbf: {  	_ =	sfence.sel $0xFFFF  }
0xc0: {  	[dreg:$0x0] =	wrdreg $0xFFFFFFFF;
	(pc) =	sbr.abs _section_cstart, $3  }
0xc1: {  	[dreg:$0x1] =	wrdreg $0xFFFFFFFF  }
0xc2: {  	_ =	task.clear_ibuf [dreg:s7], $0x2FFFF;
	_ =	strace $0x9FFFFFFF  }
0xc3: {  	(tm) =	ssettm $0x7FFFFFFF  }
tec
execute0_lowered:
.L_overlay_start_1:
0x0: {  	(tag) =	ssettag $0x1  }
0x1: {  	s0 =	rddreg [dreg:$0x0]  }
0x2: {  	s1 =	srdreg.scid;
	s6 =	rddreg [dreg:$0x1]  }
0x3: {  	s13 =	stileid.u32;
	s2 =	rddreg [dreg:$0x2]  }
0x4: {  	s21 =	simm.s32 $0x0;
	s16 =	simm.s32 $0xD;
	s18 =	simm.s32 $0x50  }
0x5: {  	s29 =	simm.s32 $0xC620;
	s19 =	simm.s32 $0x0;
	s1 =	sand.u32 $0x1, s1  }
0x6: {  	s3 =	sshll.u32 s13, $0x1;
	[smem:$0x7FF] =	sst s21;
	s7 =	smul.u32 $0x13800, s13  }
0x7: {  	s5 =	sadd.s32 $0x3EC00, s0;
	s22 =	smul.u32 $0x18600, s13;
	s26 =	sshll.u32 s13, $0x6  }
0x8: {  	s4 =	sor.u32 s1, s3;
	_ =	strace $0x8000004A;
	s10 =	smul.u32 $0x138800, s1  }
0x9: {  	s1 =	ssub.s32 $0x2, s1;
	s9 =	smul.u32 $0x4E2, s4;
	s4 =	sadd.s32 $0x32800, s0  }
0xa: {  	s11 =	sshrl.u32 s7, $0x3;
	s12 =	sshrl.u32 s1, $0x1;
	s23 =	sshrl.u32 s22, $0x2  }
0xb: {  	s7 =	sadd.s32 s7, s10;
	s11 =	sadd.s32 s11, s0;
	s1 =	ssub.s32 s1, s12  }
0xc: {  	s24 =	sadd.s32 s23, s2;
	s8 =	sadd.s32 s9, s0;
	s7 =	sshrl.u32 s7, $0x3  }
0xd: {  	s25 =	sadd.s32 $0xB600, s11;
	s30 =	sadd.s32 s6, s9;
	s31 =	smax.u32 s1, $0x1  }
0xe: {  	s12 =	sshrl.u32 s24, $0x3;
	s6 =	simm.s32 $0x1;
	[dreg:$0x4] =	wrdreg s25  }
0xf: {  	s9 =	simm.s32 $0x10;
	s1 =	simm.s32 $0xB;
	[dreg:$0x6] =	wrdreg s30  }
0x10: {  	s0 =	sadd.s32 s7, s0;
	s28 =	sadd.s32 $0x1800, s8;
	[dreg:$0x8] =	wrdreg s31  }
0x11: {  	v0 =	vimm.s32 $0x0;
	vm0 =	vcmask $0x300;
	s7 =	sor.u32 $0x1C0D, s26;
	[dreg:$0x5] =	wrdreg s28;
	s0 =	sadd.s32 $0x43C00, s0  }
0x12: {  	v0 =	vsel vm0, $0x3, v0;
	s8 =	simm.s32 $0x5;
	[dreg:$0x7] =	wrdreg s0;
	s0 =	simm.s32 $0xC  }
.LBB2_1:
0x13: {  	s3 =	rddreg [dreg:$0x4]  }
0x14: {  	[spmem:s12@s8], [sflag:s7] =	dma.strided [hbm:s3@s9], $0xC80, s6, $0x5   }
0x15: {  	_ =	swait.ge [sflag:s16], $0xC80  }
0x16: {  	[sflag:s16] =	ssyncset.done $0x0  }
0x17: {  	s14 =	simm.s32 $0x0;
	s15 =	rddreg [dreg:$0x5];
	[sflag:s16] =	ssyncadd.s32 $0xFFFFF380  }
0x18: {  	[tilespmem:s14], [sflag:$0xD] =	stream.linear.gather [hbm4b:s15+s14], $0x2710, $0x38;
	[tilespmem:$0x12CC8] =	vst v63  }
0x19: {  	_ =	swait.ge [sflag:s16], $0x2710  }
0x1a: {  	[sflag:s16] =	ssyncset.done $0x0  }
0x1b: {  	s20 =	simm.s32 $0x2710;
	s17 =	rddreg [dreg:$0x6];
	[sflag:s16] =	ssyncadd.s32 $0xFFFFD8F0  }
0x1c: {  	[tilespmem:s20], [sflag:$0xD] =	stream.linear.gather [hbm4b:s17+s14], $0x2710, $0x38;
	[tilespmem:$0x12CC8] =	vst v63  }
0x1d: {  	_ =	swait.ge [sflag:s16], $0x2710  }
0x1e: {  	[sflag:s16] =	ssyncset.done $0x0  }
0x1f: {  	[sflag:s16] =	ssyncadd.s32 $0xFFFFD8F0  }
0x20: {  	s21 =	simm.s32 $0x4E20;
	[bflag:$0x0] =	sbarrier.arrive $0xFFFF  }
0x21: {  	[tilespmem:s21], [sflag:$0x1] =	stream.indirect.gather [hbm4b:s4+s18], $0x28, s14, s18, $0xb8;
	[tilespmem:$0x12CC8] =	vst v63  }
0x22: {  	s22 =	simm.s32 $0x8020  }
0x23: {  	[tilespmem:s22], [sflag:$0x5] =	stream.indirect.gather [hbm4b:s5+s18], $0x10, s20, s18, $0xb8;
	[tilespmem:$0x12CC8] =	vst v63  }
0x24: {  	s23 =	simm.s32 $0x5AA0  }
0x25: {  	[tilespmem:s23], [sflag:$0x2] =	stream.indirect.gather [hbm4b:s4+s18], $0x28, s18, s18, $0xb8;
	[tilespmem:$0x12CC8] =	vst v63  }
0x26: {  	s24 =	simm.s32 $0x2760;
	s25 =	simm.s32 $0x8520  }
0x27: {  	[tilespmem:s25], [sflag:$0x6] =	stream.indirect.gather [hbm4b:s5+s18], $0x10, s24, s18, $0xb8;
	[tilespmem:$0x12CC8] =	vst v63  }
0x28: {  	s26 =	simm.s32 $0xA0;
	s28 =	simm.s32 $0x6720;
	s30 =	simm.s32 $0x27B0  }
0x29: {  	[tilespmem:s28], [sflag:$0x3] =	stream.indirect.gather [hbm4b:s4+s18], $0x28, s26, s18, $0xb8;
	[tilespmem:$0x12CC8] =	vst v63  }
0x2a: {  	s31 =	simm.s32 $0x8A20;
	s21 =	simm.s32 $0x0;
	s20 =	simm.s32 $0x0  }
0x2b: {  	[tilespmem:s31], [sflag:$0x7] =	stream.indirect.gather [hbm4b:s5+s18], $0x10, s30, s18, $0xb8;
	[tilespmem:$0x12CC8] =	vst v63  }
.LBB2_2:
0x2c: {  	p0 =	sgt.u32 s21, $0x79  }
0x2d: {  	s6 =	sadd.s32 @!p0 $0x3, s21  }
0x2e: {  	s13 =	sand.u32 @!p0 $0x3, s6  }
0x2f: {  	s14 =	smul.u32 @!p0 $0x3200, s13  }
0x30: {  	s22 =	sand.u32 $0x3, s21  }
0x31: {  	s17 =	simm.s32 @!p0 $0x50;
	s6 =	smul.u32 @!p0 $0x50, s6;
	s14 =	sshrl.u32 @!p0 s14, $0x2  }
0x32: {  	s15 =	sadd.s32 @!p0 $0x1, s13;
	s23 =	smul.u32 @!p0 $0x1400, s13;
	s14 =	sadd.s32 @!p0 $0x4E20, s14  }
0x33: {  	[tilespmem:s14], [sflag:s15] =	stream.indirect.gather @!p0 [hbm4b:s4+s17], $0x28, s6, s17, $0xb8;
	[tilespmem:$0x12CC8] =	vst v63  }
0x34: {  	s30 =	sadd.s32 $0x1, s22;
	s14 =	sshrl.u32 @!p0 s23, $0x2  }
0x35: {  	s13 =	sadd.s32 @!p0 $0x5, s13;
	s6 =	sadd.s32 @!p0 $0x2710, s6;
	s14 =	sor.u32 @!p0 $0x8020, s14  }
0x36: {  	[tilespmem:s14], [sflag:s13] =	stream.indirect.gather @!p0 [hbm4b:s5+s17], $0x10, s6, s17, $0xb8;
	[tilespmem:$0x12CC8] =	vst v63  }
0x37: {  	_ =	swait.ge [sflag:s30], $0xC80  }
0x38: {  	[sflag:s30] =	ssyncset.done $0x0  }
0x39: {  	s31 =	sadd.s32 $0x5, s22;
	[sflag:s30] =	ssyncadd.s32 $0xFFFFF380  }
0x3a: {  	_ =	swait.ge [sflag:s31], $0x500  }
0x3b: {  	s3 =	sand.u32 $0x3, s20;
	p0 =	slt.u32 s21, $0x4;
	[sflag:s31] =	ssyncset.done $0x0  }
0x3c: {  	s8 =	smul.u32 $0x3200, s3;
	s6 =	sadd.s32 @!p0 $0x9, s22;
	[sflag:s31] =	ssyncadd.s32 $0xFFFFFB00  }
0x3d: {  	s13 =	smul.u32 $0x1400, s3;
	_ =	swait.ge @!p0 [sflag:s6], $0xC80  }
0x3e: {  	s14 =	sshrl.u32 s8, $0x2;
	[sflag:s6] =	ssyncset.done @!p0 $0x0  }
0x3f: {  	s28 =	sadd.s32 $0x4EC0, s14;
	s13 =	sshrl.u32 s13, $0x2;
	[sflag:s6] =	ssyncadd.s32 @!p0 $0xFFFFF380  }
0x40: {  	s9 =	sor.u32 $0x8060, s13;
	v1 =	vld [tilespmem:s28+$0x78]  }
0x41: {  	v2 =	vld [tilespmem:s9+$0x30];
	_ =	sdelay $0x2  }
0x42: {  	v4 =	vld [tilespmem:s28+$0xFFFFFF88]  }
0x43: {  	v5 =	vld [tilespmem:s9+$0xFFFFFFD0]  }
0x44: {  	v6 =	vld [tilespmem:s28+$0xFFFFFFB0];
	v1 =	vadd.f32 v2, v1  }
0x45: {  	v7 =	vld [tilespmem:s28+$0xFFFFFFD8]  }
0x46: {  	v2 =	vld [tilespmem:s9+$0xFFFFFFE0];
	v8 =	vmul.f32 $2.000000030e-01, v1  }
0x47: {  	v9 =	vld [tilespmem:s9+$0xFFFFFFF0]  }
0x48: {  	v10 =	vld [tilespmem:s28+$0x0];
	v1 =	vmax.f32 v1, v8  }
0x49: {  	v4 =	vadd.f32 v5, v4;
	v5 =	vld [tilespmem:s9+$0x0];
	v1 =	vmul.f32 $1.442695020e+00, v1  }
0x4a: {  	v11 =	vld [tilespmem:s9+$0x10]  }
0x4b: {  	v2 =	vadd.f32 v2, v6;
	v6 =	vld [tilespmem:s28+$0x28];
	(erf) = vpow2.f32 v1  }
0x4c: {  	v3 =	vld [tilespmem:s9+$0xFFFFFFC0];
	v8 =	vmul.f32 $2.000000030e-01, v4  }
0x4d: {  	s10 =	simm.s32 $0x70;
	v7 =	vadd.f32 v9, v7;
	v9 =	vld [tilespmem:s28+$0xFFFFFF60]  }
0x4e: {  	v5 =	vadd.f32 v5, v10;
	v4 =	vmax.f32 v4, v8;
	v8 =	vmov s10  }
0x4f: {  	v1 =	vmul.f32 $2.000000030e-01, v2;
	v4 =	vmul.f32 $1.442695020e+00, v4;
	v8 =	vshrl.u32 v8, $0x3  }
0x50: {  	v10 =	vmul.f32 $2.000000030e-01, v5;
	v8 =	vshll.u32 v8, v0;
	v6 =	vadd.f32 v11, v6  }
0x51: {  	v1 =	vmax.f32 v2, v1;
	v2 =	vmul.f32 $2.000000030e-01, v7;
	v8 =	vbroadcast v8, $0x0  }
0x52: {  	s6 =	sadd.s32 $0x80, s9;
	v13 =	vld [tilespmem:s9+$0x20];
	v3 =	vadd.f32 v3, v9;
	(erf) = vpow2.f32 v4;
	v4 =	vmul.f32 $2.000000030e-01, v6  }
0x53: {  	v20 =	vld [tilespmem:s6+$0xFFFFFFC0];
	v5 =	vmax.f32 v5, v10;
	v1 =	vmul.f32 $1.442695020e+00, v1;
	v2 =	vmax.f32 v7, v2  }
0x54: {  	s23 =	sadd.s32 $0x94C0, s14;
	v23 =	vld [tilespmem:s6+$0xFFFFFFE0];
	v7 =	vmul.f32 $2.000000030e-01, v3;
	v2 =	vmul.f32 $1.442695020e+00, v2;
	v4 =	vmax.f32 v6, v4;
	v6 =	vpop (erf)  }
0x55: {  	s11 =	simm.s32 $0xC660;
	v26 =	vld [tilespmem:s6+$0xFFFFFFF0];
	v5 =	vmul.f32 $1.442695020e+00, v5;
	(erf) = vpow2.f32 v1;
	[tilespmem:s23+$0x78] =	vst v6  }
0x56: {  	v28 =	vld [tilespmem:s6+$0x10];
	v3 =	vmax.f32 v3, v7;
	v1 =	vmul.f32 $1.442695020e+00, v4;
	(erf) = vpow2.f32 v2;
	[tilespmem:s11+$0x30] =	vst v6  }
0x57: {  	v2 =	vmul.f32 $1.442695020e+00, v3;
	(erf) = vpow2.f32 v5;
	v3 =	vld.idx.msk [tilespmem:v8+s29+$0x0], $0xffff  }
0x58: {  	s13 =	sadd.s32 $0x80, s6;
	(erf) = vpow2.f32 v1;
	v1 =	vld [tilespmem:s28+$0x80]  }
0x59: {  	v41 =	vld [tilespmem:s13+$0x30]  }
0x5a: {  	v42 =	vld [tilespmem:s13+$0xFFFFFFC0]  }
0x5b: {  	v44 =	vld [tilespmem:s13+$0xFFFFFFD0]  }
0x5c: {  	s24 =	simm.s32 $0x30;
	v46 =	vld [tilespmem:s13+$0xFFFFFFE0];
	v9 =	vpop (erf);
	(erf) = vpow2.f32 v2  }
0x5d: {  	s26 =	simm.s32 $0x20;
	v47 =	vld [tilespmem:s13+$0xFFFFFFF0];
	v6 =	vmov s24;
	s24 =	sadd.s32 $0x140, s28;
	[tilespmem:s23+$0xFFFFFF88] =	vst v9;
	v3 =	vmul.f32 v1, v3  }
0x5e: {  	s15 =	simm.s32 $0x0;
	s17 =	simm.s32 $0x10;
	v5 =	vmov s26;
	v22 =	vld [tilespmem:s24+$0xFFFFFFB0];
	[tilespmem:s11+$0xFFFFFFD0] =	vst v9  }
0x5f: {  	s25 =	simm.s32 $0x40;
	v50 =	vld [tilespmem:s13+$0x20];
	v4 =	vmov s17;
	v2 =	vmov s15;
	v10 =	vpop (erf);
	[tilespmem:s23+$0x80] =	vst v3  }
0x60: {  	v11 =	vld [tilespmem:s28+$0x50];
	v7 =	vmov s25;
	v4 =	vshrl.u32 v4, $0x3;
	v2 =	vshrl.u32 v2, $0x3;
	[tilespmem:s23+$0xFFFFFFB0] =	vst v10  }
0x61: {  	v4 =	vshll.u32 v4, v0;
	v21 =	vld [tilespmem:s24+$0xFFFFFF88];
	v2 =	vshll.u32 v2, v0;
	v1 =	vshrl.u32 v5, $0x3;
	v5 =	vpop (erf);
	[tilespmem:s11+$0xFFFFFFE0] =	vst v10  }
0x62: {  	v15 =	vld [tilespmem:s28+$0xFFFFFF90];
	v9 =	vbroadcast v2, $0x0;
	v2 =	vshrl.u32 v6, $0x3;
	v6 =	vshll.u32 v1, v0;
	[tilespmem:s23+$0xFFFFFFD8] =	vst v5  }
0x63: {  	v22 =	vadd.f32 v23, v22;
	v23 =	vld [tilespmem:s24+$0x28];
	v1 =	vbroadcast v4, $0x0;
	v4 =	vshrl.u32 v7, $0x3;
	v12 =	vpop (erf);
	[tilespmem:s11+$0xFFFFFFF0] =	vst v5  }
0x64: {  	v3 =	vbroadcast v6, $0x0;
	v4 =	vshll.u32 v4, v0;
	v7 =	vld.idx.msk [tilespmem:v8+s29+$0x0], $0xffff;
	v14 =	vpop (erf);
	[tilespmem:s23+$0x0] =	vst v12  }
0x65: {  	v4 =	vbroadcast v4, $0x0;
	v10 =	vld [tilespmem:s28+$0xFFFFFFB8];
	v6 =	vpop (erf);
	[tilespmem:s11+$0x0] =	vst v12  }
0x66: {  	v5 =	vld [tilespmem:s24+$0x78];
	[tilespmem:s23+$0xFFFFFF60] =	vst v6  }
0x67: {  	v29 =	vld [tilespmem:s28+$0x8];
	[tilespmem:s11+$0xFFFFFFC0] =	vst v6;
	v6 =	vadd.f32 v13, v11  }
0x68: {  	v11 =	vld [tilespmem:s6+$0x30]  }
0x69: {  	v17 =	vld.idx.msk [tilespmem:v1+s29+$0x0], $0xffff;
	v13 =	vmul.f32 $2.000000030e-01, v6  }
0x6a: {  	v18 =	vld.idx.msk [tilespmem:v3+s29+$0x0], $0xffff  }
0x6b: {  	s31 =	simm.s32 $0x60;
	v2 =	vshll.u32 v2, v0;
	v8 =	vld.idx.msk [tilespmem:v4+s29+$0x0], $0xffff;
	v6 =	vmax.f32 v6, v13  }
0x6c: {  	v25 =	vmov s31;
	v2 =	vbroadcast v2, $0x0;
	v13 =	vld [tilespmem:s6+$0xFFFFFFD0];
	v6 =	vmul.f32 $1.442695020e+00, v6  }
0x6d: {  	s30 =	simm.s32 $0x50;
	v25 =	vshrl.u32 v25, $0x3;
	v16 =	vld.idx.msk [tilespmem:v9+s29+$0x0], $0xffff;
	v5 =	vadd.f32 v11, v5  }
0x6e: {  	v19 =	vld [tilespmem:s28+$0xFFFFFF68];
	v11 =	vmov s30;
	v15 =	vmul.f32 v15, v17;
	(erf) = vpow2.f32 v6  }
0x6f: {  	v17 =	vmul.f32 $2.000000030e-01, v22;
	v6 =	vshrl.u32 v11, $0x3;
	v11 =	vld [tilespmem:s24+$0xFFFFFFD8];
	v24 =	vmul.f32 $2.000000030e-01, v5  }
0x70: {  	v27 =	vld [tilespmem:s24+$0x0];
	v10 =	vmul.f32 v10, v18;
	v29 =	vmul.f32 v29, v8;
	v6 =	vshll.u32 v6, v0  }
0x71: {  	v5 =	vmax.f32 v5, v24;
	v24 =	vshll.u32 v25, v0;
	v21 =	vadd.f32 v13, v21;
	v25 =	vld [tilespmem:s6+$0x0]  }
0x72: {  	v12 =	vld.idx.msk [tilespmem:v2+s29+$0x0], $0xffff;
	v6 =	vbroadcast v6, $0x0;
	[tilespmem:s23+$0x8] =	vst v29;
	v13 =	vmul.f32 $1.442695020e+00, v5  }
0x73: {  	[tilespmem:s23+$0x28] =	vst v14;
	v23 =	vadd.f32 v28, v23;
	v5 =	vbroadcast v24, $0x0;
	v56 =	vld [tilespmem:s28+$0x18];
	v24 =	vmul.f32 $2.000000030e-01, v21  }
0x74: {  	s3 =	simm.s32 $0xF0;
	[tilespmem:s11+$0x10] =	vst v14;
	v14 =	vmul.f32 v19, v16;
	(erf) = vpow2.f32 v13;
	v11 =	vadd.f32 v26, v11;
	v26 =	vld [tilespmem:s24+$0xFFFFFF60]  }
0x75: {  	v17 =	vmax.f32 v22, v17;
	v13 =	vld [tilespmem:s28+$0x90];
	v18 =	vmax.f32 v21, v24;
	v21 =	vmov s3  }
0x76: {  	v24 =	vld [tilespmem:s28+$0xFFFFFFE0];
	v19 =	vmul.f32 $2.000000030e-01, v11;
	v25 =	vadd.f32 v25, v27;
	v21 =	vshrl.u32 v21, $0x3  }
0x77: {  	v17 =	vmul.f32 $1.442695020e+00, v17;
	v18 =	vmul.f32 $1.442695020e+00, v18;
	v27 =	vld [tilespmem:s24+$0x50];
	v21 =	vshll.u32 v21, v0;
	v22 =	vpop (erf)  }
0x78: {  	v16 =	vld.idx.msk [tilespmem:v6+s29+$0x0], $0xffff;
	v28 =	vmul.f32 $2.000000030e-01, v25;
	v21 =	vbroadcast v21, $0x0;
	v11 =	vmax.f32 v11, v19;
	[tilespmem:s23+$0x50] =	vst v22  }
0x79: {  	(erf) = vpow2.f32 v18;
	v18 =	vmul.f32 $2.000000030e-01, v23;
	v26 =	vadd.f32 v20, v26;
	[tilespmem:s11+$0x20] =	vst v22;
	v22 =	vld [tilespmem:s6+$0x20]  }
0x7a: {  	v11 =	vmul.f32 $1.442695020e+00, v11;
	(erf) = vpow2.f32 v17;
	v19 =	vmax.f32 v25, v28;
	v28 =	vld [tilespmem:s28+$0x30]  }
0x7b: {  	[tilespmem:s23+$0xFFFFFF68] =	vst v14;
	v18 =	vmax.f32 v23, v18;
	v20 =	vld.idx.msk [tilespmem:v5+s29+$0x0], $0xffff;
	v25 =	vmul.f32 $2.000000030e-01, v26;
	v14 =	vmul.f32 $1.442695020e+00, v19  }
0x7c: {  	[tilespmem:s23+$0xFFFFFF90] =	vst v15;
	v23 =	vld [tilespmem:s28+$0x58];
	v17 =	vmul.f32 $1.442695020e+00, v18;
	(erf) = vpow2.f32 v11  }
0x7d: {  	v19 =	vpop (erf);
	(erf) = vpow2.f32 v14;
	v14 =	vmul.f32 v24, v12;
	v12 =	vld.idx.msk [tilespmem:v1+s29+$0x0], $0xffff  }
0x7e: {  	v18 =	vmax.f32 v26, v25;
	v25 =	vld [tilespmem:s28+$0xFFFFFF78]  }
0x7f: {  	s25 =	sadd.s32 $0x140, s23;
	(erf) = vpow2.f32 v17;
	v17 =	vld [tilespmem:s28+$0xFFFFFFA0]  }
0x80: {  	s8 =	simm.s32 $0xC6E0;
	[tilespmem:s25+$0x78] =	vst v19;
	v11 =	vadd.f32 v22, v27;
	v22 =	vld.idx.msk [tilespmem:v9+s29+$0x0], $0xffff  }
0x81: {  	[tilespmem:s8+$0x30] =	vst v19;
	v28 =	vmul.f32 v28, v16;
	v16 =	vld [tilespmem:s13+$0x0]  }
0x82: {  	v9 =	vmul.f32 $1.442695020e+00, v18;
	v18 =	vld.idx.msk [tilespmem:v21+s29+$0x0], $0xffff  }
0x83: {  	s26 =	simm.s32 $0xB0;
	[tilespmem:s23+$0xFFFFFFE0] =	vst v14;
	v19 =	vld [tilespmem:s24+$0x80]  }
0x84: {  	[tilespmem:s23+$0xFFFFFFB8] =	vst v10;
	v14 =	vmov s26;
	s26 =	sadd.s32 $0x140, s24;
	v10 =	vld.idx.msk [tilespmem:v2+s29+$0x0], $0xffff  }
0x85: {  	v40 =	vld [tilespmem:s26+$0x78]  }
0x86: {  	v43 =	vld [tilespmem:s26+$0xFFFFFF88]  }
0x87: {  	v45 =	vld [tilespmem:s26+$0xFFFFFFB0]  }
0x88: {  	v62 =	vld [tilespmem:s26+$0xFFFFFFD8]  }
0x89: {  	s9 =	simm.s32 $0x80;
	v7 =	vmul.f32 v13, v7;
	v13 =	vld [tilespmem:s26+$0x0]  }
0x8a: {  	v1 =	vmov s9;
	v63 =	vld [tilespmem:s26+$0x28];
	v15 =	vmul.f32 $2.000000030e-01, v11  }
0x8b: {  	v1 =	vshrl.u32 v1, $0x3;
	v20 =	vmul.f32 v23, v20;
	v49 =	vld [tilespmem:s26+$0x50]  }
0x8c: {  	s10 =	simm.s32 $0x90;
	v1 =	vshll.u32 v1, v0;
	(erf) = vpow2.f32 v9;
	v9 =	vld.idx.msk [tilespmem:v3+s29+$0x0], $0xffff;
	[tilespmem:s23+$0x30] =	vst v28;
	v11 =	vmax.f32 v11, v15  }
0x8d: {  	v27 =	vbroadcast v1, $0x0;
	v3 =	vmov s10;
	[tilespmem:s23+$0x58] =	vst v20;
	v59 =	vld [tilespmem:s28+$0x40];
	v2 =	vmul.f32 $1.442695020e+00, v11  }
0x8e: {  	[tilespmem:s23+$0x90] =	vst v7;
	v1 =	vshrl.u32 v14, $0x3;
	v3 =	vshrl.u32 v3, $0x3;
	v60 =	vld [tilespmem:s28+$0x68];
	v22 =	vmul.f32 v25, v22;
	v15 =	vpop (erf)  }
0x8f: {  	v3 =	vshll.u32 v3, v0;
	v25 =	vld [tilespmem:s13+$0x10];
	[tilespmem:s25+$0xFFFFFF88] =	vst v15;
	(erf) = vpow2.f32 v2;
	v2 =	vmul.f32 v19, v18  }
0x90: {  	s11 =	simm.s32 $0xA0;
	v1 =	vshll.u32 v1, v0;
	v31 =	vbroadcast v3, $0x0;
	v18 =	vld [tilespmem:s28+$0xFFFFFFC8];
	[tilespmem:s8+$0xFFFFFFD0] =	vst v15  }
0x91: {  	v33 =	vbroadcast v1, $0x0;
	v11 =	vmov s11;
	v19 =	vld [tilespmem:s28+$0xFFFFFFF0];
	v15 =	vpop (erf);
	[tilespmem:s25+$0x80] =	vst v2  }
0x92: {  	s15 =	simm.s32 $0xC0;
	v11 =	vshrl.u32 v11, $0x3;
	v40 =	vadd.f32 v41, v40;
	v26 =	vld [tilespmem:s24+$0xFFFFFF90];
	[tilespmem:s25+$0xFFFFFFB0] =	vst v15  }
0x93: {  	v24 =	vmov s15;
	v11 =	vshll.u32 v11, v0;
	v30 =	vpop (erf);
	v21 =	vld.idx.msk [tilespmem:v21+s29+$0x0], $0xffff;
	[tilespmem:s8+$0xFFFFFFE0] =	vst v15  }
0x94: {  	s30 =	simm.s32 $0xD0;
	v48 =	vmul.f32 $2.000000030e-01, v40;
	v2 =	vshrl.u32 v24, $0x3;
	v24 =	vbroadcast v11, $0x0;
	v34 =	vld [tilespmem:s24+$0x90];
	[tilespmem:s25+$0xFFFFFFD8] =	vst v30  }
0x95: {  	v12 =	vmul.f32 v17, v12;
	v3 =	vmov s30;
	v23 =	vadd.f32 v44, v43;
	v14 =	vpop (erf);
	v35 =	vld [tilespmem:s24+$0xFFFFFFB8];
	[tilespmem:s8+$0xFFFFFFF0] =	vst v30  }
0x96: {  	v3 =	vshrl.u32 v3, $0x3;
	v7 =	vadd.f32 v46, v45;
	v8 =	vmax.f32 v40, v48;
	v30 =	vld.idx.msk [tilespmem:v31+s29+$0x0], $0xffff;
	[tilespmem:s25+$0x0] =	vst v14  }
0x97: {  	v29 =	vadd.f32 v47, v62;
	v48 =	vmul.f32 $2.000000030e-01, v23;
	v32 =	vpop (erf);
	v8 =	vmul.f32 $1.442695020e+00, v8;
	[tilespmem:s8+$0x0] =	vst v14;
	v38 =	vld.idx.msk [tilespmem:v33+s29+$0x0], $0xffff  }
0x98: {  	v13 =	vadd.f32 v16, v13;
	v52 =	vmul.f32 $2.000000030e-01, v7;
	v2 =	vshll.u32 v2, v0;
	v11 =	vpop (erf);
	[tilespmem:s25+$0x28] =	vst v32;
	v61 =	vld [tilespmem:s24+$0xFFFFFFE0]  }
0x99: {  	s31 =	simm.s32 $0xE0;
	v1 =	vbroadcast v2, $0x0;
	[tilespmem:s25+$0xFFFFFF60] =	vst v11;
	(erf) = vpow2.f32 v8;
	v8 =	vmax.f32 v23, v48;
	v23 =	vld [tilespmem:s26+$0xFFFFFF60]  }
0x9a: {  	v3 =	vshll.u32 v3, v0;
	v7 =	vmax.f32 v7, v52;
	v2 =	vmov s31;
	[tilespmem:s8+$0x10] =	vst v32;
	v37 =	vld.idx.msk [tilespmem:v24+s29+$0x0], $0xffff  }
0x9b: {  	v7 =	vmul.f32 $1.442695020e+00, v7;
	[tilespmem:s8+$0xFFFFFFC0] =	vst v11;
	v11 =	vshrl.u32 v2, $0x3;
	v2 =	vbroadcast v3, $0x0;
	v16 =	vld [tilespmem:s24+$0x30]  }
0x9c: {  	s15 =	simm.s32 $0x170;
	v36 =	vld.idx.msk [tilespmem:v27+s29+$0x0], $0xffff;
	v3 =	vshll.u32 v11, v0;
	v21 =	vmul.f32 v34, v21;
	v15 =	vpop (erf);
	v26 =	vmul.f32 v26, v30  }
0x9d: {  	v51 =	vmov s15;
	v39 =	vld [tilespmem:s24+$0xFFFFFF68];
	v34 =	vmul.f32 $1.442695020e+00, v8;
	v3 =	vbroadcast v3, $0x0;
	[tilespmem:s25+$0x50] =	vst v15  }
0x9e: {  	v25 =	vadd.f32 v25, v63;
	v8 =	vld [tilespmem:s24+$0x8];
	v32 =	vmul.f32 v61, v38;
	[tilespmem:s25+$0xFFFFFF90] =	vst v26;
	v26 =	vmul.f32 $2.000000030e-01, v29  }
0x9f: {  	v11 =	vld.idx.msk [tilespmem:v1+s29+$0x0], $0xffff;
	(erf) = vpow2.f32 v34;
	[tilespmem:s8+$0x20] =	vst v15;
	v30 =	vmul.f32 v35, v37;
	v37 =	vshrl.u32 v51, $0x3  }
0xa0: {  	v53 =	vld [tilespmem:s24+$0x58];
	v26 =	vmax.f32 v29, v26;
	v29 =	vmul.f32 $2.000000030e-01, v25;
	v37 =	vshll.u32 v37, v0  }
0xa1: {  	v23 =	vadd.f32 v42, v23;
	v31 =	vld.idx.msk [tilespmem:v31+s29+$0x0], $0xffff;
	v37 =	vbroadcast v37, $0x0;
	[tilespmem:s25+$0xFFFFFFB8] =	vst v30;
	v30 =	vmul.f32 $2.000000030e-01, v13  }
0xa2: {  	[tilespmem:s23+$0xFFFFFFA0] =	vst v12;
	(erf) = vpow2.f32 v7;
	v36 =	vmul.f32 v39, v36;
	v25 =	vmax.f32 v25, v29;
	v29 =	vld.idx.msk [tilespmem:v4+s29+$0x0], $0xffff  }
0xa3: {  	s14 =	sadd.s32 $0x140, s25;
	[tilespmem:s23+$0xFFFFFF78] =	vst v22;
	v28 =	vpop (erf);
	v54 =	vld.idx.msk [tilespmem:v24+s29+$0x0], $0xffff;
	v24 =	vmul.f32 $1.442695020e+00, v26;
	v26 =	vmul.f32 $2.000000030e-01, v23;
	v13 =	vmax.f32 v13, v30  }
0xa4: {  	s17 =	simm.s32 $0xC760;
	[tilespmem:s14+$0x78] =	vst v28;
	v4 =	vmul.f32 $1.442695020e+00, v25;
	v25 =	vld.idx.msk [tilespmem:v6+s29+$0x0], $0xffff;
	v6 =	vadd.f32 v50, v49;
	v13 =	vmul.f32 $1.442695020e+00, v13  }
0xa5: {  	[tilespmem:s17+$0x30] =	vst v28;
	v28 =	vld.idx.msk [tilespmem:v5+s29+$0x0], $0xffff;
	v5 =	vmul.f32 v18, v9;
	v7 =	vmax.f32 v23, v26;
	(erf) = vpow2.f32 v24  }
0xa6: {  	[tilespmem:s25+$0x90] =	vst v21;
	v7 =	vmul.f32 $1.442695020e+00, v7;
	(erf) = vpow2.f32 v13;
	v13 =	vld [tilespmem:s26+$0x80]  }
0xa7: {  	[tilespmem:s25+$0xFFFFFFE0] =	vst v32;
	v21 =	vld.idx.msk [tilespmem:v37+s29+$0x0], $0xffff;
	(erf) = vpow2.f32 v4;
	v4 =	vmul.f32 $2.000000030e-01, v6  }
0xa8: {  	v14 =	vld.idx.msk [tilespmem:v2+s29+$0x0], $0xffff;
	[tilespmem:s25+$0xFFFFFF68] =	vst v36;
	v9 =	vmul.f32 v19, v10  }
0xa9: {  	s3 =	simm.s32 $0x100;
	v15 =	vld.idx.msk [tilespmem:v3+s29+$0x0], $0xffff;
	[tilespmem:s23+$0xFFFFFFC8] =	vst v5;
	v4 =	vmax.f32 v6, v4  }
0xaa: {  	s9 =	simm.s32 $0x120;
	s8 =	simm.s32 $0x110;
	v27 =	vld.idx.msk [tilespmem:v27+s29+$0x0], $0xffff;
	v10 =	vmov s3;
	[tilespmem:s23+$0xFFFFFFF0] =	vst v9;
	(erf) = vpow2.f32 v7;
	v7 =	vpop (erf);
	v4 =	vmul.f32 $1.442695020e+00, v4  }
0xab: {  	v17 =	vld [tilespmem:s24+$0xFFFFFF78];
	v18 =	vmov s8;
	v10 =	vshrl.u32 v10, $0x3;
	v6 =	vmov s9;
	[tilespmem:s14+$0xFFFFFF88] =	vst v7  }
0xac: {  	s11 =	simm.s32 $0x140;
	v20 =	vld [tilespmem:s24+$0xFFFFFFC8];
	[tilespmem:s17+$0xFFFFFFD0] =	vst v7;
	v12 =	vmul.f32 v13, v21;
	(erf) = vpow2.f32 v4;
	v4 =	vshll.u32 v10, v0;
	v13 =	vpop (erf)  }
0xad: {  	s10 =	simm.s32 $0x130;
	v30 =	vld.idx.msk [tilespmem:v33+s29+$0x0], $0xffff;
	v5 =	vmov s11;
	v9 =	vshrl.u32 v18, $0x3;
	v6 =	vshrl.u32 v6, $0x3;
	[tilespmem:s14+$0xFFFFFFB0] =	vst v13  }
0xae: {  	v19 =	vld [tilespmem:s24+$0xFFFFFFA0];
	v7 =	vmov s10;
	v6 =	vshll.u32 v6, v0;
	v10 =	vshll.u32 v9, v0;
	[tilespmem:s14+$0x80] =	vst v12  }
0xaf: {  	v18 =	vld [tilespmem:s24+$0xFFFFFFF0];
	v7 =	vshrl.u32 v7, $0x3;
	v9 =	vbroadcast v4, $0x0;
	v10 =	vbroadcast v10, $0x0;
	[tilespmem:s17+$0xFFFFFFE0] =	vst v13;
	v4 =	vpop (erf)  }
0xb0: {  	v5 =	vshrl.u32 v5, $0x3;
	v55 =	vld [tilespmem:s26+$0xFFFFFF90];
	v7 =	vshll.u32 v7, v0;
	v12 =	vbroadcast v6, $0x0;
	[tilespmem:s14+$0xFFFFFFD8] =	vst v4  }
0xb1: {  	s30 =	simm.s32 $0x150;
	s31 =	simm.s32 $0x160;
	v5 =	vshll.u32 v5, v0;
	v13 =	vbroadcast v7, $0x0;
	v21 =	vld.idx.msk [tilespmem:v37+s29+$0x0], $0xffff;
	v22 =	vpop (erf);
	[tilespmem:s17+$0xFFFFFFF0] =	vst v4  }
0xb2: {  	v6 =	vmov s30;
	v7 =	vbroadcast v5, $0x0;
	v5 =	vmov s31;
	v24 =	vld [tilespmem:s26+$0x90];
	[tilespmem:s14+$0x0] =	vst v22  }
0xb3: {  	v58 =	vld [tilespmem:s26+$0xFFFFFFB8];
	v6 =	vshrl.u32 v6, $0x3;
	v5 =	vshrl.u32 v5, $0x3;
	[tilespmem:s17+$0x0] =	vst v22;
	v22 =	vmul.f32 v16, v14  }
0xb4: {  	v6 =	vshll.u32 v6, v0;
	v57 =	vpop (erf);
	v16 =	vmul.f32 v19, v31;
	v19 =	vmul.f32 v59, v25;
	v25 =	vld [tilespmem:s26+$0xFFFFFFE0]  }
0xb5: {  	v6 =	vbroadcast v6, $0x0;
	v4 =	vshll.u32 v5, v0;
	v23 =	vpop (erf);
	[tilespmem:s14+$0x28] =	vst v57;
	v61 =	vld.idx.msk [tilespmem:v10+s29+$0x0], $0xffff  }
0xb6: {  	v4 =	vbroadcast v4, $0x0;
	[tilespmem:s14+$0xFFFFFF60] =	vst v23;
	v62 =	vld.idx.msk [tilespmem:v12+s29+$0x0], $0xffff  }
0xb7: {  	[tilespmem:s17+$0xFFFFFFC0] =	vst v23;
	v5 =	vmul.f32 v24, v21;
	v24 =	vld.idx.msk [tilespmem:v13+s29+$0x0], $0xffff  }
0xb8: {  	v63 =	vmul.f32 v8, v11;
	[tilespmem:s17+$0x10] =	vst v57;
	v23 =	vld.idx.msk [tilespmem:v9+s29+$0x0], $0xffff  }
0xb9: {  	v20 =	vmul.f32 v20, v54;
	v14 =	vmul.f32 v60, v28;
	v11 =	vpop (erf);
	v26 =	vld [tilespmem:s26+$0xFFFFFF68];
	[tilespmem:s14+$0x90] =	vst v5  }
0xba: {  	v21 =	vmul.f32 v53, v15;
	v15 =	vmul.f32 v17, v27;
	v5 =	vld.idx.msk [tilespmem:v7+s29+$0x0], $0xffff;
	[tilespmem:s14+$0x50] =	vst v11  }
0xbb: {  	v17 =	vmul.f32 v18, v30;
	v8 =	vld.idx.msk [tilespmem:v6+s29+$0x0], $0xffff;
	[tilespmem:s17+$0x20] =	vst v11;
	v28 =	vmul.f32 v55, v61  }
0xbc: {  	s6 =	sadd.s32 $0x140, s26;
	s28 =	simm.s32 $0x10;
	[tilespmem:s25+$0x8] =	vst v63;
	v18 =	vmul.f32 v56, v29;
	v11 =	vld.idx.msk [tilespmem:v4+s29+$0x0], $0xffff;
	v27 =	vmul.f32 v58, v62  }
.LBB2_3:
0xbd: {  	v29 =	vld [tilespmem:s6+$0x78];
	[tilespmem:s14+$0xFFFFFF90] =	vst v28;
	s13 =	sadd.s32 $0x80, s13  }
0xbe: {  	v28 =	vld [tilespmem:s13+$0x30];
	v23 =	vmul.f32 v26, v23;
	[tilespmem:s14+$0xFFFFFFB8] =	vst v27  }
0xbf: {  	s28 =	sadd.s32 $0x8, s28;
	v26 =	vld [tilespmem:s13+$0xFFFFFFC0];
	[tilespmem:s25+$0x30] =	vst v22  }
0xc0: {  	p0 =	slt.u32 s28, $0x48;
	v22 =	vld [tilespmem:s6+$0xFFFFFF88];
	[tilespmem:s14+$0xFFFFFF68] =	vst v23;
	v23 =	vmul.f32 v25, v24  }
0xc1: {  	v24 =	vld [tilespmem:s13+$0xFFFFFFD0];
	[tilespmem:s25+$0x58] =	vst v21  }
0xc2: {  	v21 =	vld [tilespmem:s6+$0xFFFFFFB0];
	[tilespmem:s14+$0xFFFFFFE0] =	vst v23  }
0xc3: {  	v23 =	vld [tilespmem:s13+$0xFFFFFFE0];
	v25 =	vadd.f32 v28, v29;
	[tilespmem:s25+$0xFFFFFF78] =	vst v15  }
0xc4: {  	v15 =	vld [tilespmem:s6+$0xFFFFFFD8];
	[tilespmem:s25+$0xFFFFFFA0] =	vst v16  }
0xc5: {  	v16 =	vld [tilespmem:s13+$0xFFFFFFF0];
	v27 =	vmul.f32 $2.000000030e-01, v25;
	[tilespmem:s25+$0xFFFFFFC8] =	vst v20  }
0xc6: {  	v20 =	vadd.f32 v24, v22;
	v22 =	vld [tilespmem:s6+$0x0];
	[tilespmem:s25+$0xFFFFFFF0] =	vst v17  }
0xc7: {  	v17 =	vld [tilespmem:s13+$0x0];
	v24 =	vmax.f32 v25, v27;
	[tilespmem:s23+$0x18] =	vst v18  }
0xc8: {  	v18 =	vmul.f32 $2.000000030e-01, v20;
	v21 =	vadd.f32 v23, v21;
	v23 =	vld [tilespmem:s6+$0x28];
	v24 =	vmul.f32 $1.442695020e+00, v24;
	[tilespmem:s23+$0x40] =	vst v19  }
0xc9: {  	v19 =	vld [tilespmem:s13+$0x10];
	[tilespmem:s23+$0x68] =	vst v14;
	s23 =	smov.u32 s25;
	s25 =	smov.u32 s14  }
0xca: {  	v14 =	vmul.f32 $2.000000030e-01, v21;
	v15 =	vadd.f32 v16, v15;
	v16 =	vld [tilespmem:s6+$0x50];
	(erf) = vpow2.f32 v24  }
0xcb: {  	s15 =	sadd.s32 $0x80, s15;
	v18 =	vmax.f32 v20, v18;
	v20 =	vld [tilespmem:s13+$0x20]  }
0xcc: {  	s8 =	sadd.s32 $0xFFFFFF90, s15;
	s9 =	sadd.s32 $0xFFFFFFA0, s15;
	v24 =	vld [tilespmem:s6+$0xFFFFFF60];
	v14 =	vmax.f32 v21, v14;
	v21 =	vmul.f32 $2.000000030e-01, v15;
	v17 =	vadd.f32 v17, v22  }
0xcd: {  	s10 =	sadd.s32 $0xFFFFFFB0, s15;
	s11 =	sadd.s32 $0xFFFFFFC0, s15;
	v18 =	vmul.f32 $1.442695020e+00, v18;
	v22 =	vmov s15;
	v14 =	vmul.f32 $1.442695020e+00, v14;
	v25 =	vld [tilespmem:s26+$0x8]  }
0xce: {  	s3 =	sadd.s32 $0xFFFFFFD0, s15;
	s30 =	sadd.s32 $0xFFFFFFE0, s15;
	v22 =	vshrl.u32 v22, $0x3;
	v27 =	vmul.f32 $2.000000030e-01, v17;
	v19 =	vadd.f32 v19, v23;
	v23 =	vld [tilespmem:s26+$0x30]  }
0xcf: {  	s31 =	sadd.s32 $0xFFFFFFF0, s15;
	v15 =	vmax.f32 v15, v21;
	v21 =	vshll.u32 v22, v0;
	(erf) = vpow2.f32 v18;
	v18 =	vld [tilespmem:s26+$0x58]  }
0xd0: {  	v29 =	vmul.f32 $2.000000030e-01, v19;
	v16 =	vadd.f32 v20, v16;
	v20 =	vbroadcast v21, $0x0;
	v28 =	vld.idx.msk [tilespmem:v9+s29+$0x0], $0xffff  }
0xd1: {  	v15 =	vmul.f32 $1.442695020e+00, v15;
	v17 =	vmax.f32 v17, v27;
	v9 =	vadd.f32 v26, v24;
	v24 =	vld.idx.msk [tilespmem:v10+s29+$0x0], $0xffff  }
0xd2: {  	v10 =	vmul.f32 $1.442695020e+00, v17;
	v17 =	vmax.f32 v19, v29;
	v19 =	vmul.f32 $2.000000030e-01, v16;
	v26 =	vld.idx.msk [tilespmem:v12+s29+$0x0], $0xffff  }
0xd3: {  	s14 =	sadd.s32 $0x140, s14;
	v21 =	vmov s8;
	v12 =	vmul.f32 $2.000000030e-01, v9;
	v17 =	vmul.f32 $1.442695020e+00, v17;
	v22 =	vpop (erf);
	v27 =	vld.idx.msk [tilespmem:v13+s29+$0x0], $0xffff  }
0xd4: {  	s17 =	sadd.s32 $0x80, s17;
	v13 =	vmov s9;
	v16 =	vmax.f32 v16, v19;
	[tilespmem:s14+$0x78] =	vst v22;
	(erf) = vpow2.f32 v14;
	v14 =	vld.idx.msk [tilespmem:v1+s29+$0x0], $0xffff;
	v1 =	vmovc v7  }
0xd5: {  	v7 =	vmax.f32 v9, v12;
	v9 =	vmul.f32 $1.442695020e+00, v16;
	[tilespmem:s17+$0x30] =	vst v22;
	(erf) = vpow2.f32 v15;
	v19 =	vld.idx.msk [tilespmem:v2+s29+$0x0], $0xffff;
	v2 =	vmovc v6  }
0xd6: {  	v29 =	vmul.f32 $1.442695020e+00, v7;
	v7 =	vmov s10;
	v12 =	vld.idx.msk [tilespmem:v20+s29+$0x0], $0xffff;
	(erf) = vpow2.f32 v10  }
0xd7: {  	v15 =	vmov s3;
	v10 =	vmov s11;
	v16 =	vld [tilespmem:s6+$0x80];
	(erf) = vpow2.f32 v17  }
0xd8: {  	v22 =	vmov s31;
	v17 =	vmov s30;
	(erf) = vpow2.f32 v29;
	v6 =	vpop (erf);
	v29 =	vld.idx.msk [tilespmem:v3+s29+$0x0], $0xffff  }
0xd9: {  	v21 =	vshrl.u32 v21, $0x3;
	v13 =	vshrl.u32 v13, $0x3;
	v3 =	vmovc v4;
	[tilespmem:s14+$0xFFFFFF88] =	vst v6;
	(erf) = vpow2.f32 v9;
	v30 =	vld [tilespmem:s26+$0xFFFFFF78]  }
0xda: {  	v4 =	vshrl.u32 v7, $0x3;
	v7 =	vshrl.u32 v15, $0x3;
	[tilespmem:s17+$0xFFFFFFD0] =	vst v6;
	v6 =	vshrl.u32 v10, $0x3;
	v31 =	vld [tilespmem:s26+$0xFFFFFFA0]  }
0xdb: {  	v15 =	vshrl.u32 v22, $0x3;
	v9 =	vshll.u32 v21, v0;
	v10 =	vshrl.u32 v17, $0x3;
	v32 =	vld [tilespmem:s6+$0xFFFFFF90]  }
0xdc: {  	v13 =	vshll.u32 v13, v0;
	v4 =	vshll.u32 v4, v0;
	v12 =	vmul.f32 v16, v12;
	v17 =	vld [tilespmem:s26+$0xFFFFFFC8]  }
0xdd: {  	v7 =	vshll.u32 v7, v0;
	v6 =	vshll.u32 v6, v0;
	v16 =	vshll.u32 v10, v0;
	v21 =	vpop (erf);
	v33 =	vld [tilespmem:s26+$0xFFFFFFF0]  }
0xde: {  	v15 =	vshll.u32 v15, v0;
	v9 =	vbroadcast v9, $0x0;
	v10 =	vbroadcast v13, $0x0;
	[tilespmem:s14+$0x80] =	vst v12;
	v34 =	vpop (erf);
	v35 =	vld [tilespmem:s24+$0x18]  }
0xdf: {  	v13 =	vbroadcast v6, $0x0;
	v12 =	vbroadcast v4, $0x0;
	[tilespmem:s14+$0xFFFFFFB0] =	vst v21;
	v36 =	vld.idx.msk [tilespmem:v20+s29+$0x0], $0xffff;
	v37 =	vpop (erf)  }
0xe0: {  	v7 =	vbroadcast v7, $0x0;
	v6 =	vbroadcast v16, $0x0;
	[tilespmem:s17+$0xFFFFFFE0] =	vst v21;
	v38 =	vld [tilespmem:s6+$0x90];
	v39 =	vpop (erf)  }
0xe1: {  	v41 =	vmul.f32 v25, v5;
	v4 =	vbroadcast v15, $0x0;
	v40 =	vld [tilespmem:s6+$0xFFFFFFB8];
	[tilespmem:s14+$0xFFFFFFD8] =	vst v34;
	v15 =	vpop (erf)  }
0xe2: {  	v22 =	vmul.f32 v23, v8;
	v21 =	vmul.f32 v18, v11;
	[tilespmem:s14+$0xFFFFFF60] =	vst v15;
	v42 =	vpop (erf);
	v5 =	vld [tilespmem:s24+$0x40]  }
0xe3: {  	v16 =	vmul.f32 v31, v24;
	[tilespmem:s17+$0xFFFFFFC0] =	vst v15;
	v15 =	vmul.f32 v30, v28;
	v8 =	vld [tilespmem:s24+$0x68];
	s24 =	smov.u32 s26;
	s26 =	smov.u32 s6  }
0xe4: {  	v20 =	vmul.f32 v17, v26;
	v17 =	vmul.f32 v33, v27;
	v23 =	vld.idx.msk [tilespmem:v9+s29+$0x0], $0xffff;
	[tilespmem:s17+$0xFFFFFFF0] =	vst v34  }
0xe5: {  	v18 =	vmul.f32 v35, v14;
	v11 =	vld.idx.msk [tilespmem:v10+s29+$0x0], $0xffff;
	[tilespmem:s14+$0x0] =	vst v37;
	v25 =	vmul.f32 v38, v36  }
0xe6: {  	v27 =	vld.idx.msk [tilespmem:v12+s29+$0x0], $0xffff;
	[tilespmem:s17+$0x0] =	vst v37  }
0xe7: {  	v24 =	vld.idx.msk [tilespmem:v13+s29+$0x0], $0xffff;
	[tilespmem:s14+$0x90] =	vst v25;
	v19 =	vmul.f32 v5, v19  }
.Ltmp0:
0xe8: {  	v5 =	vld.idx.msk [tilespmem:v7+s29+$0x0], $0xffff;
	[tilespmem:s14+$0x28] =	vst v39;
	v14 =	vmul.f32 v8, v29;
	(pc) =	sbr.rel @p0 .LBB2_3-.Ltmp0, $4  }
0xe9: {  	v26 =	vld [tilespmem:s6+$0xFFFFFF68];
	[tilespmem:s17+$0x10] =	vst v39  }
0xea: {  	v8 =	vld.idx.msk [tilespmem:v6+s29+$0x0], $0xffff;
	[tilespmem:s14+$0x50] =	vst v42  }
0xeb: {  	v28 =	vmul.f32 v32, v11;
	v25 =	vld [tilespmem:s6+$0xFFFFFFE0];
	[tilespmem:s17+$0x20] =	vst v42  }
0xec: {  	v27 =	vmul.f32 v40, v27;
	s6 =	sadd.s32 $0x140, s6;
	v11 =	vld.idx.msk [tilespmem:v4+s29+$0x0], $0xffff;
	[tilespmem:s25+$0x8] =	vst v41  }
0xed: {  	_ = 	snop  }
0xee: {  	v49 =	vld [tilespmem:s26+$0x8]  }
0xef: {  	v29 =	vld [tilespmem:s26+$0x30]  }
0xf0: {  	v50 =	vld [tilespmem:s26+$0x58]  }
0xf1: {  	v1 =	vld.idx.msk [tilespmem:v1+s29+$0x0], $0xffff  }
0xf2: {  	[tilespmem:s14+$0xFFFFFF90] =	vst v28;
	v55 =	vld [tilespmem:s24+$0x18]  }
0xf3: {  	[tilespmem:s25+$0x30] =	vst v22;
	v10 =	vld.idx.msk [tilespmem:v10+s29+$0x0], $0xffff  }
0xf4: {  	[tilespmem:s25+$0x58] =	vst v21;
	v2 =	vld.idx.msk [tilespmem:v2+s29+$0x0], $0xffff  }
0xf5: {  	[tilespmem:s25+$0xFFFFFF78] =	vst v15;
	v3 =	vld.idx.msk [tilespmem:v3+s29+$0x0], $0xffff  }
0xf6: {  	[tilespmem:s25+$0xFFFFFFA0] =	vst v16;
	v52 =	vld [tilespmem:s26+$0xFFFFFFA0]  }
0xf7: {  	[tilespmem:s25+$0xFFFFFFC8] =	vst v20;
	v56 =	vld [tilespmem:s24+$0x40]  }
0xf8: {  	v23 =	vmul.f32 v26, v23;
	[tilespmem:s14+$0xFFFFFFB8] =	vst v27;
	v21 =	vld [tilespmem:s24+$0x68]  }
0xf9: {  	[tilespmem:s25+$0xFFFFFFF0] =	vst v17;
	v12 =	vld.idx.msk [tilespmem:v12+s29+$0x0], $0xffff  }
0xfa: {  	v53 =	vld [tilespmem:s26+$0xFFFFFFC8];
	[tilespmem:s14+$0xFFFFFF68] =	vst v23;
	v24 =	vmul.f32 v25, v24  }
0xfb: {  	[tilespmem:s23+$0x18] =	vst v18;
	v9 =	vld.idx.msk [tilespmem:v9+s29+$0x0], $0xffff  }
0xfc: {  	v51 =	vld [tilespmem:s26+$0xFFFFFF78];
	[tilespmem:s14+$0xFFFFFFE0] =	vst v24;
	v5 =	vmul.f32 v49, v5  }
0xfd: {  	[tilespmem:s23+$0x40] =	vst v19;
	v8 =	vmul.f32 v29, v8;
	v13 =	vld.idx.msk [tilespmem:v13+s29+$0x0], $0xffff  }
0xfe: {  	v11 =	vmul.f32 v50, v11;
	v54 =	vld [tilespmem:s26+$0xFFFFFFF0];
	[tilespmem:s14+$0x8] =	vst v5  }
0xff: {  	[tilespmem:s14+$0x30] =	vst v8;
	v5 =	vld.idx.msk [tilespmem:v7+s29+$0x0], $0xffff  }
0x100: {  	v1 =	vmul.f32 v55, v1;
	[tilespmem:s14+$0x58] =	vst v11;
	v6 =	vld.idx.msk [tilespmem:v6+s29+$0x0], $0xffff  }
0x101: {  	[tilespmem:s23+$0x68] =	vst v14;
	v58 =	vmul.f32 v52, v10;
	v4 =	vld.idx.msk [tilespmem:v4+s29+$0x0], $0xffff  }
0x102: {  	v2 =	vmul.f32 v56, v2;
	[tilespmem:s25+$0x18] =	vst v1;
	v60 =	vld [tilespmem:s26+$0x18]  }
0x103: {  	v3 =	vmul.f32 v21, v3;
	[tilespmem:s14+$0xFFFFFFA0] =	vst v58;
	v62 =	vld [tilespmem:s26+$0x40]  }
0x104: {  	v59 =	vmul.f32 v53, v12;
	v63 =	vld [tilespmem:s26+$0x68];
	[tilespmem:s25+$0x40] =	vst v2  }
0x105: {  	[tilespmem:s25+$0x68] =	vst v3;
	v57 =	vmul.f32 v51, v9  }
0x106: {  	s6 =	smul.u32 $0x140, s21;
	s21 =	sadd.s32 $0x1, s21;
	[tilespmem:s14+$0xFFFFFFC8] =	vst v59;
	v61 =	vmul.f32 v54, v13  }
0x107: {  	s3 =	smul.u32 $0x3200, s22;
	p0 =	sne.s32 s21, $0x7D;
	[tilespmem:s14+$0xFFFFFF78] =	vst v57;
	v1 =	vmul.f32 v60, v5  }
.Ltmp1:
0x108: {  	[tilespmem:s14+$0xFFFFFFF0] =	vst v61;
	v2 =	vmul.f32 v62, v6;
	(pc) =	sbr.rel @p0 .LBB2_2-.Ltmp1, $4  }
0x109: {  	v3 =	vmul.f32 v63, v4;
	[tilespmem:s14+$0x18] =	vst v1  }
0x10a: {  	s8 =	sadd.s32 $0x9, s22;
	s3 =	sshrl.u32 s3, $0x2;
	s6 =	sshra.s32 s6, $0x2;
	[tilespmem:s14+$0x40] =	vst v2  }
0x10b: {  	s20 =	sadd.s32 $0x1, s20;
	s3 =	sadd.s32 $0x9420, s3;
	s6 =	sadd.s32 $0x2710, s6;
	[tilespmem:s14+$0x68] =	vst v3  }
0x10c: {  	[spmem:s2] =	stream.indirect.scatter.add.f32 [tilespmem:s3], [sflag:s8], $0x28, s6, s18, $0xb8;
	[tilespmem:$0x12CC8] =	vst v63  }
0x10d: {  	s3 =	simm.s32 $0x9  }
0x10e: {  	_ =	swait.ge [sflag:s3], $0xC80  }
0x10f: {  	[sflag:s3] =	ssyncset.done $0x0  }
0x110: {  	s28 =	simm.s32 $0xA;
	[sflag:s3] =	ssyncadd.s32 $0xFFFFF380  }
0x111: {  	_ =	swait.ge [sflag:s28], $0xC80  }
0x112: {  	[sflag:s28] =	ssyncset.done $0x0  }
0x113: {  	[sflag:s28] =	ssyncadd.s32 $0xFFFFF380  }
0x114: {  	_ =	swait.ge [sflag:s1], $0xC80  }
0x115: {  	[sflag:s1] =	ssyncset.done $0x0  }
0x116: {  	[sflag:s1] =	ssyncadd.s32 $0xFFFFF380  }
0x117: {  	_ =	swait.ge [sflag:s0], $0xC80  }
0x118: {  	[sflag:s0] =	ssyncset.done $0x0  }
0x119: {  	[sflag:s0] =	ssyncadd.s32 $0xFFFFF380  }
0x11a: {  	s6 =	simm.s32 $0x1;
	[bflag:$0x0] =	sbarrier.arrive $0xFFFF  }
0x11b: {  	s8 =	simm.s32 $0x5;
	s9 =	simm.s32 $0x10;
	s30 =	rddreg [dreg:$0x7]  }
0x11c: {  	[hbm:s30@s9], [sflag:s7] =	dma.strided [spmem:s12@s8], $0xC80, s6, $0x5   }
0x11d: {  	_ =	swait.ge [sflag:s16], $0xC80  }
0x11e: {  	s19 =	sadd.s32 $0x1, s19;
	s31 =	rddreg [dreg:$0x8]  }
0x11f: {  	p0 =	sne.s32 s19, s31  }
.Ltmp2:
0x120: {  	_ = 	snop;
	(pc) =	sbr.rel @p0 .LBB2_1-.Ltmp2, $3  }
0x121: {  	_ =	sdelay $0x1  }
0x122: {  	[sflag:s16] =	ssyncset.done $0x0  }
0x123: {  	[sflag:s16] =	ssyncadd.s32 $0xFFFFF380  }
0x124: {  	_ =	sfence.sel $0x180000  }
0x125: {  	[bflag:$0x0] =	sbarrier.arrive $0xFFFF  }
0x126: {  	_ =	strace $0x9000004A  }
0x127: {  	s0 =	stileid.u32;
	[bflag:$0x2] =	sbarrier.arrive $0xFFFF  }
0x128: {  	p0 =	sne.s32 s0, $0x0;
	s0 =	rddreg [dreg:$0x3]  }
0x129: {  	s0 =	sadd.s32 @!p0 $0x100000, s0  }
0x12a: {  	[sflag:s0] =	ssyncadd.tile.s32 @!p0 $0x1;
	_ =	shalt  }
.Lfunc_end2:
_tile_overlayer_lowered:
.L_overlay_start_2:
0x12b: {  	(tag) =	ssettag $0x2  }
0x12c: {  	s0 =	rddreg [dreg:$0x0];
	s2 =	stileid.u32  }
0x12d: {  	s1 =	rddreg [dreg:$0x1];
	p0 =	sne.s32 s2, $0x0  }
0x12e: {  	s3 =	rddreg [dreg:$0x2];
	[bflag:$0x3] =	sbarrier.arrive $0xFFFF;
	s2 =	simm.s32 @!p0 $0x1C0D  }
0x12f: {  	[timem:s3], [sflag:s2] =	dma.local @!p0 [hbm:s0], s1  }
0x130: {  	s0 =	simm.s32 @!p0 $0xD  }
0x131: {  	_ =	swait.ge @!p0 [sflag:s0], s1  }
0x132: {  	s1 =	ssub.s32 @!p0 $0x0, s1;
	[sflag:s0] =	ssyncset.done @!p0 $0x0  }
0x133: {  	[sflag:s0] =	ssyncadd.s32 @!p0 s1  }
0x134: {  	[bflag:$0x3] =	sbarrier.arrive $0xFFFF  }
0x135: {  	_ =	shalt  }

// kernel: kernel.7.cloned.1.call-start
scs
__scs_entry_jumppad:
0x0: {  	(pc) =	sbr.rel $0x88, $3  }
0x1: {  	(tag) =	ssettag $0x0;
	lr =	simm.s32 $0x1  }
0x2: {  	[smem:$0x3F97] =	sst lr;
	_ =	strace $0xD0000000  }
0x3: {  	_ = 	snop  }
0x4: {  	_ = 	snop  }
0x5: {  	_ = 	snop  }
0x6: {  	_ = 	snop  }
0x7: {  	_ = 	snop  }
__scs_overlays_trampoline_lowered:
0x8: {  	[smem:$0x3FA6] =	sst s0  }
0x9: {  	[smem:$0x3FA7] =	sst s1  }
0xa: {  	[smem:$0x3FA8] =	sst s2  }
0xb: {  	[smem:$0x3FA9] =	sst s3  }
0xc: {  	[smem:$0x3FAA] =	sst s4  }
0xd: {  	[smem:$0x3FAB] =	sst s5  }
0xe: {  	[smem:$0x3FAC] =	sst s6  }
0xf: {  	[smem:$0x3FAD] =	sst s7  }
0x10: {  	[smem:$0x3FAE] =	sst s8  }
0x11: {  	[smem:$0x3FAF] =	sst s9;
	s0 =	simm.s32 @!p0 $0x0  }
0x12: {  	s1 =	sld [smem:$0x3F95];
	s0 =	simm.s32 @p0 $0x1  }
0x13: {  	[smem:$0x3FB0] =	sst s0;
	s0 =	simm.s32 @!p1 $0x0  }
0x14: {  	s2 =	sld [smem:$0x3F94];
	s0 =	simm.s32 @p1 $0x1  }
0x15: {  	[smem:$0x3FB1] =	sst s0;
	s0 =	simm.s32 @!p2 $0x0  }
0x16: {  	s3 =	sld [smem:$0x3FDB];
	s0 =	simm.s32 @p2 $0x1  }
0x17: {  	s4 =	simm.s32 $0x1BF5;
	[smem:$0x3FB3] =	sst s0  }
0x18: {  	s0 =	sld [smem:$0x3F96];
	_ =	swait.ge [sflag:s4], $0x0  }
0x19: {  	s7 =	sld [smem:$0x3F97]  }
0x1a: {  	s8 =	sadd.s32 $0xFFFFE003, lr  }
0x1b: {  	s9 =	sadd.s32 $0xFFFFFEF7, lr;
	s5 =	simm.s32 $0xFFFFFFFF;
	p2 =	slt.u32 s8, $0xFFFFF086  }
0x1c: {  	p1 =	slt.u32 s9, $0xF7A;
	s5 =	simm.s32 @!p2 $0x0  }
0x1d: {  	s5 =	simm.s32 @p1 $0x1;
	p0 =	seq.s32 s7, s2  }
0x1e: {  	s7 =	smul.u32 @!p0 $0xF7A, s2;
	p2 =	seq.s32 @!p0 s5, $0x0  }
0x1f: {  	s9 =	smul.u32 $0xF7A, s1;
	s8 =	simm.s32 @!p0 $0x1BF5;
	p2 =	por !p2, p0  }
0x20: {  	[sflag:s8] =	ssyncset.s32 @!p0 $0xFFFFF086;
	s6 =	sadd.s32 @!p0 s3, s7;
	s7 =	simm.s32 @!p0 $0x108  }
0x21: {  	s3 =	sadd.s32 s3, s9;
	s6 =	sadd.s32 @!p0 $0x88, s6;
	s7 =	simm.s32 @p2 $0x1082  }
0x22: {  	[simem:s7], [sflag:s8] =	dma.local @!p0 [hbm:s6], $0xF7A  }
0x23: {  	s9 =	sor.u32 $0xD0000000, s2;
	s6 =	simm.s32 $0x108;
	_ =	swait.ge @!p0 [sflag:s8], $0x0  }
0x24: {  	s3 =	sadd.s32 $0x88, s3;
	s6 =	simm.s32 @!p1 $0x1082;
	[sflag:s4] =	ssyncset.s32 $0xFFFFF086  }
0x25: {  	[simem:s6], [sflag:s4] =	dma.local [hbm:s3], $0xF7A  }
0x26: {  	[smem:$0x3F97] =	sst s1;
	(tag) =	ssettag s2;
	_ =	strace s9  }
0x27: {  	s1 =	sld [smem:$0x3FA7]  }
0x28: {  	s2 =	sld [smem:$0x3FA8]  }
0x29: {  	s4 =	sld [smem:$0x3FAA]  }
0x2a: {  	p0 =	seq.s32 s5, $0x0;
	s5 =	sld [smem:$0x3FAB]  }
0x2b: {  	s6 =	sld [smem:$0x3FAC]  }
0x2c: {  	s7 =	sld [smem:$0x3FAD]  }
0x2d: {  	s3 =	simm.s32 $0x108;
	s8 =	sld [smem:$0x3FAE]  }
0x2e: {  	s3 =	simm.s32 @!p0 $0x1082;
	s9 =	sld [smem:$0x3FAF]  }
0x2f: {  	lr =	sadd.s32 s0, s3;
	s0 =	sld [smem:$0x3FA6]  }
0x30: {  	s3 =	sld [smem:$0x3FA9]  }
0x31: {  	[smem:$0x3FB2] =	sst s10  }
0x32: {  	s10 =	sld [smem:$0x3FB0];
	_ =	sdelay $0x3  }
0x33: {  	p0 =	seq.s32 s10, $0x1;
	s10 =	sld [smem:$0x3FB2];
	_ =	sdelay $0x3  }
0x34: {  	[smem:$0x3FB2] =	sst s10  }
0x35: {  	s10 =	sld [smem:$0x3FB1];
	_ =	sdelay $0x3  }
0x36: {  	p1 =	seq.s32 s10, $0x1;
	s10 =	sld [smem:$0x3FB2];
	_ =	sdelay $0x3  }
0x37: {  	[smem:$0x3FB2] =	sst s10  }
0x38: {  	s10 =	sld [smem:$0x3FB3]  }
0x39: {  	_ = 	snop;
	(pc) =	sbr.ind lr, $3  }
0x3a: {  	_ = 	snop  }
0x3b: {  	_ = 	snop  }
0x3c: {  	p2 =	seq.s32 s10, $0x1;
	s10 =	sld [smem:$0x3FB2]  }
0x3d: {  	_ =	shalt  }
0x3e: {  	_ =	shalt  }
0x3f: {  	_ =	shalt  }
0x40: {  	_ =	shalt  }
0x41: {  	_ =	shalt  }
0x42: {  	_ =	shalt  }
0x43: {  	_ =	shalt  }
0x44: {  	_ =	shalt  }
0x45: {  	_ =	shalt  }
0x46: {  	_ =	shalt  }
0x47: {  	_ =	shalt  }
0x48: {  	_ =	shalt  }
0x49: {  	_ =	shalt  }
0x4a: {  	_ =	shalt  }
0x4b: {  	_ =	shalt  }
0x4c: {  	_ =	shalt  }
0x4d: {  	_ =	shalt  }
0x4e: {  	_ =	shalt  }
0x4f: {  	_ =	shalt  }
0x50: {  	_ =	shalt  }
0x51: {  	_ =	shalt  }
0x52: {  	_ =	shalt  }
0x53: {  	_ =	shalt  }
0x54: {  	_ =	shalt  }
0x55: {  	_ =	shalt  }
0x56: {  	_ =	shalt  }
0x57: {  	_ =	shalt  }
0x58: {  	_ =	shalt  }
0x59: {  	_ =	shalt  }
0x5a: {  	_ =	shalt  }
0x5b: {  	_ =	shalt  }
0x5c: {  	_ =	shalt  }
0x5d: {  	_ =	shalt  }
0x5e: {  	_ =	shalt  }
0x5f: {  	_ =	shalt  }
0x60: {  	_ =	shalt  }
0x61: {  	_ =	shalt  }
0x62: {  	_ =	shalt  }
0x63: {  	_ =	shalt  }
0x64: {  	_ =	shalt  }
0x65: {  	_ =	shalt  }
0x66: {  	_ =	shalt  }
0x67: {  	_ =	shalt  }
0x68: {  	_ =	shalt  }
0x69: {  	_ =	shalt  }
0x6a: {  	_ =	shalt  }
0x6b: {  	_ =	shalt  }
0x6c: {  	_ =	shalt  }
0x6d: {  	_ =	shalt  }
0x6e: {  	_ =	shalt  }
0x6f: {  	_ =	shalt  }
0x70: {  	_ =	shalt  }
0x71: {  	_ =	shalt  }
0x72: {  	_ =	shalt  }
0x73: {  	_ =	shalt  }
0x74: {  	_ =	shalt  }
0x75: {  	_ =	shalt  }
0x76: {  	_ =	shalt  }
0x77: {  	_ =	shalt  }
0x78: {  	_ =	shalt  }
0x79: {  	_ =	shalt  }
0x7a: {  	_ =	shalt  }
0x7b: {  	_ =	shalt  }
0x7c: {  	_ =	shalt  }
0x7d: {  	_ =	shalt  }
0x7e: {  	_ =	shalt  }
0x7f: {  	_ =	shalt  }
0x80: {  	_ =	shalt  }
0x81: {  	_ =	shalt  }
0x82: {  	_ =	shalt  }
0x83: {  	_ =	shalt  }
0x84: {  	_ =	shalt  }
0x85: {  	_ =	shalt  }
0x86: {  	_ =	shalt  }
0x87: {  	_ =	shalt  }
.Lfunc_end0:
.L_simem_size_0:
called_computation_lowered:
.L_overlay_start_0:
0x88: {  	s2 =	sld [smem:$0x3FD9]  }
0x89: {  	s3 =	sld [smem:$0x3FFE];
	_ =	sdelay $0x1  }
0x8a: {  	s1 =	srdreg.scid  }
0x8b: {  	s0 =	sand.u32 $0x1, s1  }
0x8c: {  	s17 =	sshll.u32 s0, $0xA;
	s2 =	sadd.s32 s3, s2  }
0x8d: {  	s2 =	sadd.s32 s2, s17  }
0x8e: {  	[smem:$0x3FBE] =	sst s2  }
0x8f: {  	_ = 	snop  }
0x90: {  	s2 =	sld [smem:$0x3FD0];
	(tm) =	ssettm $0x1  }
0x91: {  	s18 =	sld [smem:$0x3FFB];
	_ =	sdelay $0x3  }
0x92: {  	_ =	strace s18  }
0x93: {  	s3 =	sld [smem:$0x3FFC];
	_ =	sdelay $0x3  }
0x94: {  	_ =	strace s3  }
0x95: {  	s3 =	sld [smem:$0x3FFD];
	_ =	sdelay $0x3  }
0x96: {  	_ =	strace s3  }
0x97: {  	_ =	strace $0x8FFFFFFF  }
0x98: {  	s19 =	sld [smem:$0x3FDB];
	_ =	sdelay $0x1  }
0x99: {  	s4 =	simm.s32 $_scs_section_size  }
0x9a: {  	s5 =	simm.s32 $_size__tile_overlayer_lowered;
	s6 =	simm.s32 $_tile_overlayer_lowered  }
0x9b: {  	s22 =	simm.s32 $0x1BFF;
	s21 =	sshll.u32 s6, $0x1;
	s3 =	sadd.s32 s4, s19  }
0x9c: {  	s7 =	simm.s32 $0x0;
	s20 =	sshll.u32 s5, $0x1;
	s5 =	sadd.s32 s21, s3  }
0x9d: {  	[timem:s7], [sflag:s22] =	dma.local [hbm:s5], s20  }
0x9e: {  	_ =	swait.ge [sflag:s22], s20  }
0x9f: {  	s4 =	ssub.s32 $0x0, s20;
	[sflag:s22] =	ssyncset.done $0x0  }
0xa0: {  	[sflag:s22] =	ssyncadd.s32 s4;
	_ =	sdelay $0x1  }
0xa1: {  	s23 =	simm.s32 $0x1B8B  }
0xa2: {  	_ =	swait.ge [sflag:s23], $0x1  }
0xa3: {  	[sflag:s23] =	ssyncset.done $0x0  }
0xa4: {  	s25 =	simm.s32 $0x1B8E;
	s24 =	sld [smem:$0x3FFE];
	[sflag:s23] =	ssyncadd.s32 $0xFFFFFFFF  }
0xa5: {  	s26 =	simm.s32 $execute0_lowered;
	[smem:$0x3FD2] =	sst s25  }
0xa6: {  	s5 =	sshll.u32 s26, $0x1;
	_ =	strace $0x80000046;
	[dreg:$0x1] =	wrdreg $0xFFFFFFFF  }
0xa7: {  	s28 =	simm.s32 $_size_execute0_lowered;
	s3 =	sadd.s32 s3, s5;
	[dreg:$0x0] =	wrdreg $0x0  }
0xa8: {  	s5 =	sshll.u32 s28, $0x1;
	[dreg:$0x2] =	wrdreg s3  }
0xa9: {  	[dreg:$0x3] =	wrdreg s5  }
0xaa: {  	[dreg:$0x4] =	wrdreg $0xC0  }
0xab: {  	_ =	task [dreg:s7], $0x5FFFF  }
0xac: {  	[dreg:$0x1] =	wrdreg $0xFFFFFFFF  }
0xad: {  	[dreg:$0x0] =	wrdreg $0x60  }
0xae: {  	[dreg:$0x2] =	wrdreg s24  }
0xaf: {  	[dreg:$0x3] =	wrdreg s2  }
0xb0: {  	[dreg:$0x4] =	wrdreg $0x11B200  }
0xb1: {  	[dreg:$0x5] =	wrdreg $0x9  }
0xb2: {  	_ =	task.clear_ibuf [dreg:s7], $0x6FFFF;
	_ =	strace $0x90000046  }
0xb3: {  	s29 =	simm.s32 $0x9;
	_ =	strace $0x80000048  }
0xb4: {  	_ =	swait.ge [sflag:s29], $0x1  }
0xb5: {  	[sflag:s29] =	ssyncadd.s32 $0xFFFFFFFF  }
0xb6: {  	_ =	strace $0x90000048  }
0xb7: {  	_ =	sfence  }
0xb8: {  	s30 =	sld [smem:$0x0];
	_ =	sdelay $0x2  }
0xb9: {  	s31 =	sshll.u32 s1, $0xD;
	s1 =	sshrl.u32 s1, $0x2  }
0xba: {  	s3 =	sand.u32 $0x4000, s31;
	s1 =	sadd.s32 s1, s30  }
0xbb: {  	s0 =	sor.u32 s3, s0;
	s1 =	sshll.u32 s1, $0x11  }
0xbc: {  	s0 =	sor.u32 s1, s0  }
0xbd: {  	s0 =	sadd.s32 $0x8F2B, s0  }
0xbe: {  	[sflag:s0] =	ssyncadd.remote.s32 $0x1  }
0xbf: {  	_ =	sfence.sel $0xFFFF  }
0xc0: {  	[dreg:$0x0] =	wrdreg $0xFFFFFFFF;
	(pc) =	sbr.abs _section_cstart, $3  }
0xc1: {  	[dreg:$0x1] =	wrdreg $0xFFFFFFFF  }
0xc2: {  	_ =	task.clear_ibuf [dreg:s7], $0x2FFFF;
	_ =	strace $0x9FFFFFFF  }
0xc3: {  	(tm) =	ssettm $0x7FFFFFFF  }
tec
execute0_lowered:
.L_overlay_start_1:
0x0: {  	(tag) =	ssettag $0x1  }
0x1: {  	s0 =	rddreg [dreg:$0x0]  }
0x2: {  	s1 =	srdreg.scid;
	s3 =	rddreg [dreg:$0x1]  }
0x3: {  	s11 =	stileid.u32;
	s2 =	rddreg [dreg:$0x2];
	s5 =	simm.s32 $0x0  }
0x4: {  	s14 =	simm.s32 $0x9;
	s16 =	simm.s32 $0xD;
	s18 =	simm.s32 $0x50  }
0x5: {  	s29 =	simm.s32 $0x11620;
	s30 =	simm.s32 $0xA;
	s31 =	simm.s32 $0xB  }
0x6: {  	s1 =	sand.u32 $0x1, s1;
	s4 =	sshll.u32 s11, $0x1;
	s7 =	smul.u32 $0x13800, s11  }
0x7: {  	[smem:$0x7FF] =	sst s5;
	s5 =	sadd.s32 $0x48800, s0;
	s24 =	smul.u32 $0x2BE00, s11  }
0x8: {  	s26 =	sshll.u32 s11, $0x6;
	s4 =	sor.u32 s1, s4;
	s8 =	smul.u32 $0x138800, s1  }
0x9: {  	_ =	strace $0x80000047;
	s1 =	ssub.s32 $0x2, s1;
	s6 =	smul.u32 $0x4E2, s4  }
0xa: {  	s4 =	sadd.s32 $0x32800, s0;
	s10 =	sshrl.u32 s7, $0x3;
	s25 =	sshrl.u32 s1, $0x1  }
0xb: {  	s7 =	sadd.s32 s7, s8;
	s10 =	sadd.s32 s10, s0;
	s8 =	sshrl.u32 s24, $0x2  }
0xc: {  	s1 =	ssub.s32 s1, s25;
	s9 =	sadd.s32 s6, s0;
	s7 =	sshrl.u32 s7, $0x3  }
0xd: {  	s8 =	sadd.s32 s8, s2;
	s10 =	sadd.s32 $0xB600, s10;
	s3 =	sadd.s32 s3, s6  }
0xe: {  	s28 =	smax.u32 s1, $0x1;
	s6 =	simm.s32 $0x1;
	[dreg:$0x4] =	wrdreg s10  }
0xf: {  	s1 =	simm.s32 $0xC;
	s0 =	sadd.s32 s7, s0;
	[dreg:$0x6] =	wrdreg s3  }
0x10: {  	v0 =	vlaneseq.u32;
	s7 =	sor.u32 $0x1C0D, s26;
	s9 =	sadd.s32 $0x1800, s9;
	[dreg:$0x8] =	wrdreg s28  }
0x11: {  	v0 =	vshrl.u32 v0, $0x3;
	s12 =	sshrl.u32 s8, $0x3;
	[dreg:$0x5] =	wrdreg s9;
	s0 =	sadd.s32 $0x4D800, s0  }
0x12: {  	v1 =	vor.u32 $0x2, v0;
	v2 =	vor.u32 $0x4, v0;
	v3 =	vor.u32 $0x6, v0;
	s8 =	simm.s32 $0x10;
	[dreg:$0x7] =	wrdreg s0;
	s0 =	simm.s32 $0x0  }
.LBB2_1:
0x13: {  	s3 =	rddreg [dreg:$0x4]  }
0x14: {  	[spmem:s12@s14], [sflag:s7] =	dma.strided [hbm:s3@s8], $0x1680, s6, $0x9   }
0x15: {  	_ =	swait.ge [sflag:s16], $0x1680  }
0x16: {  	[sflag:s16] =	ssyncset.done $0x0  }
0x17: {  	s11 =	simm.s32 $0x0;
	s13 =	rddreg [dreg:$0x5];
	[sflag:s16] =	ssyncadd.s32 $0xFFFFE980  }
0x18: {  	[tilespmem:s11], [sflag:$0xD] =	stream.linear.gather [hbm4b:s13+s11], $0x2710, $0x38;
	[tilespmem:$0x1CAE8] =	vst v63  }
0x19: {  	_ =	swait.ge [sflag:s16], $0x2710  }
0x1a: {  	[sflag:s16] =	ssyncset.done $0x0  }
0x1b: {  	s17 =	simm.s32 $0x2710;
	s15 =	rddreg [dreg:$0x6];
	[sflag:s16] =	ssyncadd.s32 $0xFFFFD8F0  }
0x1c: {  	[tilespmem:s17], [sflag:$0xD] =	stream.linear.gather [hbm4b:s15+s11], $0x2710, $0x38;
	[tilespmem:$0x1CAE8] =	vst v63  }
0x1d: {  	_ =	swait.ge [sflag:s16], $0x2710  }
0x1e: {  	[sflag:s16] =	ssyncset.done $0x0  }
0x1f: {  	[sflag:s16] =	ssyncadd.s32 $0xFFFFD8F0  }
0x20: {  	s19 =	simm.s32 $0x4E20;
	[bflag:$0x0] =	sbarrier.arrive $0xFFFF  }
0x21: {  	[tilespmem:s19], [sflag:$0x1] =	stream.indirect.gather [hbm4b:s4+s18], $0x48, s11, s18, $0xb8;
	[tilespmem:$0x1CAE8] =	vst v63  }
0x22: {  	s20 =	simm.s32 $0xA820  }
0x23: {  	[tilespmem:s20], [sflag:$0x5] =	stream.indirect.gather [hbm4b:s5+s18], $0x10, s17, s18, $0xb8;
	[tilespmem:$0x1CAE8] =	vst v63  }
0x24: {  	s21 =	simm.s32 $0x64A0  }
0x25: {  	[tilespmem:s21], [sflag:$0x2] =	stream.indirect.gather [hbm4b:s4+s18], $0x48, s18, s18, $0xb8;
	[tilespmem:$0x1CAE8] =	vst v63  }
0x26: {  	s22 =	simm.s32 $0x2760;
	s23 =	simm.s32 $0xAD20  }
0x27: {  	[tilespmem:s23], [sflag:$0x6] =	stream.indirect.gather [hbm4b:s5+s18], $0x10, s22, s18, $0xb8;
	[tilespmem:$0x1CAE8] =	vst v63  }
0x28: {  	s24 =	simm.s32 $0xA0;
	s25 =	simm.s32 $0x7B20;
	s26 =	simm.s32 $0x27B0  }
0x29: {  	[tilespmem:s25], [sflag:$0x3] =	stream.indirect.gather [hbm4b:s4+s18], $0x48, s24, s18, $0xb8;
	[tilespmem:$0x1CAE8] =	vst v63  }
0x2a: {  	s28 =	simm.s32 $0xB220;
	s19 =	simm.s32 $0x0;
	s20 =	simm.s32 $0x0  }
0x2b: {  	[tilespmem:s28], [sflag:$0x7] =	stream.indirect.gather [hbm4b:s5+s18], $0x10, s26, s18, $0xb8;
	[tilespmem:$0x1CAE8] =	vst v63  }
.LBB2_2:
0x2c: {  	p0 =	sgt.u32 s20, $0x79  }
0x2d: {  	s3 =	sadd.s32 @!p0 $0x3, s20  }
0x2e: {  	s6 =	sand.u32 @!p0 $0x3, s3  }
0x2f: {  	s8 =	smul.u32 @!p0 $0x5A00, s6  }
0x30: {  	s21 =	sand.u32 $0x3, s20  }
0x31: {  	s10 =	simm.s32 @!p0 $0x50;
	s3 =	smul.u32 @!p0 $0x50, s3;
	s8 =	sshrl.u32 @!p0 s8, $0x2  }
0x32: {  	s9 =	sadd.s32 @!p0 $0x1, s6;
	s11 =	smul.u32 @!p0 $0x1400, s6;
	s8 =	sadd.s32 @!p0 $0x4E20, s8  }
0x33: {  	[tilespmem:s8], [sflag:s9] =	stream.indirect.gather @!p0 [hbm4b:s4+s10], $0x48, s3, s10, $0xb8;
	[tilespmem:$0x1CAE8] =	vst v63  }
0x34: {  	s15 =	sadd.s32 $0x1, s21;
	s8 =	sshrl.u32 @!p0 s11, $0x2  }
0x35: {  	s6 =	sadd.s32 @!p0 $0x5, s6;
	s3 =	sadd.s32 @!p0 $0x2710, s3;
	s8 =	sadd.s32 @!p0 $0xA820, s8  }
0x36: {  	[tilespmem:s8], [sflag:s6] =	stream.indirect.gather @!p0 [hbm4b:s5+s10], $0x10, s3, s10, $0xb8;
	[tilespmem:$0x1CAE8] =	vst v63  }
0x37: {  	_ =	swait.ge [sflag:s15], $0x1680  }
0x38: {  	[sflag:s15] =	ssyncset.done $0x0  }
0x39: {  	s17 =	sadd.s32 $0x5, s21;
	[sflag:s15] =	ssyncadd.s32 $0xFFFFE980  }
0x3a: {  	_ =	swait.ge [sflag:s17], $0x500  }
0x3b: {  	s22 =	sand.u32 $0x3, s19;
	p0 =	slt.u32 s20, $0x4;
	[sflag:s17] =	ssyncset.done $0x0  }
0x3c: {  	s23 =	smul.u32 $0x5A00, s22;
	s3 =	sadd.s32 @!p0 $0x9, s21;
	[sflag:s17] =	ssyncadd.s32 $0xFFFFFB00  }
0x3d: {  	s6 =	smul.u32 $0x1400, s22;
	_ =	swait.ge @!p0 [sflag:s3], $0x1680  }
0x3e: {  	s8 =	sshrl.u32 s23, $0x2;
	[sflag:s3] =	ssyncset.done @!p0 $0x0  }
0x3f: {  	s13 =	sadd.s32 $0x4F40, s8;
	s6 =	sshrl.u32 s6, $0x2;
	[sflag:s3] =	ssyncadd.s32 @!p0 $0xFFFFE980  }
0x40: {  	s15 =	sadd.s32 $0xA860, s6;
	v4 =	vld [tilespmem:s13+$0xD8]  }
0x41: {  	v5 =	vld [tilespmem:s15+$0x30]  }
0x42: {  	v6 =	vld [tilespmem:s15+$0xFFFFFFC0]  }
0x43: {  	v7 =	vld [tilespmem:s13+$0xFFFFFF28]  }
0x44: {  	v8 =	vld [tilespmem:s15+$0xFFFFFFD0]  }
0x45: {  	v9 =	vld [tilespmem:s13+$0xFFFFFF70]  }
0x46: {  	v10 =	vld [tilespmem:s15+$0xFFFFFFE0]  }
0x47: {  	v11 =	vld [tilespmem:s15+$0xFFFFFFF0];
	v4 =	vadd.f32 v5, v4  }
0x48: {  	v13 =	vld [tilespmem:s13+$0x0]  }
0x49: {  	v5 =	vld [tilespmem:s13+$0xFFFFFFB8];
	v12 =	vmul.f32 $2.000000030e-01, v4  }
0x4a: {  	v7 =	vadd.f32 v8, v7;
	v8 =	vld [tilespmem:s13+$0x48]  }
0x4b: {  	v9 =	vadd.f32 v10, v9;
	v10 =	vld [tilespmem:s15+$0x10];
	v4 =	vmax.f32 v4, v12  }
0x4c: {  	v14 =	vld [tilespmem:s15+$0x0];
	v4 =	vmul.f32 $1.442695020e+00, v4  }
0x4d: {  	v15 =	vld [tilespmem:s13+$0x90];
	v12 =	vmul.f32 $2.000000030e-01, v7  }
0x4e: {  	v5 =	vadd.f32 v11, v5;
	v11 =	vld [tilespmem:s15+$0x20];
	(erf) = vpow2.f32 v4  }
0x4f: {  	v7 =	vmax.f32 v7, v12;
	v12 =	vld [tilespmem:s13+$0xFFFFFEE0];
	v4 =	vmul.f32 $2.000000030e-01, v9  }
0x50: {  	v8 =	vadd.f32 v10, v8;
	v7 =	vmul.f32 $1.442695020e+00, v7  }
0x51: {  	v13 =	vadd.f32 v14, v13;
	v4 =	vmax.f32 v9, v4;
	v9 =	vmul.f32 $2.000000030e-01, v5  }
0x52: {  	v10 =	vmul.f32 $2.000000030e-01, v8;
	(erf) = vpow2.f32 v7  }
0x53: {  	s24 =	simm.s32 $0x70;
	v4 =	vmul.f32 $1.442695020e+00, v4;
	v5 =	vmax.f32 v5, v9;
	v9 =	vmul.f32 $2.000000030e-01, v13  }
0x54: {  	v7 =	vadd.f32 v11, v15;
	v11 =	vor.u32 s24, v0;
	v6 =	vadd.f32 v6, v12  }
0x55: {  	v5 =	vmul.f32 $1.442695020e+00, v5;
	(erf) = vpow2.f32 v4;
	v9 =	vmax.f32 v13, v9  }
0x56: {  	v4 =	vmul.f32 $1.442695020e+00, v9;
	v9 =	vmul.f32 $2.000000030e-01, v6  }
0x57: {  	s22 =	sadd.s32 $0xBD40, s8;
	v8 =	vmax.f32 v8, v10;
	v12 =	vmul.f32 $2.000000030e-01, v7;
	v10 =	vpop (erf)  }
0x58: {  	s8 =	simm.s32 $0x11660;
	v8 =	vmul.f32 $1.442695020e+00, v8;
	(erf) = vpow2.f32 v5;
	v5 =	vmax.f32 v6, v9;
	[tilespmem:s22+$0xD8] =	vst v10  }
0x59: {  	v7 =	vmax.f32 v7, v12;
	(erf) = vpow2.f32 v4;
	v4 =	vmul.f32 $1.442695020e+00, v5;
	[tilespmem:s8+$0x30] =	vst v10  }
0x5a: {  	v6 =	vmul.f32 $1.442695020e+00, v7;
	v5 =	vld.idx.msk [tilespmem:v11+s29+$0x0], $0xffff  }
0x5b: {  	(erf) = vpow2.f32 v8;
	v7 =	vld [tilespmem:s13+$0xE0]  }
0x5c: {  	s23 =	sadd.s32 $0x240, s13;
	s6 =	simm.s32 $0x10;
	(erf) = vpow2.f32 v6  }
0x5d: {  	v63 =	vld [tilespmem:s23+$0xFFFFFF28];
	v6 =	vor.u32 s6, v0;
	(erf) = vpow2.f32 v4;
	v4 =	vpop (erf)  }
0x5e: {  	v24 =	vld [tilespmem:s23+$0xFFFFFF70];
	v8 =	vor.u32 s24, v1;
	[tilespmem:s22+$0xFFFFFF28] =	vst v4  }
0x5f: {  	v32 =	vld [tilespmem:s23+$0x0];
	[tilespmem:s8+$0xFFFFFFD0] =	vst v4;
	v4 =	vpop (erf)  }
0x60: {  	s25 =	simm.s32 $0x20;
	v36 =	vld [tilespmem:s23+$0x48];
	[tilespmem:s22+$0xFFFFFF70] =	vst v4;
	v5 =	vmul.f32 v7, v5  }
0x61: {  	v39 =	vld [tilespmem:s23+$0x90];
	v9 =	vor.u32 s25, v0;
	[tilespmem:s8+$0xFFFFFFE0] =	vst v4  }
0x62: {  	s26 =	simm.s32 $0x30;
	v6 =	vld.idx.msk [tilespmem:v6+s29+$0x0], $0xffff;
	v4 =	vpop (erf);
	[tilespmem:s22+$0xE0] =	vst v5  }
0x63: {  	s28 =	simm.s32 $0x40;
	v7 =	vor.u32 s26, v0;
	[tilespmem:s22+$0xFFFFFFB8] =	vst v4;
	v8 =	vld.idx.msk [tilespmem:v8+s29+$0x0], $0xffff  }
0x64: {  	v14 =	vor.u32 s28, v0;
	[tilespmem:s8+$0xFFFFFFF0] =	vst v4;
	v4 =	vld [tilespmem:s13+$0xF0];
	v5 =	vpop (erf)  }
0x65: {  	v10 =	vld [tilespmem:s13+$0xFFFFFF30];
	v11 =	vpop (erf);
	[tilespmem:s22+$0x0] =	vst v5  }
0x66: {  	s10 =	simm.s32 $0x0;
	v9 =	vld.idx.msk [tilespmem:v9+s29+$0x0], $0xffff;
	v13 =	vpop (erf);
	[tilespmem:s8+$0x0] =	vst v5  }
0x67: {  	v12 =	vor.u32 s10, v0;
	v17 =	vld [tilespmem:s13+$0xFFFFFF78];
	v15 =	vpop (erf);
	[tilespmem:s22+$0x90] =	vst v13  }
0x68: {  	s17 =	simm.s32 $0x50;
	v7 =	vld.idx.msk [tilespmem:v7+s29+$0x0], $0xffff;
	[tilespmem:s22+$0xFFFFFEE0] =	vst v15  }
0x69: {  	v16 =	vor.u32 s17, v0;
	v4 =	vmul.f32 v4, v8;
	v8 =	vld.idx.msk [tilespmem:v14+s29+$0x0], $0xffff;
	[tilespmem:s8+$0x20] =	vst v13  }
0x6a: {  	v18 =	vor.u32 s24, v2;
	s3 =	simm.s32 $0x60;
	[tilespmem:s8+$0xFFFFFFC0] =	vst v15;
	v15 =	vld [tilespmem:s13+$0xFFFFFFC0]  }
0x6b: {  	v6 =	vmul.f32 v10, v6;
	v5 =	vor.u32 s3, v0;
	v10 =	vld [tilespmem:s13+$0x98]  }
0x6c: {  	[tilespmem:s22+$0x48] =	vst v11;
	v12 =	vld.idx.msk [tilespmem:v12+s29+$0x0], $0xffff  }
0x6d: {  	[tilespmem:s8+$0x10] =	vst v11;
	v11 =	vld [tilespmem:s13+$0xFFFFFEE8]  }
0x6e: {  	[tilespmem:s22+$0xF0] =	vst v4;
	v4 =	vld.idx.msk [tilespmem:v16+s29+$0x0], $0xffff  }
0x6f: {  	v14 =	vld.idx.msk [tilespmem:v18+s29+$0x0], $0xffff  }
0x70: {  	v9 =	vmul.f32 v17, v9;
	v16 =	vor.u32 s6, v1;
	v5 =	vld.idx.msk [tilespmem:v5+s29+$0x0], $0xffff  }
0x71: {  	v19 =	vor.u32 s25, v1;
	v18 =	vld [tilespmem:s13+$0x8]  }
0x72: {  	[tilespmem:s22+$0xFFFFFF78] =	vst v9;
	v17 =	vld [tilespmem:s13+$0x100]  }
0x73: {  	v13 =	vor.u32 s10, v1;
	v7 =	vmul.f32 v15, v7;
	v15 =	vld [tilespmem:s13+$0xFFFFFF88]  }
0x74: {  	v20 =	vor.u32 s26, v1;
	[tilespmem:s22+$0xFFFFFF30] =	vst v6;
	v11 =	vmul.f32 v11, v12;
	v12 =	vld [tilespmem:s13+$0x50]  }
0x75: {  	v9 =	vld.idx.msk [tilespmem:v16+s29+$0x0], $0xffff  }
0x76: {  	[tilespmem:s22+$0xFFFFFFC0] =	vst v7;
	v7 =	vld.idx.msk [tilespmem:v19+s29+$0x0], $0xffff  }
0x77: {  	v8 =	vmul.f32 v18, v8;
	[tilespmem:s22+$0xFFFFFEE8] =	vst v11;
	v18 =	vld [tilespmem:s13+$0xFFFFFFD0]  }
0x78: {  	v21 =	vor.u32 s28, v1;
	v5 =	vmul.f32 v10, v5;
	v6 =	vld.idx.msk [tilespmem:v13+s29+$0x0], $0xffff  }
0x79: {  	v11 =	vor.u32 s17, v1;
	[tilespmem:s22+$0x8] =	vst v8;
	v8 =	vld.idx.msk [tilespmem:v20+s29+$0x0], $0xffff  }
0x7a: {  	v13 =	vor.u32 s3, v1;
	[tilespmem:s22+$0x98] =	vst v5;
	v5 =	vld [tilespmem:s13+$0xFFFFFEF8]  }
0x7b: {  	v14 =	vmul.f32 v17, v14;
	v17 =	vld [tilespmem:s13+$0x18];
	v4 =	vmul.f32 v12, v4  }
0x7c: {  	v12 =	vld [tilespmem:s13+$0xFFFFFF40]  }
0x7d: {  	[tilespmem:s22+$0x50] =	vst v4;
	v4 =	vld.idx.msk [tilespmem:v21+s29+$0x0], $0xffff  }
0x7e: {  	v10 =	vld.idx.msk [tilespmem:v11+s29+$0x0], $0xffff  }
0x7f: {  	v11 =	vld.idx.msk [tilespmem:v13+s29+$0x0], $0xffff  }
0x80: {  	v13 =	vor.u32 s24, v3;
	v61 =	vld [tilespmem:s13+$0x60];
	s24 =	sadd.s32 $0x80, s15  }
0x81: {  	v16 =	vor.u32 s10, v2;
	v23 =	vld [tilespmem:s24+$0xFFFFFFD0]  }
0x82: {  	v19 =	vor.u32 s6, v2;
	v25 =	vld [tilespmem:s24+$0xFFFFFFE0]  }
0x83: {  	v20 =	vor.u32 s25, v2;
	v6 =	vmul.f32 v5, v6;
	v27 =	vld [tilespmem:s24+$0xFFFFFFF0]  }
0x84: {  	v22 =	vor.u32 s26, v2;
	[tilespmem:s22+$0x100] =	vst v14;
	v9 =	vmul.f32 v12, v9;
	v12 =	vld [tilespmem:s13+$0xA8]  }
0x85: {  	[tilespmem:s22+$0xFFFFFEF8] =	vst v6;
	v6 =	vmul.f32 v15, v7;
	v5 =	vld.idx.msk [tilespmem:v13+s29+$0x0], $0xffff  }
0x86: {  	v8 =	vmul.f32 v18, v8;
	[tilespmem:s22+$0xFFFFFF40] =	vst v9;
	v13 =	vld.idx.msk [tilespmem:v16+s29+$0x0], $0xffff  }
0x87: {  	v14 =	vor.u32 s28, v2;
	[tilespmem:s22+$0xFFFFFF88] =	vst v6;
	v15 =	vld.idx.msk [tilespmem:v19+s29+$0x0], $0xffff  }
0x88: {  	[tilespmem:s22+$0xFFFFFFD0] =	vst v8;
	v6 =	vld.idx.msk [tilespmem:v20+s29+$0x0], $0xffff  }
0x89: {  	v4 =	vmul.f32 v17, v4;
	v8 =	vmul.f32 v61, v10;
	v10 =	vld.idx.msk [tilespmem:v22+s29+$0x0], $0xffff  }
0x8a: {  	v19 =	vld [tilespmem:s23+$0xD8]  }
0x8b: {  	v20 =	vld [tilespmem:s24+$0x30];
	[tilespmem:s22+$0x18] =	vst v4  }
0x8c: {  	v7 =	vor.u32 s17, v2;
	v4 =	vmul.f32 v12, v11;
	v11 =	vld.idx.msk [tilespmem:v14+s29+$0x0], $0xffff  }
0x8d: {  	v9 =	vor.u32 s3, v2;
	[tilespmem:s22+$0x60] =	vst v8;
	v8 =	vld [tilespmem:s13+$0xFFFFFF08]  }
0x8e: {  	v12 =	vld [tilespmem:s13+$0xFFFFFF98]  }
0x8f: {  	v14 =	vld [tilespmem:s13+$0xFFFFFFE0]  }
0x90: {  	v16 =	vld [tilespmem:s13+$0x28]  }
0x91: {  	v7 =	vld.idx.msk [tilespmem:v7+s29+$0x0], $0xffff;
	[tilespmem:s22+$0xA8] =	vst v4  }
0x92: {  	v4 =	vld.idx.msk [tilespmem:v9+s29+$0x0], $0xffff  }
0x93: {  	v9 =	vld [tilespmem:s13+$0xFFFFFF50];
	v19 =	vadd.f32 v20, v19  }
0x94: {  	v18 =	vld [tilespmem:s13+$0xB8]  }
0x95: {  	v33 =	vor.u32 s26, v3;
	v17 =	vld [tilespmem:s13+$0x70];
	v28 =	vmul.f32 $2.000000030e-01, v19;
	v8 =	vmul.f32 v8, v13  }
0x96: {  	v26 =	vor.u32 s10, v3;
	v20 =	vld [tilespmem:s23+$0xFFFFFFB8];
	v12 =	vmul.f32 v12, v6;
	v10 =	vmul.f32 v14, v10  }
0x97: {  	v62 =	vld [tilespmem:s24+$0xFFFFFFC0];
	v14 =	vadd.f32 v25, v24;
	v11 =	vmul.f32 v16, v11;
	v19 =	vmax.f32 v19, v28  }
0x98: {  	v37 =	vld [tilespmem:s24+$0x10];
	v9 =	vmul.f32 v9, v15;
	v15 =	vadd.f32 v23, v63;
	v19 =	vmul.f32 $1.442695020e+00, v19  }
0x99: {  	v31 =	vor.u32 s25, v3;
	v13 =	vld [tilespmem:s24+$0x0];
	v16 =	vmul.f32 $2.000000030e-01, v14;
	v4 =	vmul.f32 v18, v4  }
0x9a: {  	v30 =	vor.u32 s6, v3;
	[tilespmem:s22+$0xFFFFFF08] =	vst v8;
	v18 =	vld [tilespmem:s23+$0xFFFFFEE0];
	v6 =	vmul.f32 $2.000000030e-01, v15;
	(erf) = vpow2.f32 v19  }
0x9b: {  	v29 =	vor.u32 s3, v3;
	v17 =	vmul.f32 v17, v7;
	[tilespmem:s22+$0xFFFFFF98] =	vst v12;
	v7 =	vld.idx.msk [tilespmem:v26+s29+$0x0], $0xffff;
	v19 =	vadd.f32 v27, v20  }
0x9c: {  	v38 =	vor.u32 s28, v3;
	[tilespmem:s22+$0xFFFFFFE0] =	vst v10;
	v8 =	vmax.f32 v14, v16;
	v20 =	vld [tilespmem:s24+$0x20];
	v15 =	vmax.f32 v15, v6  }
0x9d: {  	s26 =	simm.s32 $0xF0;
	[tilespmem:s22+$0x28] =	vst v11;
	v11 =	vld.idx.msk [tilespmem:v33+s29+$0x0], $0xffff;
	v16 =	vor.u32 s17, v3;
	v14 =	vmul.f32 $2.000000030e-01, v19;
	v15 =	vmul.f32 $1.442695020e+00, v15  }
0x9e: {  	v42 =	vor.u32 s26, v0;
	v13 =	vadd.f32 v13, v32;
	[tilespmem:s22+$0xFFFFFF50] =	vst v9;
	v40 =	vmul.f32 $1.442695020e+00, v8;
	v9 =	vld.idx.msk [tilespmem:v31+s29+$0x0], $0xffff  }
0x9f: {  	[tilespmem:s22+$0xB8] =	vst v4;
	v8 =	vld.idx.msk [tilespmem:v30+s29+$0x0], $0xffff;
	v12 =	vmax.f32 v19, v14;
	v19 =	vadd.f32 v37, v36;
	(erf) = vpow2.f32 v15  }
0xa0: {  	v4 =	vld.idx.msk [tilespmem:v29+s29+$0x0], $0xffff;
	v18 =	vadd.f32 v62, v18;
	v14 =	vmul.f32 $2.000000030e-01, v13;
	v41 =	vmul.f32 $1.442695020e+00, v12  }
0xa1: {  	[tilespmem:s22+$0x70] =	vst v17;
	v6 =	vld [tilespmem:s13+$0x110];
	v15 =	vadd.f32 v20, v39;
	v20 =	vmul.f32 $2.000000030e-01, v19;
	(erf) = vpow2.f32 v40  }
0xa2: {  	v10 =	vld.idx.msk [tilespmem:v16+s29+$0x0], $0xffff;
	v17 =	vmul.f32 $2.000000030e-01, v18;
	v13 =	vmax.f32 v13, v14  }
0xa3: {  	s25 =	sadd.s32 $0x240, s22;
	s28 =	simm.s32 $0x116E0;
	v12 =	vld.idx.msk [tilespmem:v38+s29+$0x0], $0xffff;
	v16 =	vmul.f32 $1.442695020e+00, v13;
	(erf) = vpow2.f32 v41;
	v13 =	vmax.f32 v19, v20;
	v19 =	vpop (erf)  }
0xa4: {  	v14 =	vmul.f32 $2.000000030e-01, v15;
	v20 =	vmul.f32 $1.442695020e+00, v13;
	v13 =	vld [tilespmem:s13+$0xFFFFFF18];
	[tilespmem:s25+$0xD8] =	vst v19  }
0xa5: {  	s17 =	simm.s32 $0x90;
	(erf) = vpow2.f32 v16;
	v16 =	vld [tilespmem:s13+$0xFFFFFF60];
	[tilespmem:s28+$0x30] =	vst v19  }
0xa6: {  	v14 =	vmax.f32 v15, v14;
	v15 =	vmax.f32 v18, v17;
	v19 =	vor.u32 s17, v0;
	v18 =	vld.idx.msk [tilespmem:v42+s29+$0x0], $0xffff  }
0xa7: {  	s15 =	simm.s32 $0xA0;
	v14 =	vmul.f32 $1.442695020e+00, v14;
	(erf) = vpow2.f32 v20;
	v20 =	vld [tilespmem:s23+$0xE0]  }
0xa8: {  	v43 =	vor.u32 s15, v0;
	v17 =	vld [tilespmem:s13+$0xFFFFFFA8];
	v15 =	vmul.f32 $1.442695020e+00, v15;
	v44 =	vpop (erf)  }
0xa9: {  	s6 =	simm.s32 $0xB0;
	(erf) = vpow2.f32 v14;
	v14 =	vld [tilespmem:s13+$0xFFFFFFF0];
	[tilespmem:s25+$0xFFFFFF28] =	vst v44  }
0xaa: {  	v47 =	vor.u32 s6, v0;
	(erf) = vpow2.f32 v15;
	v15 =	vld [tilespmem:s13+$0x38];
	v46 =	vpop (erf);
	[tilespmem:s28+$0xFFFFFFD0] =	vst v44  }
0xab: {  	[tilespmem:s25+$0xFFFFFF70] =	vst v46;
	v19 =	vld.idx.msk [tilespmem:v19+s29+$0x0], $0xffff  }
0xac: {  	v45 =	vor.u32 s26, v1;
	v48 =	vpop (erf);
	v18 =	vmul.f32 v20, v18;
	v20 =	vld [tilespmem:s23+$0xFFFFFF30];
	[tilespmem:s28+$0xFFFFFFE0] =	vst v46  }
0xad: {  	s8 =	simm.s32 $0xC0;
	[tilespmem:s25+$0xFFFFFFB8] =	vst v48;
	v21 =	vld.idx.msk [tilespmem:v43+s29+$0x0], $0xffff  }
0xae: {  	v51 =	vor.u32 s8, v0;
	[tilespmem:s28+$0xFFFFFFF0] =	vst v48;
	v56 =	vld [tilespmem:s23+$0xFFFFFF78]  }
0xaf: {  	v24 =	vld.idx.msk [tilespmem:v47+s29+$0x0], $0xffff  }
0xb0: {  	s9 =	simm.s32 $0xD0;
	[tilespmem:s25+$0xE0] =	vst v18;
	v57 =	vld [tilespmem:s23+$0xFFFFFFC0];
	v18 =	vpop (erf)  }
0xb1: {  	v55 =	vor.u32 s9, v0;
	v23 =	vld.idx.msk [tilespmem:v45+s29+$0x0], $0xffff;
	[tilespmem:s25+$0x0] =	vst v18  }
0xb2: {  	v52 =	vld [tilespmem:s23+$0xF0];
	[tilespmem:s28+$0x0] =	vst v18  }
0xb3: {  	v62 =	vor.u32 s17, v1;
	v50 =	vpop (erf);
	v27 =	vld.idx.msk [tilespmem:v51+s29+$0x0], $0xffff  }
0xb4: {  	[tilespmem:s25+$0x48] =	vst v50;
	v36 =	vld [tilespmem:s23+$0x8]  }
0xb5: {  	v19 =	vmul.f32 v20, v19;
	v53 =	vpop (erf);
	[tilespmem:s28+$0x10] =	vst v50;
	v24 =	vmul.f32 v57, v24;
	v57 =	vld [tilespmem:s13+$0x80]  }
0xb6: {  	s11 =	simm.s32 $0x80;
	v63 =	vor.u32 s15, v1;
	[tilespmem:s25+$0x90] =	vst v53;
	v26 =	vld.idx.msk [tilespmem:v55+s29+$0x0], $0xffff  }
0xb7: {  	v49 =	vor.u32 s11, v0;
	v54 =	vpop (erf);
	[tilespmem:s25+$0xFFFFFF30] =	vst v19;
	v20 =	vld [tilespmem:s23+$0x50]  }
0xb8: {  	v21 =	vmul.f32 v56, v21;
	[tilespmem:s25+$0xFFFFFEE0] =	vst v54;
	v40 =	vld.idx.msk [tilespmem:v62+s29+$0x0], $0xffff  }
0xb9: {  	v38 =	vor.u32 s6, v1;
	[tilespmem:s28+$0x20] =	vst v53;
	v48 =	vld [tilespmem:s23+$0xFFFFFF40]  }
0xba: {  	v58 =	vor.u32 s26, v2;
	[tilespmem:s25+$0xFFFFFF78] =	vst v21;
	v37 =	vld [tilespmem:s23+$0x98]  }
0xbb: {  	[tilespmem:s28+$0xFFFFFFC0] =	vst v54;
	v42 =	vld.idx.msk [tilespmem:v63+s29+$0x0], $0xffff  }
0xbc: {  	s3 =	simm.s32 $0xE0;
	v22 =	vmul.f32 v52, v23;
	v25 =	vld.idx.msk [tilespmem:v49+s29+$0x0], $0xffff  }
0xbd: {  	v18 =	vor.u32 s3, v0;
	[tilespmem:s25+$0xFFFFFFC0] =	vst v24;
	v59 =	vld [tilespmem:s23+$0xFFFFFEE8]  }
0xbe: {  	[tilespmem:s25+$0xF0] =	vst v22;
	v46 =	vld.idx.msk [tilespmem:v38+s29+$0x0], $0xffff  }
0xbf: {  	v22 =	vld.idx.msk [tilespmem:v58+s29+$0x0], $0xffff  }
0xc0: {  	v5 =	vmul.f32 v6, v5;
	v52 =	vor.u32 s17, v2;
	v61 =	vld [tilespmem:s23+$0x100]  }
0xc1: {  	v49 =	vld [tilespmem:s23+$0xFFFFFF88];
	v20 =	vmul.f32 v20, v26  }
0xc2: {  	v60 =	vor.u32 s11, v1;
	[tilespmem:s22+$0x110] =	vst v5;
	v18 =	vld.idx.msk [tilespmem:v18+s29+$0x0], $0xffff;
	v21 =	vmul.f32 v48, v40  }
0xc3: {  	v39 =	vor.u32 s8, v1;
	v5 =	vmul.f32 v16, v8;
	v51 =	vld [tilespmem:s23+$0xFFFFFFD0];
	[tilespmem:s25+$0x50] =	vst v20  }
0xc4: {  	v41 =	vor.u32 s9, v1;
	v23 =	vmul.f32 v59, v25;
	[tilespmem:s25+$0xFFFFFF40] =	vst v21;
	v55 =	vld [tilespmem:s23+$0x60]  }
0xc5: {  	[tilespmem:s22+$0xFFFFFF60] =	vst v5;
	v25 =	vmul.f32 v36, v27;
	v22 =	vmul.f32 v61, v22;
	v61 =	vld.idx.msk [tilespmem:v52+s29+$0x0], $0xffff  }
0xc6: {  	v5 =	vld [tilespmem:s23+$0xFFFFFF50];
	[tilespmem:s25+$0xFFFFFEE8] =	vst v23  }
0xc7: {  	v35 =	vor.u32 s6, v2;
	v18 =	vmul.f32 v37, v18;
	[tilespmem:s25+$0x8] =	vst v25;
	v19 =	vld.idx.msk [tilespmem:v60+s29+$0x0], $0xffff  }
0xc8: {  	v20 =	vld.idx.msk [tilespmem:v39+s29+$0x0], $0xffff  }
0xc9: {  	v34 =	vor.u32 s26, v3;
	v59 =	vmul.f32 v51, v46;
	[tilespmem:s25+$0x98] =	vst v18;
	v18 =	vld.idx.msk [tilespmem:v41+s29+$0x0], $0xffff  }
0xca: {  	v47 =	vld [tilespmem:s23+$0xFFFFFEF8]  }
0xcb: {  	v43 =	vor.u32 s3, v1;
	[tilespmem:s25+$0xFFFFFFD0] =	vst v59;
	v53 =	vld [tilespmem:s23+$0x18]  }
0xcc: {  	v21 =	vld.idx.msk [tilespmem:v35+s29+$0x0], $0xffff  }
0xcd: {  	v6 =	vmul.f32 v13, v7;
	v50 =	vor.u32 s11, v2;
	[tilespmem:s25+$0x100] =	vst v22;
	v13 =	vld [tilespmem:s23+$0xFFFFFFE0]  }
0xce: {  	v58 =	vor.u32 s9, v2;
	v44 =	vld.idx.msk [tilespmem:v34+s29+$0x0], $0xffff  }
0xcf: {  	v45 =	vld [tilespmem:s23+$0x110];
	v19 =	vmul.f32 v47, v19  }
0xd0: {  	v22 =	vld.idx.msk [tilespmem:v43+s29+$0x0], $0xffff;
	v18 =	vmul.f32 v55, v18  }
0xd1: {  	v54 =	vor.u32 s15, v2;
	v56 =	vld [tilespmem:s23+$0xA8];
	[tilespmem:s25+$0xFFFFFEF8] =	vst v19  }
0xd2: {  	v7 =	vmul.f32 v17, v9;
	[tilespmem:s25+$0x60] =	vst v18;
	v30 =	vld.idx.msk [tilespmem:v50+s29+$0x0], $0xffff  }
0xd3: {  	[tilespmem:s22+$0xFFFFFF18] =	vst v6;
	v36 =	vor.u32 s8, v2;
	v19 =	vmul.f32 v49, v42;
	v18 =	vld.idx.msk [tilespmem:v58+s29+$0x0], $0xffff  }
0xd4: {  	[tilespmem:s22+$0xFFFFFFA8] =	vst v7;
	v8 =	vmul.f32 v14, v11;
	v6 =	vld [tilespmem:s23+$0xFFFFFF08]  }
0xd5: {  	v60 =	vor.u32 s3, v2;
	v17 =	vld [tilespmem:s23+$0x70];
	[tilespmem:s25+$0xFFFFFF88] =	vst v19;
	v19 =	vmul.f32 v53, v20  }
0xd6: {  	v9 =	vmul.f32 v15, v12;
	[tilespmem:s22+$0xFFFFFFF0] =	vst v8;
	v20 =	vld.idx.msk [tilespmem:v54+s29+$0x0], $0xffff  }
0xd7: {  	v11 =	vld [tilespmem:s23+$0xFFFFFF98];
	[tilespmem:s25+$0x18] =	vst v19;
	v19 =	vmul.f32 v56, v22  }
0xd8: {  	v14 =	vor.u32 s17, v3;
	[tilespmem:s22+$0x38] =	vst v9;
	v8 =	vmul.f32 v57, v10;
	v62 =	vld.idx.msk [tilespmem:v36+s29+$0x0], $0xffff  }
0xd9: {  	v12 =	vor.u32 s11, v3;
	v9 =	vmul.f32 v5, v61;
	v63 =	vld [tilespmem:s23+$0x28];
	[tilespmem:s25+$0xA8] =	vst v19  }
0xda: {  	[tilespmem:s22+$0x80] =	vst v8;
	v7 =	vmul.f32 v45, v44;
	v16 =	vld.idx.msk [tilespmem:v60+s29+$0x0], $0xffff  }
0xdb: {  	[tilespmem:s25+$0xFFFFFF50] =	vst v9;
	v6 =	vmul.f32 v6, v30;
	v15 =	vld [tilespmem:s23+$0xB8]  }
0xdc: {  	v10 =	vld [tilespmem:s13+$0xC8];
	v8 =	vor.u32 s6, v3;
	[tilespmem:s25+$0x110] =	vst v7;
	v20 =	vmul.f32 v11, v20  }
0xdd: {  	v5 =	vor.u32 s3, v3;
	v9 =	vor.u32 s9, v3;
	v19 =	vmul.f32 v13, v21;
	[tilespmem:s25+$0xFFFFFF08] =	vst v6;
	v11 =	vld.idx.msk [tilespmem:v14+s29+$0x0], $0xffff  }
0xde: {  	s13 =	simm.s32 $0x8;
	v7 =	vor.u32 s15, v3;
	s15 =	sadd.s32 $0x240, s23;
	v6 =	vor.u32 s8, v3;
	v12 =	vld.idx.msk [tilespmem:v12+s29+$0x0], $0xffff;
	[tilespmem:s25+$0xFFFFFF98] =	vst v20;
	v13 =	vmul.f32 v63, v62  }
.LBB2_3:
0xdf: {  	v14 =	vld [tilespmem:s15+$0xD8];
	[tilespmem:s25+$0xFFFFFFE0] =	vst v19;
	v17 =	vmul.f32 v17, v18;
	s24 =	sadd.s32 $0x80, s24  }
0xe0: {  	v18 =	vld [tilespmem:s24+$0x30];
	[tilespmem:s25+$0x28] =	vst v13;
	v13 =	vmul.f32 v15, v16  }
0xe1: {  	s13 =	sadd.s32 $0x8, s13;
	v15 =	vld [tilespmem:s24+$0xFFFFFFC0];
	[tilespmem:s25+$0x70] =	vst v17;
	v4 =	vmul.f32 v10, v4  }
0xe2: {  	p0 =	slt.u32 s13, $0x48;
	v10 =	vld [tilespmem:s15+$0xFFFFFF28];
	[tilespmem:s25+$0xB8] =	vst v13  }
0xe3: {  	v13 =	vld [tilespmem:s24+$0xFFFFFFD0];
	[tilespmem:s22+$0xC8] =	vst v4;
	s22 =	smov.u32 s25  }
0xe4: {  	v4 =	vld [tilespmem:s15+$0xFFFFFF70]  }
0xe5: {  	v16 =	vld [tilespmem:s24+$0xFFFFFFE0];
	v14 =	vadd.f32 v18, v14  }
0xe6: {  	v17 =	vld [tilespmem:s15+$0xFFFFFFB8]  }
0xe7: {  	v18 =	vld [tilespmem:s24+$0xFFFFFFF0];
	v19 =	vmul.f32 $2.000000030e-01, v14  }
0xe8: {  	v10 =	vadd.f32 v13, v10;
	v13 =	vld [tilespmem:s15+$0x0]  }
0xe9: {  	v20 =	vld [tilespmem:s24+$0x0];
	v14 =	vmax.f32 v14, v19  }
0xea: {  	v19 =	vmul.f32 $2.000000030e-01, v10;
	v4 =	vadd.f32 v16, v4;
	v16 =	vld [tilespmem:s15+$0x48];
	v14 =	vmul.f32 $1.442695020e+00, v14  }
0xeb: {  	v21 =	vld [tilespmem:s24+$0x10]  }
0xec: {  	v22 =	vmul.f32 $2.000000030e-01, v4;
	v17 =	vadd.f32 v18, v17;
	v18 =	vld [tilespmem:s15+$0x90];
	(erf) = vpow2.f32 v14  }
0xed: {  	v10 =	vmax.f32 v10, v19;
	v14 =	vld [tilespmem:s24+$0x20]  }
0xee: {  	v19 =	vld [tilespmem:s15+$0xFFFFFEE0];
	v4 =	vmax.f32 v4, v22;
	v22 =	vmul.f32 $2.000000030e-01, v17;
	v13 =	vadd.f32 v20, v13  }
0xef: {  	v10 =	vmul.f32 $1.442695020e+00, v10;
	v20 =	vmul.f32 $1.442695020e+00, v4;
	v23 =	vld.idx.msk [tilespmem:v7+s29+$0x0], $0xffff  }
0xf0: {  	v4 =	vmax.f32 v17, v22;
	v7 =	vmul.f32 $2.000000030e-01, v13;
	v16 =	vadd.f32 v21, v16;
	v22 =	vld.idx.msk [tilespmem:v8+s29+$0x0], $0xffff  }
0xf1: {  	s26 =	sadd.s32 $0x80, s26;
	v8 =	vmul.f32 $1.442695020e+00, v4;
	(erf) = vpow2.f32 v10;
	v24 =	vld.idx.msk [tilespmem:v6+s29+$0x0], $0xffff  }
0xf2: {  	s17 =	sadd.s32 $0xFFFFFF90, s26;
	s10 =	sadd.s32 $0xFFFFFFA0, s26;
	s11 =	sadd.s32 $0xFFFFFFB0, s26;
	v4 =	vmax.f32 v13, v7;
	v6 =	vmul.f32 $2.000000030e-01, v16;
	v7 =	vadd.f32 v14, v18;
	v10 =	vld.idx.msk [tilespmem:v9+s29+$0x0], $0xffff  }
0xf3: {  	s8 =	sadd.s32 $0xFFFFFFC0, s26;
	s9 =	sadd.s32 $0xFFFFFFD0, s26;
	s6 =	sadd.s32 $0xFFFFFFE0, s26;
	v14 =	vor.u32 s26, v0;
	v9 =	vadd.f32 v15, v19;
	v13 =	vmul.f32 $1.442695020e+00, v4;
	v4 =	vld.idx.msk [tilespmem:v5+s29+$0x0], $0xffff  }
0xf4: {  	s3 =	sadd.s32 $0xFFFFFFF0, s26;
	s25 =	sadd.s32 $0x240, s25;
	v5 =	vmax.f32 v16, v6;
	v6 =	vmul.f32 $2.000000030e-01, v7;
	(erf) = vpow2.f32 v20;
	v25 =	vld [tilespmem:s23+$0xFFFFFF18]  }
0xf5: {  	v26 =	vor.u32 s17, v0;
	v15 =	vmul.f32 $2.000000030e-01, v9;
	v5 =	vmul.f32 $1.442695020e+00, v5;
	v16 =	vpop (erf);
	v27 =	vld [tilespmem:s23+$0xFFFFFFF0]  }
0xf6: {  	s28 =	sadd.s32 $0x80, s28;
	v17 =	vor.u32 s10, v0;
	v6 =	vmax.f32 v7, v6;
	[tilespmem:s25+$0xD8] =	vst v16;
	(erf) = vpow2.f32 v8;
	v28 =	vld [tilespmem:s23+$0xFFFFFF60]  }
0xf7: {  	v7 =	vmax.f32 v9, v15;
	v15 =	vmul.f32 $1.442695020e+00, v6;
	[tilespmem:s28+$0x30] =	vst v16;
	(erf) = vpow2.f32 v13;
	v29 =	vld [tilespmem:s23+$0xFFFFFFA8]  }
0xf8: {  	v8 =	vor.u32 s11, v0;
	v7 =	vmul.f32 $1.442695020e+00, v7;
	v9 =	vld.idx.msk [tilespmem:v14+s29+$0x0], $0xffff;
	(erf) = vpow2.f32 v5  }
0xf9: {  	v30 =	vor.u32 s8, v0;
	v31 =	vor.u32 s9, v0;
	v5 =	vld [tilespmem:s15+$0xE0];
	(erf) = vpow2.f32 v15  }
0xfa: {  	v32 =	vor.u32 s6, v0;
	v33 =	vor.u32 s3, v0;
	(erf) = vpow2.f32 v7;
	v6 =	vpop (erf);
	v34 =	vld [tilespmem:s23+$0x38]  }
0xfb: {  	v35 =	vor.u32 s17, v1;
	v36 =	vor.u32 s10, v1;
	v37 =	vor.u32 s11, v1;
	[tilespmem:s25+$0xFFFFFF28] =	vst v6  }
0xfc: {  	v38 =	vor.u32 s8, v1;
	v39 =	vor.u32 s9, v1;
	[tilespmem:s28+$0xFFFFFFD0] =	vst v6;
	v6 =	vor.u32 s26, v1  }
0xfd: {  	v41 =	vor.u32 s6, v1;
	v42 =	vor.u32 s3, v1;
	v18 =	vor.u32 s17, v2;
	v40 =	vld.idx.msk [tilespmem:v17+s29+$0x0], $0xffff;
	v7 =	vpop (erf)  }
0xfe: {  	v21 =	vor.u32 s10, v2;
	v19 =	vor.u32 s11, v2;
	v43 =	vld [tilespmem:s15+$0xFFFFFF30];
	[tilespmem:s25+$0xFFFFFF70] =	vst v7;
	v9 =	vmul.f32 v5, v9  }
0xff: {  	v20 =	vor.u32 s8, v2;
	v15 =	vor.u32 s6, v2;
	v17 =	vor.u32 s9, v2;
	[tilespmem:s28+$0xFFFFFFE0] =	vst v7;
	v44 =	vpop (erf)  }
0x100: {  	v13 =	vor.u32 s17, v3;
	v16 =	vor.u32 s3, v2;
	v5 =	vor.u32 s3, v3;
	v45 =	vld.idx.msk [tilespmem:v8+s29+$0x0], $0xffff;
	[tilespmem:s25+$0xE0] =	vst v9;
	v46 =	vpop (erf)  }
0x101: {  	v14 =	vor.u32 s10, v3;
	v12 =	vmul.f32 v25, v12;
	v7 =	vor.u32 s11, v3;
	[tilespmem:s25+$0xFFFFFFB8] =	vst v44;
	v47 =	vld.idx.msk [tilespmem:v6+s29+$0x0], $0xffff;
	v48 =	vpop (erf)  }
0x102: {  	v11 =	vmul.f32 v28, v11;
	v8 =	vor.u32 s8, v3;
	v6 =	vor.u32 s9, v3;
	[tilespmem:s28+$0xFFFFFFF0] =	vst v44;
	v25 =	vld [tilespmem:s15+$0xF0];
	v44 =	vpop (erf)  }
0x103: {  	v23 =	vmul.f32 v29, v23;
	v9 =	vor.u32 s6, v3;
	v28 =	vmul.f32 v43, v40;
	v30 =	vld.idx.msk [tilespmem:v30+s29+$0x0], $0xffff;
	[tilespmem:s25+$0x0] =	vst v46;
	v40 =	vpop (erf)  }
0x104: {  	v22 =	vmul.f32 v27, v22;
	v24 =	vmul.f32 v34, v24;
	[tilespmem:s25+$0xFFFFFEE0] =	vst v40;
	v29 =	vld [tilespmem:s15+$0xFFFFFF78]  }
0x105: {  	v34 =	vor.u32 s26, v2;
	[tilespmem:s28+$0xFFFFFFC0] =	vst v40;
	v27 =	vld [tilespmem:s15+$0xFFFFFFC0]  }
0x106: {  	v26 =	vld.idx.msk [tilespmem:v26+s29+$0x0], $0xffff;
	[tilespmem:s28+$0x0] =	vst v46  }
0x107: {  	v31 =	vld.idx.msk [tilespmem:v31+s29+$0x0], $0xffff;
	[tilespmem:s25+$0x48] =	vst v48;
	v25 =	vmul.f32 v25, v47  }
0x108: {  	v40 =	vld [tilespmem:s15+$0xFFFFFEE8];
	[tilespmem:s28+$0x10] =	vst v48  }
0x109: {  	v29 =	vmul.f32 v29, v45;
	v32 =	vld.idx.msk [tilespmem:v32+s29+$0x0], $0xffff;
	[tilespmem:s25+$0xF0] =	vst v25  }
0x10a: {  	v25 =	vmul.f32 v27, v30;
	[tilespmem:s25+$0x90] =	vst v44;
	v27 =	vld.idx.msk [tilespmem:v34+s29+$0x0], $0xffff  }
0x10b: {  	[tilespmem:s28+$0x20] =	vst v44;
	v30 =	vld [tilespmem:s15+$0x100]  }
0x10c: {  	[tilespmem:s25+$0xFFFFFF30] =	vst v28;
	v28 =	vld.idx.msk [tilespmem:v33+s29+$0x0], $0xffff  }
0x10d: {  	v26 =	vmul.f32 v40, v26;
	[tilespmem:s25+$0xFFFFFF78] =	vst v29;
	v29 =	vld [tilespmem:s15+$0x8]  }
0x10e: {  	v33 =	vor.u32 s26, v3;
	[tilespmem:s25+$0xFFFFFFC0] =	vst v25;
	v25 =	vld [tilespmem:s15+$0x50]  }
0x10f: {  	[tilespmem:s25+$0xFFFFFEE8] =	vst v26;
	v26 =	vld [tilespmem:s15+$0x98]  }
0x110: {  	v34 =	vld.idx.msk [tilespmem:v35+s29+$0x0], $0xffff;
	v27 =	vmul.f32 v30, v27;
	[tilespmem:s22+$0xFFFFFF18] =	vst v12  }
0x111: {  	v12 =	vld.idx.msk [tilespmem:v36+s29+$0x0], $0xffff;
	[tilespmem:s22+$0xFFFFFF60] =	vst v11  }
0x112: {  	v11 =	vld.idx.msk [tilespmem:v37+s29+$0x0], $0xffff;
	v29 =	vmul.f32 v29, v31;
	[tilespmem:s25+$0x100] =	vst v27  }
0x113: {  	v25 =	vmul.f32 v25, v32;
	v27 =	vld.idx.msk [tilespmem:v33+s29+$0x0], $0xffff;
	[tilespmem:s22+$0xFFFFFFA8] =	vst v23  }
0x114: {  	[tilespmem:s25+$0x8] =	vst v29;
	v23 =	vmul.f32 v26, v28;
	v26 =	vld [tilespmem:s15+$0x110]  }
0x115: {  	v28 =	vld.idx.msk [tilespmem:v38+s29+$0x0], $0xffff;
	[tilespmem:s25+$0x50] =	vst v25  }
0x116: {  	v25 =	vld.idx.msk [tilespmem:v39+s29+$0x0], $0xffff;
	[tilespmem:s25+$0x98] =	vst v23  }
0x117: {  	v23 =	vld.idx.msk [tilespmem:v41+s29+$0x0], $0xffff;
	[tilespmem:s22+$0xFFFFFFF0] =	vst v22  }
0x118: {  	v22 =	vld.idx.msk [tilespmem:v42+s29+$0x0], $0xffff;
	[tilespmem:s22+$0x38] =	vst v24  }
0x119: {  	v24 =	vld [tilespmem:s15+$0xFFFFFEF8];
	v26 =	vmul.f32 v26, v27  }
0x11a: {  	v27 =	vld [tilespmem:s15+$0xFFFFFF40]  }
0x11b: {  	v29 =	vld [tilespmem:s15+$0xFFFFFF88];
	[tilespmem:s25+$0x110] =	vst v26  }
0x11c: {  	v26 =	vld [tilespmem:s15+$0xFFFFFFD0]  }
0x11d: {  	v30 =	vld [tilespmem:s15+$0x18]  }
0x11e: {  	v24 =	vmul.f32 v24, v34;
	v31 =	vld [tilespmem:s15+$0x60]  }
0x11f: {  	v12 =	vmul.f32 v27, v12;
	v27 =	vld [tilespmem:s15+$0xA8]  }
0x120: {  	[tilespmem:s25+$0xFFFFFEF8] =	vst v24;
	v11 =	vmul.f32 v29, v11;
	v24 =	vld [tilespmem:s23+$0x80]  }
0x121: {  	v29 =	vld.idx.msk [tilespmem:v18+s29+$0x0], $0xffff;
	[tilespmem:s25+$0xFFFFFF40] =	vst v12;
	v12 =	vmul.f32 v26, v28  }
0x122: {  	v21 =	vld.idx.msk [tilespmem:v21+s29+$0x0], $0xffff;
	[tilespmem:s25+$0xFFFFFF88] =	vst v11;
	v11 =	vmul.f32 v30, v25  }
0x123: {  	v19 =	vld.idx.msk [tilespmem:v19+s29+$0x0], $0xffff;
	[tilespmem:s25+$0xFFFFFFD0] =	vst v12;
	v12 =	vmul.f32 v31, v23  }
0x124: {  	v20 =	vld.idx.msk [tilespmem:v20+s29+$0x0], $0xffff;
	[tilespmem:s25+$0x18] =	vst v11;
	v11 =	vmul.f32 v27, v22  }
0x125: {  	v22 =	vld.idx.msk [tilespmem:v17+s29+$0x0], $0xffff;
	[tilespmem:s25+$0x60] =	vst v12;
	v10 =	vmul.f32 v24, v10  }
0x126: {  	v18 =	vld.idx.msk [tilespmem:v15+s29+$0x0], $0xffff;
	[tilespmem:s25+$0xA8] =	vst v11  }
0x127: {  	v16 =	vld.idx.msk [tilespmem:v16+s29+$0x0], $0xffff;
	[tilespmem:s22+$0x80] =	vst v10  }
0x128: {  	v10 =	vld [tilespmem:s15+$0xFFFFFF08]  }
0x129: {  	v11 =	vld [tilespmem:s15+$0xFFFFFF50]  }
0x12a: {  	v12 =	vld [tilespmem:s15+$0xFFFFFF98]  }
0x12b: {  	v23 =	vld [tilespmem:s15+$0xFFFFFFE0]  }
0x12c: {  	v24 =	vld [tilespmem:s15+$0x28]  }
.Ltmp0:
0x12d: {  	v10 =	vmul.f32 v10, v29;
	v17 =	vld [tilespmem:s15+$0x70];
	(pc) =	sbr.rel @p0 .LBB2_3-.Ltmp0, $4  }
0x12e: {  	v11 =	vmul.f32 v11, v21;
	v15 =	vld [tilespmem:s15+$0xB8]  }
0x12f: {  	[tilespmem:s25+$0xFFFFFF08] =	vst v10;
	v21 =	vmul.f32 v12, v19;
	v10 =	vld [tilespmem:s23+$0xC8];
	s23 =	smov.u32 s15  }
0x130: {  	v12 =	vld.idx.msk [tilespmem:v13+s29+$0x0], $0xffff;
	[tilespmem:s25+$0xFFFFFF50] =	vst v11;
	v19 =	vmul.f32 v23, v20  }
0x131: {  	s15 =	sadd.s32 $0x240, s15;
	v11 =	vld.idx.msk [tilespmem:v14+s29+$0x0], $0xffff;
	[tilespmem:s25+$0xFFFFFF98] =	vst v21;
	v13 =	vmul.f32 v24, v22  }
0x132: {  	_ =	sdelay $0x3  }
0x133: {  	v7 =	vld.idx.msk [tilespmem:v7+s29+$0x0], $0xffff  }
0x134: {  	v56 =	vld [tilespmem:s23+$0xFFFFFF18]  }
0x135: {  	v57 =	vld [tilespmem:s23+$0xFFFFFF60]  }
0x136: {  	[tilespmem:s25+$0xFFFFFFE0] =	vst v19;
	v58 =	vld [tilespmem:s23+$0xFFFFFFA8]  }
0x137: {  	v8 =	vld.idx.msk [tilespmem:v8+s29+$0x0], $0xffff  }
0x138: {  	v14 =	vmul.f32 v17, v18;
	[tilespmem:s25+$0x28] =	vst v13;
	v59 =	vld [tilespmem:s23+$0xFFFFFFF0]  }
0x139: {  	v6 =	vld.idx.msk [tilespmem:v6+s29+$0x0], $0xffff  }
0x13a: {  	v55 =	vmul.f32 v15, v16;
	[tilespmem:s25+$0x70] =	vst v14;
	v60 =	vld [tilespmem:s23+$0x38]  }
0x13b: {  	v9 =	vld.idx.msk [tilespmem:v9+s29+$0x0], $0xffff  }
0x13c: {  	v4 =	vmul.f32 v10, v4;
	[tilespmem:s25+$0xB8] =	vst v55;
	v61 =	vld [tilespmem:s23+$0x80]  }
0x13d: {  	v5 =	vld.idx.msk [tilespmem:v5+s29+$0x0], $0xffff;
	v12 =	vmul.f32 v56, v12  }
0x13e: {  	[tilespmem:s22+$0xC8] =	vst v4;
	v62 =	vld [tilespmem:s23+$0xC8];
	v4 =	vmul.f32 v57, v11  }
0x13f: {  	v7 =	vmul.f32 v58, v7;
	[tilespmem:s25+$0xFFFFFF18] =	vst v12  }
0x140: {  	s6 =	smul.u32 $0x140, s20;
	s20 =	sadd.s32 $0x1, s20;
	v8 =	vmul.f32 v59, v8;
	[tilespmem:s25+$0xFFFFFF60] =	vst v4  }
0x141: {  	s3 =	smul.u32 $0x5A00, s21;
	p0 =	sne.s32 s20, $0x7D;
	v4 =	vmul.f32 v60, v6;
	[tilespmem:s25+$0xFFFFFFA8] =	vst v7  }
.Ltmp1:
0x142: {  	[tilespmem:s25+$0xFFFFFFF0] =	vst v8;
	v63 =	vmul.f32 v61, v9;
	(pc) =	sbr.rel @p0 .LBB2_2-.Ltmp1, $4  }
0x143: {  	[tilespmem:s25+$0x38] =	vst v4;
	v4 =	vmul.f32 v62, v5  }
0x144: {  	s8 =	sadd.s32 $0x9, s21;
	s3 =	sshrl.u32 s3, $0x2;
	s6 =	sshra.s32 s6, $0x2;
	[tilespmem:s25+$0x80] =	vst v63  }
0x145: {  	s19 =	sadd.s32 $0x1, s19;
	s3 =	sadd.s32 $0xBC20, s3;
	s6 =	sadd.s32 $0x2710, s6;
	[tilespmem:s25+$0xC8] =	vst v4  }
0x146: {  	[spmem:s2] =	stream.indirect.scatter.add.f32 [tilespmem:s3], [sflag:s8], $0x48, s6, s18, $0xb8;
	[tilespmem:$0x1CAE8] =	vst v63  }
0x147: {  	_ =	swait.ge [sflag:s14], $0x1680  }
0x148: {  	[sflag:s14] =	ssyncset.done $0x0  }
0x149: {  	[sflag:s14] =	ssyncadd.s32 $0xFFFFE980  }
0x14a: {  	_ =	swait.ge [sflag:s30], $0x1680  }
0x14b: {  	[sflag:s30] =	ssyncset.done $0x0  }
0x14c: {  	[sflag:s30] =	ssyncadd.s32 $0xFFFFE980  }
0x14d: {  	_ =	swait.ge [sflag:s31], $0x1680  }
0x14e: {  	[sflag:s31] =	ssyncset.done $0x0  }
0x14f: {  	[sflag:s31] =	ssyncadd.s32 $0xFFFFE980  }
0x150: {  	_ =	swait.ge [sflag:s1], $0x1680  }
0x151: {  	[sflag:s1] =	ssyncset.done $0x0  }
0x152: {  	[sflag:s1] =	ssyncadd.s32 $0xFFFFE980  }
0x153: {  	[bflag:$0x0] =	sbarrier.arrive $0xFFFF  }
0x154: {  	s6 =	simm.s32 $0x1;
	s8 =	simm.s32 $0x10;
	s3 =	rddreg [dreg:$0x7]  }
0x155: {  	[hbm:s3@s8], [sflag:s7] =	dma.strided [spmem:s12@s14], $0x1680, s6, $0x9   }
0x156: {  	_ =	swait.ge [sflag:s16], $0x1680  }
0x157: {  	s0 =	sadd.s32 $0x1, s0;
	s28 =	rddreg [dreg:$0x8]  }
0x158: {  	p0 =	sne.s32 s0, s28  }
.Ltmp2:
0x159: {  	_ = 	snop;
	(pc) =	sbr.rel @p0 .LBB2_1-.Ltmp2, $3  }
0x15a: {  	_ =	sdelay $0x1  }
0x15b: {  	[sflag:s16] =	ssyncset.done $0x0  }
0x15c: {  	[sflag:s16] =	ssyncadd.s32 $0xFFFFE980  }
0x15d: {  	_ =	sfence.sel $0x180000  }
0x15e: {  	[bflag:$0x0] =	sbarrier.arrive $0xFFFF  }
0x15f: {  	_ =	strace $0x90000047  }
0x160: {  	s0 =	stileid.u32;
	[bflag:$0x2] =	sbarrier.arrive $0xFFFF  }
0x161: {  	p0 =	sne.s32 s0, $0x0;
	s0 =	rddreg [dreg:$0x3]  }
0x162: {  	s0 =	sadd.s32 @!p0 $0x100000, s0  }
0x163: {  	[sflag:s0] =	ssyncadd.tile.s32 @!p0 $0x1;
	_ =	shalt  }
.Lfunc_end2:
_tile_overlayer_lowered:
.L_overlay_start_2:
0x164: {  	(tag) =	ssettag $0x2  }
0x165: {  	s0 =	rddreg [dreg:$0x0];
	s2 =	stileid.u32  }
0x166: {  	s1 =	rddreg [dreg:$0x1];
	p0 =	sne.s32 s2, $0x0  }
0x167: {  	s3 =	rddreg [dreg:$0x2];
	[bflag:$0x3] =	sbarrier.arrive $0xFFFF;
	s2 =	simm.s32 @!p0 $0x1C0D  }
0x168: {  	[timem:s3], [sflag:s2] =	dma.local @!p0 [hbm:s0], s1  }
0x169: {  	s0 =	simm.s32 @!p0 $0xD  }
0x16a: {  	_ =	swait.ge @!p0 [sflag:s0], s1  }
0x16b: {  	s1 =	ssub.s32 @!p0 $0x0, s1;
	[sflag:s0] =	ssyncset.done @!p0 $0x0  }
0x16c: {  	[sflag:s0] =	ssyncadd.s32 @!p0 s1  }
0x16d: {  	[bflag:$0x3] =	sbarrier.arrive $0xFFFF  }
0x16e: {  	_ =	shalt  }

</sc_bundles>
